<compile_context>
chip_gen: v7x
topology: tpu7x:2x2x1
jax: 0.10.2.dev20260603
libtpu: 0.0.44.dev20260713+nightly
codegen_flags: <defaults>
</compile_context>

<pallas_src>
import jax
import jax.numpy as jnp
from jax import lax
from jax.experimental import pallas as pl
from jax.experimental.pallas import tpu as pltpu
from jax.experimental.pallas import tpu_sc as plsc

NP = 51200
RPT = NP // 16
NT = 16
NC = 2
CH = 128
K = 8
TW = 8
PN = 128 // TW


def _mesh():
    return plsc.VectorSubcoreMesh(core_axis_name="c", subcore_axis_name="s")


def _deg_kernel_body(nch):
    def body(dst_hbm, zeros_hbm, deg_out, slab, ones, acc, sem):
        c = lax.axis_index("c")
        s = lax.axis_index("s")
        wid = c * NT + s
        pltpu.sync_copy(dst_hbm.at[wid], slab)

        def fill(i, carry):
            ones[pl.ds(i * 16, 16)] = jnp.full((16,), 1.0, jnp.float32)
            return carry
        lax.fori_loop(0, CH // 16, fill, 0)

        pltpu.sync_copy(zeros_hbm.at[pl.ds(s * RPT, RPT)],
                        acc.at[pl.ds(s * RPT, RPT)])
        plsc.subcore_barrier()

        def group(gi, carry):
            descs = []
            for b in range(K):
                d = pltpu.async_copy(ones, acc.at[slab.at[gi * K + b]],
                                     sem, add=True)
                descs.append(d)
            for d in descs:
                d.wait()
            return carry
        lax.fori_loop(0, nch // K, group, 0)

        plsc.subcore_barrier()
        pltpu.sync_copy(acc.at[pl.ds(s * RPT, RPT)],
                        deg_out.at[pl.ds(c * NP + s * RPT, RPT)])
    return body


def _edge_kernel_body(nch):
    ngroups = nch // K
    assert ngroups % 2 == 0

    def body(src_hbm, dst_hbm, table_hbm, zeros_hbm, s_out,
             sbuf, dbuf, rows, acc, isem, gsem, ssem0, ssem1):
        c = lax.axis_index("c")
        s = lax.axis_index("s")
        wid = c * NT + s
        ssems = (ssem0, ssem1)
        pltpu.sync_copy(zeros_hbm.at[pl.ds(s * RPT, RPT)],
                        acc.at[pl.ds(s * RPT, RPT)])
        plsc.subcore_barrier()

        def fetch_idx(g, ib):
            pltpu.async_copy(src_hbm.at[wid, pl.ds(g * K, K)],
                             sbuf.at[ib], isem)
            pltpu.async_copy(dst_hbm.at[wid, pl.ds(g * K, K)],
                             dbuf.at[ib], isem)

        def wait_idx(ib):
            pltpu.make_async_copy(src_hbm.at[wid, pl.ds(0, K)],
                                  sbuf.at[ib], isem).wait()
            pltpu.make_async_copy(dst_hbm.at[wid, pl.ds(0, K)],
                                  dbuf.at[ib], isem).wait()

        def drain_bank(slot, ib):
            for k in range(K):
                pltpu.make_async_copy(rows.at[slot, k],
                                      acc.at[dbuf.at[ib, k]],
                                      ssems[slot]).wait()

        fetch_idx(0, 0)

        def outer(g2, carry):
            for slot in range(2):
                g = g2 * 2 + slot
                ib = lax.rem(g, 4)
                wait_idx(ib)

                @pl.when(g + 1 < ngroups)
                def _():
                    fetch_idx(g + 1, lax.rem(g + 1, 4))

                @pl.when(g2 >= 1)
                def _():
                    drain_bank(slot, ib)

                gdescs = []
                for k in range(K):
                    d = pltpu.async_copy(table_hbm.at[sbuf.at[ib, k]],
                                         rows.at[slot, k], gsem)
                    gdescs.append(d)
                for k in range(K):
                    gdescs[k].wait()
                    pltpu.async_copy(rows.at[slot, k],
                                     acc.at[dbuf.at[ib, k]],
                                     ssems[slot], add=True)
            return carry
        lax.fori_loop(0, ngroups // 2, outer, 0)
        for slot in range(2):
            drain_bank(slot, slot)

        plsc.subcore_barrier()
        pltpu.sync_copy(acc.at[pl.ds(s * RPT, RPT)],
                        s_out.at[pl.ds(c * NP + s * RPT, RPT)])
    return body


def _pack(v):
    r = v.shape[0]
    y = v.reshape(r // PN, PN, TW)
    return jnp.concatenate([y[:, a, :] for a in range(PN)], axis=1)


def _matmul_tc_kernel(xu_ref, xi_ref, w_ref, h_ref):
    for c, xref in enumerate((xu_ref, xi_ref)):
        h = lax.dot_general(xref[...], w_ref[c], (((0,), (0,)), ((), ())),
                            preferred_element_type=jnp.float32)
        h_ref[c] = _pack(h)


def _scale_tc_kernel(h_ref, deg_ref, g_ref, d_ref):
    qq = lax.broadcasted_iota(jnp.int32, (PN, 128), 0)
    ll = lax.broadcasted_iota(jnp.int32, (PN, 128), 1)
    emat = (ll // TW == qq).astype(jnp.float32)
    for c in range(NC):
        dinv = lax.rsqrt(deg_ref[c] + 1.0)
        dp = lax.dot(dinv, emat, precision=lax.Precision.HIGHEST)
        g_ref[c] = h_ref[c] * dp
        d_ref[c] = dp


def _decode_tc_kernel(g_ref, s_ref, d_ref, b_ref, o_ref):
    grp = lax.broadcasted_iota(jnp.int32, (128, PN), 0)
    gcol = lax.broadcasted_iota(jnp.int32, (128, PN), 1)
    ssum = (grp // TW == gcol).astype(jnp.float32)

    def branch(c):
        bt = jnp.concatenate([b_ref[c]] * PN)
        return jnp.tanh(d_ref[c] * (s_ref[c] + g_ref[c]) + bt[None, :])
    prod = branch(0) * branch(1)
    rs = lax.dot(prod, ssum,
                 precision=lax.Precision.HIGHEST)
    z = rs.reshape(rs.shape[0] // TW, TW, PN)
    o_ref[...] = jnp.concatenate([z[:, a, :] for a in range(TW)], axis=1)


def kernel(x_user, adj_user, x_item, adj_item, W_user, b_user, W_item, b_item):
    n, d_in = x_user.shape
    e = adj_user.shape[1]
    nch = -(-e // (NT * CH))
    nch = -(-nch // (2 * K)) * (2 * K)
    ept = nch * CH
    pad = NT * ept - e

    def prep(adj, offset):
        src = adj[0].astype(jnp.int32) + offset
        dst = adj[1].astype(jnp.int32)
        src = jnp.concatenate(
            [src, jnp.full((pad,), offset + n, jnp.int32)])
        dst = jnp.concatenate([dst, jnp.full((pad,), n, jnp.int32)])
        return src.reshape(NT, nch, CH), dst.reshape(NT, nch, CH)

    su, du = prep(adj_user, 0)
    si, di = prep(adj_item, NP)
    src_all = jnp.concatenate([su, si], axis=0)
    dst_all = jnp.concatenate([du, di], axis=0)

    zeros1 = jnp.zeros((NP,), jnp.float32)
    zeros2 = jnp.zeros((NP, TW), jnp.float32)

    deg_kernel = pl.kernel(
        _deg_kernel_body(nch),
        out_type=jax.ShapeDtypeStruct((NC * NP,), jnp.float32),
        mesh=_mesh(),
        scratch_types=[
            pltpu.VMEM((nch, CH), jnp.int32),
            pltpu.VMEM((CH,), jnp.float32),
            pltpu.VMEM_SHARED((NP,), jnp.float32),
            pltpu.SemaphoreType.DMA,
        ],
        compiler_params=pltpu.CompilerParams(use_tc_tiling_on_sc=False),
    )
    deg = deg_kernel(dst_all, zeros1)

    colpad = jnp.zeros((d_in, NP - n), jnp.float32)
    xu_t = jnp.concatenate([x_user.T, colpad], axis=1)
    xi_t = jnp.concatenate([x_item.T, colpad], axis=1)
    w_all = jnp.stack([W_user, W_item])

    BR = 2048
    nb = NP // BR
    pr = NP * TW // 128
    bpr = BR * TW // 128
    h_all = pl.pallas_call(
        _matmul_tc_kernel,
        grid=(nb,),
        in_specs=[
            pl.BlockSpec((d_in, BR), lambda i: (0, i)),
            pl.BlockSpec((d_in, BR), lambda i: (0, i)),
            pl.BlockSpec((NC, d_in, 8), lambda i: (0, 0, 0)),
        ],
        out_specs=pl.BlockSpec((NC, bpr, 128), lambda i: (0, i, 0)),
        out_shape=jax.ShapeDtypeStruct((NC, pr, 128), jnp.float32),
    )(xu_t, xi_t, w_all)

    deg3 = deg.reshape(NC, pr, PN)
    g_all, d_all = pl.pallas_call(
        _scale_tc_kernel,
        grid=(nb,),
        in_specs=[
            pl.BlockSpec((NC, bpr, 128), lambda i: (0, i, 0)),
            pl.BlockSpec((NC, bpr, PN), lambda i: (0, i, 0)),
        ],
        out_specs=[
            pl.BlockSpec((NC, bpr, 128), lambda i: (0, i, 0)),
            pl.BlockSpec((NC, bpr, 128), lambda i: (0, i, 0)),
        ],
        out_shape=[
            jax.ShapeDtypeStruct((NC, pr, 128), jnp.float32),
            jax.ShapeDtypeStruct((NC, pr, 128), jnp.float32),
        ],
    )(h_all, deg3)

    table = g_all.reshape(NC * NP, TW)

    edge_kernel = pl.kernel(
        _edge_kernel_body(nch),
        out_type=jax.ShapeDtypeStruct((NC * NP, TW), jnp.float32),
        mesh=_mesh(),
        scratch_types=[
            pltpu.VMEM((4, K, CH), jnp.int32),
            pltpu.VMEM((4, K, CH), jnp.int32),
            pltpu.VMEM((2, K, CH, TW), jnp.float32),
            pltpu.VMEM_SHARED((NP, TW), jnp.float32),
            pltpu.SemaphoreType.DMA,
            pltpu.SemaphoreType.DMA,
            pltpu.SemaphoreType.DMA,
            pltpu.SemaphoreType.DMA,
        ],
        compiler_params=pltpu.CompilerParams(use_tc_tiling_on_sc=False),
    )
    s_acc = edge_kernel(src_all, dst_all, table, zeros2)

    b_all = jnp.stack([b_user, b_item])
    score = pl.pallas_call(
        _decode_tc_kernel,
        grid=(nb,),
        in_specs=[
            pl.BlockSpec((NC, bpr, 128), lambda i: (0, i, 0)),
            pl.BlockSpec((NC, bpr, 128), lambda i: (0, i, 0)),
            pl.BlockSpec((NC, bpr, 128), lambda i: (0, i, 0)),
            pl.BlockSpec((NC, 8), lambda i: (0, 0)),
        ],
        out_specs=pl.BlockSpec((BR // 128, 128), lambda i: (i, 0)),
        out_shape=jax.ShapeDtypeStruct((NP // 128, 128), jnp.float32),
    )(g_all, s_acc.reshape(NC, pr, 128), d_all, b_all)

    return score.reshape(NP)[:n]

# --- scband reference (transcript-rebuilt; emitter-appended) ---
"""Pipeline reference for scband-rec-gcn-12000138625507 (READ-ONLY COPY).

The authoritative reference and input builder live on the scoring server;
editing this copy changes nothing except your own understanding.
"""

import jax, jax.numpy as jnp
import numpy as np

N = 50000
E = 800000
D_IN = 100
D_OUT = 8


def setup_inputs(seed: int = 0) -> dict:
    key = jax.random.key(seed)
    ks = jax.random.split(key, 8)
    x_user = jax.random.normal(ks[0], (N, D_IN), dtype=jnp.float32)
    x_item = jax.random.normal(ks[1], (N, D_IN), dtype=jnp.float32)
    adj_user = jax.random.randint(ks[2], (2, E), 0, N, dtype=jnp.int64)
    adj_item = jax.random.randint(ks[3], (2, E), 0, N, dtype=jnp.int64)
    # GCNConv params (glorot-ish init)
    scale = float(np.sqrt(6.0 / (D_IN + D_OUT)))
    W_user = jax.random.uniform(ks[4], (D_IN, D_OUT), dtype=jnp.float32, minval=-scale, maxval=scale)
    W_item = jax.random.uniform(ks[5], (D_IN, D_OUT), dtype=jnp.float32, minval=-scale, maxval=scale)
    b_user = jnp.zeros((D_OUT,), dtype=jnp.float32)
    b_item = jnp.zeros((D_OUT,), dtype=jnp.float32)
    return {"x_user": x_user, "adj_user": adj_user, "x_item": x_item, "adj_item": adj_item,
            "W_user": W_user, "b_user": b_user, "W_item": W_item, "b_item": b_item}


def gcn_conv(x, edge_index, W, b, n):
    # Faithful PyG GCNConv: add self-loops, symmetric normalization, linear, scatter-add, bias
    src = edge_index[0]
    dst = edge_index[1]
    loop = jnp.arange(n, dtype=edge_index.dtype)
    src = jnp.concatenate([src, loop])
    dst = jnp.concatenate([dst, loop])
    deg = jnp.zeros((n,), dtype=x.dtype).at[dst].add(1.0)
    deg_inv_sqrt = jnp.where(deg > 0, jax.lax.rsqrt(jnp.maximum(deg, 1e-12)), 0.0)
    norm = deg_inv_sqrt[src] * deg_inv_sqrt[dst]
    h = x @ W
    msg = h[src] * norm[:, None]
    out = jnp.zeros((n, W.shape[1]), dtype=x.dtype).at[dst].add(msg)
    return out + b


def reference(x_user, adj_user, x_item, adj_item, W_user, b_user, W_item, b_item):
    user = jnp.tanh(gcn_conv(x_user, adj_user, W_user, b_user, N))
    item = jnp.tanh(gcn_conv(x_item, adj_item, W_item, b_item, N))
    score = jnp.sum(user * item, axis=1)
    return score

if __name__ == "__main__":
    import jax
    _d = setup_inputs()
    print(jax.jit(kernel)(*tuple(_d.values())))

</pallas_src>

<mosaic_0001>
#map = affine_map<(d0, d1) -> (0, 0, 0)>
#map1 = affine_map<(d0, d1) -> (0, 0)>
module attributes {stable_mosaic.version = 14 : i64} {
  func.func @body(%arg0: i32, %arg1: i32, %arg2: memref<32x400x128xi32, #tpu.memory_space<hbm>>, %arg3: memref<32x400x128xi32, #tpu.memory_space<hbm>>, %arg4: memref<102400x8xf32, #tpu.memory_space<hbm>>, %arg5: memref<51200x8xf32, #tpu.memory_space<hbm>>, %arg6: memref<102400x8xf32, #tpu.memory_space<hbm>>, %arg7: memref<4x8x128xi32, #tpu.memory_space<vmem>>, %arg8: memref<4x8x128xi32, #tpu.memory_space<vmem>>, %arg9: memref<2x8x128x8xf32, #tpu.memory_space<vmem>>, %arg10: memref<51200x8xf32, #tpu.memory_space<vmem_shared>>, %arg11: memref<!tpu.dma_semaphore, #tpu.memory_space<semaphore_mem>>, %arg12: memref<!tpu.dma_semaphore, #tpu.memory_space<semaphore_mem>>, %arg13: memref<!tpu.dma_semaphore, #tpu.memory_space<semaphore_mem>>, %arg14: memref<!tpu.dma_semaphore, #tpu.memory_space<semaphore_mem>>) attributes {dimension_semantics = [#tpu.dimension_semantics<core_parallel>, #tpu.dimension_semantics<subcore_parallel>], iteration_bounds = array<i64: 2, 16>, scalar_prefetch = 0 : i64, scratch_operands = 8 : i64, tpu.core_type = #tpu.core_type<sc_vector_subcore>, window_params = [{transform_indices = #map}, {transform_indices = #map}, {transform_indices = #map1}, {transform_indices = #map1}, {transform_indices = #map1}]} {
    %mul3A = arith.constant 16 : i32
    %mul3A_0 = arith.muli %arg0, %mul3A : i32
    %add3A = arith.addi %mul3A_0, %arg1 : i32
    %mul3A_1 = arith.constant 3200 : i32
    %mul3A_2 = arith.muli %arg1, %mul3A_1 : i32
    %mul3A_3 = arith.constant 3200 : i32
    %mul3A_4 = arith.muli %arg1, %mul3A_3 : i32
    "tpu.region"() ({
      %run_scoped3A = tpu.sem_alloc : memref<!tpu.dma_semaphore, #tpu.memory_space<semaphore_mem>>
      %dma_start3A_274 = arith.constant 0 : i32
      %dma_start3A_275 = tpu.memref_slice %arg10[%mul3A_4, %dma_start3A_274] : memref<51200x8xf32, #tpu.memory_space<vmem_shared>> -> memref<3200x8xf32, #tpu.memory_space<vmem_shared>>
      %dma_start3A_276 = arith.constant 0 : i32
      %dma_start3A_277 = tpu.memref_slice %arg5[%mul3A_2, %dma_start3A_276] : memref<51200x8xf32, #tpu.memory_space<hbm>> -> memref<3200x8xf32, #tpu.memory_space<hbm>>
      tpu.enqueue_dma source(%dma_start3A_277 : memref<3200x8xf32, #tpu.memory_space<hbm>>) target(%dma_start3A_275 : memref<3200x8xf32, #tpu.memory_space<vmem_shared>>) target_semaphore(%run_scoped3A : memref<!tpu.dma_semaphore, #tpu.memory_space<semaphore_mem>>)
      %dma_wait3A_278 = arith.constant 0 : i32
      %dma_wait3A_279 = tpu.memref_slice %arg10[%mul3A_4, %dma_wait3A_278] : memref<51200x8xf32, #tpu.memory_space<vmem_shared>> -> memref<3200x8xf32, #tpu.memory_space<vmem_shared>>
      %dma_wait3A_280 = arith.constant 0 : i32
      %dma_wait3A_281 = tpu.memref_slice %arg5[%mul3A_2, %dma_wait3A_280] : memref<51200x8xf32, #tpu.memory_space<hbm>> -> memref<3200x8xf32, #tpu.memory_space<hbm>>
      tpu.wait_dma2 semaphore(%run_scoped3A : memref<!tpu.dma_semaphore, #tpu.memory_space<semaphore_mem>>) src(%dma_wait3A_281 : memref<3200x8xf32, #tpu.memory_space<hbm>>) dst(%dma_wait3A_279 : memref<3200x8xf32, #tpu.memory_space<vmem_shared>>)
      tpu.yield
    }) : () -> ()
    %barrier3A = arith.constant 0 : index
    tpu.barrier barrier_id(%barrier3A)
    %dma_start3A = arith.constant 0 : i32
    %dma_start3A_5 = arith.constant 0 : i32
    %dma_start3A_6 = arith.constant 0 : i32
    %dma_start3A_7 = tpu.memref_slice %arg7[%dma_start3A, %dma_start3A_5, %dma_start3A_6] : memref<4x8x128xi32, #tpu.memory_space<vmem>> -> memref<1x8x128xi32, #tpu.memory_space<vmem>>
    %dma_start3A_8 = tpu.memref_squeeze %dma_start3A_7 : memref<1x8x128xi32, #tpu.memory_space<vmem>> -> memref<8x128xi32, #tpu.memory_space<vmem>>
    %dma_start3A_9 = arith.constant 0 : i32
    %dma_start3A_10 = arith.constant 0 : i32
    %dma_start3A_11 = tpu.memref_slice %arg2[%add3A, %dma_start3A_9, %dma_start3A_10] : memref<32x400x128xi32, #tpu.memory_space<hbm>> -> memref<1x8x128xi32, #tpu.memory_space<hbm>>
    %dma_start3A_12 = tpu.memref_squeeze %dma_start3A_11 : memref<1x8x128xi32, #tpu.memory_space<hbm>> -> memref<8x128xi32, #tpu.memory_space<hbm>>
    %dma_start3A_13 = arith.constant 0 : i32
    %dma_start3A_14 = arith.constant 0 : i32
    %dma_start3A_15 = tpu.memref_slice %arg7[%dma_start3A, %dma_start3A_13, %dma_start3A_14] : memref<4x8x128xi32, #tpu.memory_space<vmem>> -> memref<1x8x128xi32, #tpu.memory_space<vmem>>
    %dma_start3A_16 = tpu.memref_squeeze %dma_start3A_15 : memref<1x8x128xi32, #tpu.memory_space<vmem>> -> memref<8x128xi32, #tpu.memory_space<vmem>>
    %dma_start3A_17 = arith.constant 0 : i32
    %dma_start3A_18 = arith.constant 0 : i32
    %dma_start3A_19 = tpu.memref_slice %arg2[%add3A, %dma_start3A_17, %dma_start3A_18] : memref<32x400x128xi32, #tpu.memory_space<hbm>> -> memref<1x8x128xi32, #tpu.memory_space<hbm>>
    %dma_start3A_20 = tpu.memref_squeeze %dma_start3A_19 : memref<1x8x128xi32, #tpu.memory_space<hbm>> -> memref<8x128xi32, #tpu.memory_space<hbm>>
    tpu.enqueue_dma source(%dma_start3A_20 : memref<8x128xi32, #tpu.memory_space<hbm>>) target(%dma_start3A_16 : memref<8x128xi32, #tpu.memory_space<vmem>>) target_semaphore(%arg11 : memref<!tpu.dma_semaphore, #tpu.memory_space<semaphore_mem>>)
    %dma_start3A_21 = arith.constant 0 : i32
    %dma_start3A_22 = arith.constant 0 : i32
    %dma_start3A_23 = arith.constant 0 : i32
    %dma_start3A_24 = tpu.memref_slice %arg8[%dma_start3A_21, %dma_start3A_22, %dma_start3A_23] : memref<4x8x128xi32, #tpu.memory_space<vmem>> -> memref<1x8x128xi32, #tpu.memory_space<vmem>>
    %dma_start3A_25 = tpu.memref_squeeze %dma_start3A_24 : memref<1x8x128xi32, #tpu.memory_space<vmem>> -> memref<8x128xi32, #tpu.memory_space<vmem>>
    %dma_start3A_26 = arith.constant 0 : i32
    %dma_start3A_27 = arith.constant 0 : i32
    %dma_start3A_28 = tpu.memref_slice %arg3[%add3A, %dma_start3A_26, %dma_start3A_27] : memref<32x400x128xi32, #tpu.memory_space<hbm>> -> memref<1x8x128xi32, #tpu.memory_space<hbm>>
    %dma_start3A_29 = tpu.memref_squeeze %dma_start3A_28 : memref<1x8x128xi32, #tpu.memory_space<hbm>> -> memref<8x128xi32, #tpu.memory_space<hbm>>
    %dma_start3A_30 = arith.constant 0 : i32
    %dma_start3A_31 = arith.constant 0 : i32
    %dma_start3A_32 = tpu.memref_slice %arg8[%dma_start3A_21, %dma_start3A_30, %dma_start3A_31] : memref<4x8x128xi32, #tpu.memory_space<vmem>> -> memref<1x8x128xi32, #tpu.memory_space<vmem>>
    %dma_start3A_33 = tpu.memref_squeeze %dma_start3A_32 : memref<1x8x128xi32, #tpu.memory_space<vmem>> -> memref<8x128xi32, #tpu.memory_space<vmem>>
    %dma_start3A_34 = arith.constant 0 : i32
    %dma_start3A_35 = arith.constant 0 : i32
    %dma_start3A_36 = tpu.memref_slice %arg3[%add3A, %dma_start3A_34, %dma_start3A_35] : memref<32x400x128xi32, #tpu.memory_space<hbm>> -> memref<1x8x128xi32, #tpu.memory_space<hbm>>
    %dma_start3A_37 = tpu.memref_squeeze %dma_start3A_36 : memref<1x8x128xi32, #tpu.memory_space<hbm>> -> memref<8x128xi32, #tpu.memory_space<hbm>>
    tpu.enqueue_dma source(%dma_start3A_37 : memref<8x128xi32, #tpu.memory_space<hbm>>) target(%dma_start3A_33 : memref<8x128xi32, #tpu.memory_space<vmem>>) target_semaphore(%arg11 : memref<!tpu.dma_semaphore, #tpu.memory_space<semaphore_mem>>)
    %scan3A = arith.constant 0 : i32
    %scan3A_38 = arith.constant 0 : i32
    %scan3A_39 = arith.constant 25 : i32
    %scan3A_40 = arith.addi %scan3A_38, %scan3A_39 : i32
    %scan3A_41 = arith.constant 1 : i32
    scf.for %scan3A_274 = %scan3A_38 to %scan3A_40 step %scan3A_41  : i32 {
      %mul3A_275 = arith.constant 2 : i32
      %mul3A_276 = arith.muli %scan3A_274, %mul3A_275 : i32
      %add3A_277 = arith.constant 0 : i32
      %add3A_278 = arith.addi %mul3A_276, %add3A_277 : i32
      %rem3A = arith.constant 4 : i32
      %rem3A_279 = arith.remsi %add3A_278, %rem3A : i32
      %dma_wait3A_280 = arith.constant 0 : i32
      %dma_wait3A_281 = arith.constant 0 : i32
      %dma_wait3A_282 = tpu.memref_slice %arg7[%rem3A_279, %dma_wait3A_280, %dma_wait3A_281] : memref<4x8x128xi32, #tpu.memory_space<vmem>> -> memref<1x8x128xi32, #tpu.memory_space<vmem>>
      %dma_wait3A_283 = tpu.memref_squeeze %dma_wait3A_282 : memref<1x8x128xi32, #tpu.memory_space<vmem>> -> memref<8x128xi32, #tpu.memory_space<vmem>>
      %dma_wait3A_284 = arith.constant 0 : i32
      %dma_wait3A_285 = arith.constant 0 : i32
      %dma_wait3A_286 = tpu.memref_slice %arg2[%add3A, %dma_wait3A_284, %dma_wait3A_285] : memref<32x400x128xi32, #tpu.memory_space<hbm>> -> memref<1x8x128xi32, #tpu.memory_space<hbm>>
      %dma_wait3A_287 = tpu.memref_squeeze %dma_wait3A_286 : memref<1x8x128xi32, #tpu.memory_space<hbm>> -> memref<8x128xi32, #tpu.memory_space<hbm>>
      %dma_wait3A_288 = arith.constant 0 : i32
      %dma_wait3A_289 = arith.constant 0 : i32
      %dma_wait3A_290 = tpu.memref_slice %arg7[%rem3A_279, %dma_wait3A_288, %dma_wait3A_289] : memref<4x8x128xi32, #tpu.memory_space<vmem>> -> memref<1x8x128xi32, #tpu.memory_space<vmem>>
      %dma_wait3A_291 = tpu.memref_squeeze %dma_wait3A_290 : memref<1x8x128xi32, #tpu.memory_space<vmem>> -> memref<8x128xi32, #tpu.memory_space<vmem>>
      %dma_wait3A_292 = arith.constant 0 : i32
      %dma_wait3A_293 = arith.constant 0 : i32
      %dma_wait3A_294 = tpu.memref_slice %arg2[%add3A, %dma_wait3A_292, %dma_wait3A_293] : memref<32x400x128xi32, #tpu.memory_space<hbm>> -> memref<1x8x128xi32, #tpu.memory_space<hbm>>
      %dma_wait3A_295 = tpu.memref_squeeze %dma_wait3A_294 : memref<1x8x128xi32, #tpu.memory_space<hbm>> -> memref<8x128xi32, #tpu.memory_space<hbm>>
      tpu.wait_dma2 semaphore(%arg11 : memref<!tpu.dma_semaphore, #tpu.memory_space<semaphore_mem>>) src(%dma_wait3A_295 : memref<8x128xi32, #tpu.memory_space<hbm>>) dst(%dma_wait3A_291 : memref<8x128xi32, #tpu.memory_space<vmem>>)
      %dma_wait3A_296 = arith.constant 0 : i32
      %dma_wait3A_297 = arith.constant 0 : i32
      %dma_wait3A_298 = tpu.memref_slice %arg8[%rem3A_279, %dma_wait3A_296, %dma_wait3A_297] : memref<4x8x128xi32, #tpu.memory_space<vmem>> -> memref<1x8x128xi32, #tpu.memory_space<vmem>>
      %dma_wait3A_299 = tpu.memref_squeeze %dma_wait3A_298 : memref<1x8x128xi32, #tpu.memory_space<vmem>> -> memref<8x128xi32, #tpu.memory_space<vmem>>
      %dma_wait3A_300 = arith.constant 0 : i32
      %dma_wait3A_301 = arith.constant 0 : i32
      %dma_wait3A_302 = tpu.memref_slice %arg3[%add3A, %dma_wait3A_300, %dma_wait3A_301] : memref<32x400x128xi32, #tpu.memory_space<hbm>> -> memref<1x8x128xi32, #tpu.memory_space<hbm>>
      %dma_wait3A_303 = tpu.memref_squeeze %dma_wait3A_302 : memref<1x8x128xi32, #tpu.memory_space<hbm>> -> memref<8x128xi32, #tpu.memory_space<hbm>>
      %dma_wait3A_304 = arith.constant 0 : i32
      %dma_wait3A_305 = arith.constant 0 : i32
      %dma_wait3A_306 = tpu.memref_slice %arg8[%rem3A_279, %dma_wait3A_304, %dma_wait3A_305] : memref<4x8x128xi32, #tpu.memory_space<vmem>> -> memref<1x8x128xi32, #tpu.memory_space<vmem>>
      %dma_wait3A_307 = tpu.memref_squeeze %dma_wait3A_306 : memref<1x8x128xi32, #tpu.memory_space<vmem>> -> memref<8x128xi32, #tpu.memory_space<vmem>>
      %dma_wait3A_308 = arith.constant 0 : i32
      %dma_wait3A_309 = arith.constant 0 : i32
      %dma_wait3A_310 = tpu.memref_slice %arg3[%add3A, %dma_wait3A_308, %dma_wait3A_309] : memref<32x400x128xi32, #tpu.memory_space<hbm>> -> memref<1x8x128xi32, #tpu.memory_space<hbm>>
      %dma_wait3A_311 = tpu.memref_squeeze %dma_wait3A_310 : memref<1x8x128xi32, #tpu.memory_space<hbm>> -> memref<8x128xi32, #tpu.memory_space<hbm>>
      tpu.wait_dma2 semaphore(%arg11 : memref<!tpu.dma_semaphore, #tpu.memory_space<semaphore_mem>>) src(%dma_wait3A_311 : memref<8x128xi32, #tpu.memory_space<hbm>>) dst(%dma_wait3A_307 : memref<8x128xi32, #tpu.memory_space<vmem>>)
      %add3A_312 = arith.constant 1 : i32
      %add3A_313 = arith.addi %add3A_278, %add3A_312 : i32
      %lt3A = arith.constant 50 : i32
      %lt3A_314 = arith.cmpi slt, %add3A_313, %lt3A : i32
      %convert_element_type3A = arith.extui %lt3A_314 : i1 to i32
      %cond3A = arith.constant 0 : i32
      %cond3A_315 = arith.cmpi ne, %convert_element_type3A, %cond3A : i32
      scf.if %cond3A_315 {
        %add3A_994 = arith.constant 1 : i32
        %add3A_995 = arith.addi %add3A_278, %add3A_994 : i32
        %add3A_996 = arith.constant 1 : i32
        %add3A_997 = arith.addi %add3A_278, %add3A_996 : i32
        %rem3A_998 = arith.constant 4 : i32
        %rem3A_999 = arith.remsi %add3A_997, %rem3A_998 : i32
        %mul3A_1000 = arith.constant 8 : i32
        %mul3A_1001 = arith.muli %add3A_995, %mul3A_1000 : i32
        %dma_start3A_1002 = arith.constant 0 : i32
        %dma_start3A_1003 = arith.constant 0 : i32
        %dma_start3A_1004 = tpu.memref_slice %arg7[%rem3A_999, %dma_start3A_1002, %dma_start3A_1003] : memref<4x8x128xi32, #tpu.memory_space<vmem>> -> memref<1x8x128xi32, #tpu.memory_space<vmem>>
        %dma_start3A_1005 = tpu.memref_squeeze %dma_start3A_1004 : memref<1x8x128xi32, #tpu.memory_space<vmem>> -> memref<8x128xi32, #tpu.memory_space<vmem>>
        %dma_start3A_1006 = arith.constant 0 : i32
        %dma_start3A_1007 = tpu.memref_slice %arg2[%add3A, %mul3A_1001, %dma_start3A_1006] : memref<32x400x128xi32, #tpu.memory_space<hbm>> -> memref<1x8x128xi32, #tpu.memory_space<hbm>>
        %dma_start3A_1008 = tpu.memref_squeeze %dma_start3A_1007 : memref<1x8x128xi32, #tpu.memory_space<hbm>> -> memref<8x128xi32, #tpu.memory_space<hbm>>
        %dma_start3A_1009 = arith.constant 0 : i32
        %dma_start3A_1010 = arith.constant 0 : i32
        %dma_start3A_1011 = tpu.memref_slice %arg7[%rem3A_999, %dma_start3A_1009, %dma_start3A_1010] : memref<4x8x128xi32, #tpu.memory_space<vmem>> -> memref<1x8x128xi32, #tpu.memory_space<vmem>>
        %dma_start3A_1012 = tpu.memref_squeeze %dma_start3A_1011 : memref<1x8x128xi32, #tpu.memory_space<vmem>> -> memref<8x128xi32, #tpu.memory_space<vmem>>
        %dma_start3A_1013 = arith.constant 0 : i32
        %dma_start3A_1014 = tpu.memref_slice %arg2[%add3A, %mul3A_1001, %dma_start3A_1013] : memref<32x400x128xi32, #tpu.memory_space<hbm>> -> memref<1x8x128xi32, #tpu.memory_space<hbm>>
        %dma_start3A_1015 = tpu.memref_squeeze %dma_start3A_1014 : memref<1x8x128xi32, #tpu.memory_space<hbm>> -> memref<8x128xi32, #tpu.memory_space<hbm>>
        tpu.enqueue_dma source(%dma_start3A_1015 : memref<8x128xi32, #tpu.memory_space<hbm>>) target(%dma_start3A_1012 : memref<8x128xi32, #tpu.memory_space<vmem>>) target_semaphore(%arg11 : memref<!tpu.dma_semaphore, #tpu.memory_space<semaphore_mem>>)
        %mul3A_1016 = arith.constant 8 : i32
        %mul3A_1017 = arith.muli %add3A_995, %mul3A_1016 : i32
        %dma_start3A_1018 = arith.constant 0 : i32
        %dma_start3A_1019 = arith.constant 0 : i32
        %dma_start3A_1020 = tpu.memref_slice %arg8[%rem3A_999, %dma_start3A_1018, %dma_start3A_1019] : memref<4x8x128xi32, #tpu.memory_space<vmem>> -> memref<1x8x128xi32, #tpu.memory_space<vmem>>
        %dma_start3A_1021 = tpu.memref_squeeze %dma_start3A_1020 : memref<1x8x128xi32, #tpu.memory_space<vmem>> -> memref<8x128xi32, #tpu.memory_space<vmem>>
        %dma_start3A_1022 = arith.constant 0 : i32
        %dma_start3A_1023 = tpu.memref_slice %arg3[%add3A, %mul3A_1017, %dma_start3A_1022] : memref<32x400x128xi32, #tpu.memory_space<hbm>> -> memref<1x8x128xi32, #tpu.memory_space<hbm>>
        %dma_start3A_1024 = tpu.memref_squeeze %dma_start3A_1023 : memref<1x8x128xi32, #tpu.memory_space<hbm>> -> memref<8x128xi32, #tpu.memory_space<hbm>>
        %dma_start3A_1025 = arith.constant 0 : i32
        %dma_start3A_1026 = arith.constant 0 : i32
        %dma_start3A_1027 = tpu.memref_slice %arg8[%rem3A_999, %dma_start3A_1025, %dma_start3A_1026] : memref<4x8x128xi32, #tpu.memory_space<vmem>> -> memref<1x8x128xi32, #tpu.memory_space<vmem>>
        %dma_start3A_1028 = tpu.memref_squeeze %dma_start3A_1027 : memref<1x8x128xi32, #tpu.memory_space<vmem>> -> memref<8x128xi32, #tpu.memory_space<vmem>>
        %dma_start3A_1029 = arith.constant 0 : i32
        %dma_start3A_1030 = tpu.memref_slice %arg3[%add3A, %mul3A_1017, %dma_start3A_1029] : memref<32x400x128xi32, #tpu.memory_space<hbm>> -> memref<1x8x128xi32, #tpu.memory_space<hbm>>
        %dma_start3A_1031 = tpu.memref_squeeze %dma_start3A_1030 : memref<1x8x128xi32, #tpu.memory_space<hbm>> -> memref<8x128xi32, #tpu.memory_space<hbm>>
        tpu.enqueue_dma source(%dma_start3A_1031 : memref<8x128xi32, #tpu.memory_space<hbm>>) target(%dma_start3A_1028 : memref<8x128xi32, #tpu.memory_space<vmem>>) target_semaphore(%arg11 : memref<!tpu.dma_semaphore, #tpu.memory_space<semaphore_mem>>)
      } else {
      }
      %ge3A = arith.constant 1 : i32
      %ge3A_316 = arith.cmpi sge, %scan3A_274, %ge3A : i32
      %convert_element_type3A_317 = arith.extui %ge3A_316 : i1 to i32
      %cond3A_318 = arith.constant 0 : i32
      %cond3A_319 = arith.cmpi ne, %convert_element_type3A_317, %cond3A_318 : i32
      scf.if %cond3A_319 {
        %dma_wait3A_994 = arith.constant 0 : i32
        %dma_wait3A_995 = arith.constant 0 : i32
        %dma_wait3A_996 = arith.constant 0 : i32
        %dma_wait3A_997 = arith.constant 0 : i32
        %dma_wait3A_998 = arith.constant 0 : i32
        %dma_wait3A_999 = tpu.memref_slice %arg9[%dma_wait3A_994, %dma_wait3A_995, %dma_wait3A_997, %dma_wait3A_998] : memref<2x8x128x8xf32, #tpu.memory_space<vmem>> -> memref<1x1x128x8xf32, #tpu.memory_space<vmem>>
        %dma_wait3A_1000 = tpu.memref_squeeze %dma_wait3A_999 : memref<1x1x128x8xf32, #tpu.memory_space<vmem>> -> memref<128x8xf32, #tpu.memory_space<vmem>>
        %dma_wait3A_1001 = arith.constant 0 : i32
        %dma_wait3A_1002 = tpu.memref_slice %arg8[%rem3A_279, %dma_wait3A_996, %dma_wait3A_1001] : memref<4x8x128xi32, #tpu.memory_space<vmem>> -> memref<1x1x128xi32, #tpu.memory_space<vmem>>
        %dma_wait3A_1003 = tpu.memref_squeeze %dma_wait3A_1002 : memref<1x1x128xi32, #tpu.memory_space<vmem>> -> memref<128xi32, #tpu.memory_space<vmem>>
        %dma_wait3A_1004 = arith.constant 0 : i32
        %dma_wait3A_1005 = arith.constant 0 : i32
        %dma_wait3A_1006 = tpu.memref_slice %arg10[%dma_wait3A_1004, %dma_wait3A_1005] : memref<51200x8xf32, #tpu.memory_space<vmem_shared>> -> memref<51200x8xf32, #tpu.memory_space<vmem_shared>>
        tpu.wait_indirect_dma semaphore(%arg13 : memref<!tpu.dma_semaphore, #tpu.memory_space<semaphore_mem>>) src(%dma_wait3A_1000 : memref<128x8xf32, #tpu.memory_space<vmem>>) dst(%dma_wait3A_1006 : memref<51200x8xf32, #tpu.memory_space<vmem_shared>>)
        %dma_wait3A_1007 = arith.constant 0 : i32
        %dma_wait3A_1008 = arith.constant 1 : i32
        %dma_wait3A_1009 = arith.constant 1 : i32
        %dma_wait3A_1010 = arith.constant 0 : i32
        %dma_wait3A_1011 = arith.constant 0 : i32
        %dma_wait3A_1012 = tpu.memref_slice %arg9[%dma_wait3A_1007, %dma_wait3A_1008, %dma_wait3A_1010, %dma_wait3A_1011] : memref<2x8x128x8xf32, #tpu.memory_space<vmem>> -> memref<1x1x128x8xf32, #tpu.memory_space<vmem>>
        %dma_wait3A_1013 = tpu.memref_squeeze %dma_wait3A_1012 : memref<1x1x128x8xf32, #tpu.memory_space<vmem>> -> memref<128x8xf32, #tpu.memory_space<vmem>>
        %dma_wait3A_1014 = arith.constant 0 : i32
        %dma_wait3A_1015 = tpu.memref_slice %arg8[%rem3A_279, %dma_wait3A_1009, %dma_wait3A_1014] : memref<4x8x128xi32, #tpu.memory_space<vmem>> -> memref<1x1x128xi32, #tpu.memory_space<vmem>>
        %dma_wait3A_1016 = tpu.memref_squeeze %dma_wait3A_1015 : memref<1x1x128xi32, #tpu.memory_space<vmem>> -> memref<128xi32, #tpu.memory_space<vmem>>
        %dma_wait3A_1017 = arith.constant 0 : i32
        %dma_wait3A_1018 = arith.constant 0 : i32
        %dma_wait3A_1019 = tpu.memref_slice %arg10[%dma_wait3A_1017, %dma_wait3A_1018] : memref<51200x8xf32, #tpu.memory_space<vmem_shared>> -> memref<51200x8xf32, #tpu.memory_space<vmem_shared>>
        tpu.wait_indirect_dma semaphore(%arg13 : memref<!tpu.dma_semaphore, #tpu.memory_space<semaphore_mem>>) src(%dma_wait3A_1013 : memref<128x8xf32, #tpu.memory_space<vmem>>) dst(%dma_wait3A_1019 : memref<51200x8xf32, #tpu.memory_space<vmem_shared>>)
        %dma_wait3A_1020 = arith.constant 0 : i32
        %dma_wait3A_1021 = arith.constant 2 : i32
        %dma_wait3A_1022 = arith.constant 2 : i32
        %dma_wait3A_1023 = arith.constant 0 : i32
        %dma_wait3A_1024 = arith.constant 0 : i32
        %dma_wait3A_1025 = tpu.memref_slice %arg9[%dma_wait3A_1020, %dma_wait3A_1021, %dma_wait3A_1023, %dma_wait3A_1024] : memref<2x8x128x8xf32, #tpu.memory_space<vmem>> -> memref<1x1x128x8xf32, #tpu.memory_space<vmem>>
        %dma_wait3A_1026 = tpu.memref_squeeze %dma_wait3A_1025 : memref<1x1x128x8xf32, #tpu.memory_space<vmem>> -> memref<128x8xf32, #tpu.memory_space<vmem>>
        %dma_wait3A_1027 = arith.constant 0 : i32
        %dma_wait3A_1028 = tpu.memref_slice %arg8[%rem3A_279, %dma_wait3A_1022, %dma_wait3A_1027] : memref<4x8x128xi32, #tpu.memory_space<vmem>> -> memref<1x1x128xi32, #tpu.memory_space<vmem>>
        %dma_wait3A_1029 = tpu.memref_squeeze %dma_wait3A_1028 : memref<1x1x128xi32, #tpu.memory_space<vmem>> -> memref<128xi32, #tpu.memory_space<vmem>>
        %dma_wait3A_1030 = arith.constant 0 : i32
        %dma_wait3A_1031 = arith.constant 0 : i32
        %dma_wait3A_1032 = tpu.memref_slice %arg10[%dma_wait3A_1030, %dma_wait3A_1031] : memref<51200x8xf32, #tpu.memory_space<vmem_shared>> -> memref<51200x8xf32, #tpu.memory_space<vmem_shared>>
        tpu.wait_indirect_dma semaphore(%arg13 : memref<!tpu.dma_semaphore, #tpu.memory_space<semaphore_mem>>) src(%dma_wait3A_1026 : memref<128x8xf32, #tpu.memory_space<vmem>>) dst(%dma_wait3A_1032 : memref<51200x8xf32, #tpu.memory_space<vmem_shared>>)
        %dma_wait3A_1033 = arith.constant 0 : i32
        %dma_wait3A_1034 = arith.constant 3 : i32
        %dma_wait3A_1035 = arith.constant 3 : i32
        %dma_wait3A_1036 = arith.constant 0 : i32
        %dma_wait3A_1037 = arith.constant 0 : i32
        %dma_wait3A_1038 = tpu.memref_slice %arg9[%dma_wait3A_1033, %dma_wait3A_1034, %dma_wait3A_1036, %dma_wait3A_1037] : memref<2x8x128x8xf32, #tpu.memory_space<vmem>> -> memref<1x1x128x8xf32, #tpu.memory_space<vmem>>
        %dma_wait3A_1039 = tpu.memref_squeeze %dma_wait3A_1038 : memref<1x1x128x8xf32, #tpu.memory_space<vmem>> -> memref<128x8xf32, #tpu.memory_space<vmem>>
        %dma_wait3A_1040 = arith.constant 0 : i32
        %dma_wait3A_1041 = tpu.memref_slice %arg8[%rem3A_279, %dma_wait3A_1035, %dma_wait3A_1040] : memref<4x8x128xi32, #tpu.memory_space<vmem>> -> memref<1x1x128xi32, #tpu.memory_space<vmem>>
        %dma_wait3A_1042 = tpu.memref_squeeze %dma_wait3A_1041 : memref<1x1x128xi32, #tpu.memory_space<vmem>> -> memref<128xi32, #tpu.memory_space<vmem>>
        %dma_wait3A_1043 = arith.constant 0 : i32
        %dma_wait3A_1044 = arith.constant 0 : i32
        %dma_wait3A_1045 = tpu.memref_slice %arg10[%dma_wait3A_1043, %dma_wait3A_1044] : memref<51200x8xf32, #tpu.memory_space<vmem_shared>> -> memref<51200x8xf32, #tpu.memory_space<vmem_shared>>
        tpu.wait_indirect_dma semaphore(%arg13 : memref<!tpu.dma_semaphore, #tpu.memory_space<semaphore_mem>>) src(%dma_wait3A_1039 : memref<128x8xf32, #tpu.memory_space<vmem>>) dst(%dma_wait3A_1045 : memref<51200x8xf32, #tpu.memory_space<vmem_shared>>)
        %dma_wait3A_1046 = arith.constant 0 : i32
        %dma_wait3A_1047 = arith.constant 4 : i32
        %dma_wait3A_1048 = arith.constant 4 : i32
        %dma_wait3A_1049 = arith.constant 0 : i32
        %dma_wait3A_1050 = arith.constant 0 : i32
        %dma_wait3A_1051 = tpu.memref_slice %arg9[%dma_wait3A_1046, %dma_wait3A_1047, %dma_wait3A_1049, %dma_wait3A_1050] : memref<2x8x128x8xf32, #tpu.memory_space<vmem>> -> memref<1x1x128x8xf32, #tpu.memory_space<vmem>>
        %dma_wait3A_1052 = tpu.memref_squeeze %dma_wait3A_1051 : memref<1x1x128x8xf32, #tpu.memory_space<vmem>> -> memref<128x8xf32, #tpu.memory_space<vmem>>
        %dma_wait3A_1053 = arith.constant 0 : i32
        %dma_wait3A_1054 = tpu.memref_slice %arg8[%rem3A_279, %dma_wait3A_1048, %dma_wait3A_1053] : memref<4x8x128xi32, #tpu.memory_space<vmem>> -> memref<1x1x128xi32, #tpu.memory_space<vmem>>
        %dma_wait3A_1055 = tpu.memref_squeeze %dma_wait3A_1054 : memref<1x1x128xi32, #tpu.memory_space<vmem>> -> memref<128xi32, #tpu.memory_space<vmem>>
        %dma_wait3A_1056 = arith.constant 0 : i32
        %dma_wait3A_1057 = arith.constant 0 : i32
        %dma_wait3A_1058 = tpu.memref_slice %arg10[%dma_wait3A_1056, %dma_wait3A_1057] : memref<51200x8xf32, #tpu.memory_space<vmem_shared>> -> memref<51200x8xf32, #tpu.memory_space<vmem_shared>>
        tpu.wait_indirect_dma semaphore(%arg13 : memref<!tpu.dma_semaphore, #tpu.memory_space<semaphore_mem>>) src(%dma_wait3A_1052 : memref<128x8xf32, #tpu.memory_space<vmem>>) dst(%dma_wait3A_1058 : memref<51200x8xf32, #tpu.memory_space<vmem_shared>>)
        %dma_wait3A_1059 = arith.constant 0 : i32
        %dma_wait3A_1060 = arith.constant 5 : i32
        %dma_wait3A_1061 = arith.constant 5 : i32
        %dma_wait3A_1062 = arith.constant 0 : i32
        %dma_wait3A_1063 = arith.constant 0 : i32
        %dma_wait3A_1064 = tpu.memref_slice %arg9[%dma_wait3A_1059, %dma_wait3A_1060, %dma_wait3A_1062, %dma_wait3A_1063] : memref<2x8x128x8xf32, #tpu.memory_space<vmem>> -> memref<1x1x128x8xf32, #tpu.memory_space<vmem>>
        %dma_wait3A_1065 = tpu.memref_squeeze %dma_wait3A_1064 : memref<1x1x128x8xf32, #tpu.memory_space<vmem>> -> memref<128x8xf32, #tpu.memory_space<vmem>>
        %dma_wait3A_1066 = arith.constant 0 : i32
        %dma_wait3A_1067 = tpu.memref_slice %arg8[%rem3A_279, %dma_wait3A_1061, %dma_wait3A_1066] : memref<4x8x128xi32, #tpu.memory_space<vmem>> -> memref<1x1x128xi32, #tpu.memory_space<vmem>>
        %dma_wait3A_1068 = tpu.memref_squeeze %dma_wait3A_1067 : memref<1x1x128xi32, #tpu.memory_space<vmem>> -> memref<128xi32, #tpu.memory_space<vmem>>
        %dma_wait3A_1069 = arith.constant 0 : i32
        %dma_wait3A_1070 = arith.constant 0 : i32
        %dma_wait3A_1071 = tpu.memref_slice %arg10[%dma_wait3A_1069, %dma_wait3A_1070] : memref<51200x8xf32, #tpu.memory_space<vmem_shared>> -> memref<51200x8xf32, #tpu.memory_space<vmem_shared>>
        tpu.wait_indirect_dma semaphore(%arg13 : memref<!tpu.dma_semaphore, #tpu.memory_space<semaphore_mem>>) src(%dma_wait3A_1065 : memref<128x8xf32, #tpu.memory_space<vmem>>) dst(%dma_wait3A_1071 : memref<51200x8xf32, #tpu.memory_space<vmem_shared>>)
        %dma_wait3A_1072 = arith.constant 0 : i32
        %dma_wait3A_1073 = arith.constant 6 : i32
        %dma_wait3A_1074 = arith.constant 6 : i32
        %dma_wait3A_1075 = arith.constant 0 : i32
        %dma_wait3A_1076 = arith.constant 0 : i32
        %dma_wait3A_1077 = tpu.memref_slice %arg9[%dma_wait3A_1072, %dma_wait3A_1073, %dma_wait3A_1075, %dma_wait3A_1076] : memref<2x8x128x8xf32, #tpu.memory_space<vmem>> -> memref<1x1x128x8xf32, #tpu.memory_space<vmem>>
        %dma_wait3A_1078 = tpu.memref_squeeze %dma_wait3A_1077 : memref<1x1x128x8xf32, #tpu.memory_space<vmem>> -> memref<128x8xf32, #tpu.memory_space<vmem>>
        %dma_wait3A_1079 = arith.constant 0 : i32
        %dma_wait3A_1080 = tpu.memref_slice %arg8[%rem3A_279, %dma_wait3A_1074, %dma_wait3A_1079] : memref<4x8x128xi32, #tpu.memory_space<vmem>> -> memref<1x1x128xi32, #tpu.memory_space<vmem>>
        %dma_wait3A_1081 = tpu.memref_squeeze %dma_wait3A_1080 : memref<1x1x128xi32, #tpu.memory_space<vmem>> -> memref<128xi32, #tpu.memory_space<vmem>>
        %dma_wait3A_1082 = arith.constant 0 : i32
        %dma_wait3A_1083 = arith.constant 0 : i32
        %dma_wait3A_1084 = tpu.memref_slice %arg10[%dma_wait3A_1082, %dma_wait3A_1083] : memref<51200x8xf32, #tpu.memory_space<vmem_shared>> -> memref<51200x8xf32, #tpu.memory_space<vmem_shared>>
        tpu.wait_indirect_dma semaphore(%arg13 : memref<!tpu.dma_semaphore, #tpu.memory_space<semaphore_mem>>) src(%dma_wait3A_1078 : memref<128x8xf32, #tpu.memory_space<vmem>>) dst(%dma_wait3A_1084 : memref<51200x8xf32, #tpu.memory_space<vmem_shared>>)
        %dma_wait3A_1085 = arith.constant 0 : i32
        %dma_wait3A_1086 = arith.constant 7 : i32
        %dma_wait3A_1087 = arith.constant 7 : i32
        %dma_wait3A_1088 = arith.constant 0 : i32
        %dma_wait3A_1089 = arith.constant 0 : i32
        %dma_wait3A_1090 = tpu.memref_slice %arg9[%dma_wait3A_1085, %dma_wait3A_1086, %dma_wait3A_1088, %dma_wait3A_1089] : memref<2x8x128x8xf32, #tpu.memory_space<vmem>> -> memref<1x1x128x8xf32, #tpu.memory_space<vmem>>
        %dma_wait3A_1091 = tpu.memref_squeeze %dma_wait3A_1090 : memref<1x1x128x8xf32, #tpu.memory_space<vmem>> -> memref<128x8xf32, #tpu.memory_space<vmem>>
        %dma_wait3A_1092 = arith.constant 0 : i32
        %dma_wait3A_1093 = tpu.memref_slice %arg8[%rem3A_279, %dma_wait3A_1087, %dma_wait3A_1092] : memref<4x8x128xi32, #tpu.memory_space<vmem>> -> memref<1x1x128xi32, #tpu.memory_space<vmem>>
        %dma_wait3A_1094 = tpu.memref_squeeze %dma_wait3A_1093 : memref<1x1x128xi32, #tpu.memory_space<vmem>> -> memref<128xi32, #tpu.memory_space<vmem>>
        %dma_wait3A_1095 = arith.constant 0 : i32
        %dma_wait3A_1096 = arith.constant 0 : i32
        %dma_wait3A_1097 = tpu.memref_slice %arg10[%dma_wait3A_1095, %dma_wait3A_1096] : memref<51200x8xf32, #tpu.memory_space<vmem_shared>> -> memref<51200x8xf32, #tpu.memory_space<vmem_shared>>
        tpu.wait_indirect_dma semaphore(%arg13 : memref<!tpu.dma_semaphore, #tpu.memory_space<semaphore_mem>>) src(%dma_wait3A_1091 : memref<128x8xf32, #tpu.memory_space<vmem>>) dst(%dma_wait3A_1097 : memref<51200x8xf32, #tpu.memory_space<vmem_shared>>)
      } else {
      }
      %dma_start3A_320 = arith.constant 0 : i32
      %dma_start3A_321 = arith.constant 0 : i32
      %dma_start3A_322 = arith.constant 0 : i32
      %dma_start3A_323 = arith.constant 0 : i32
      %dma_start3A_324 = arith.constant 0 : i32
      %dma_start3A_325 = tpu.memref_slice %arg9[%dma_start3A_321, %dma_start3A_322, %dma_start3A_323, %dma_start3A_324] : memref<2x8x128x8xf32, #tpu.memory_space<vmem>> -> memref<1x1x128x8xf32, #tpu.memory_space<vmem>>
      %dma_start3A_326 = tpu.memref_squeeze %dma_start3A_325 : memref<1x1x128x8xf32, #tpu.memory_space<vmem>> -> memref<128x8xf32, #tpu.memory_space<vmem>>
      %dma_start3A_327 = arith.constant 0 : i32
      %dma_start3A_328 = tpu.memref_slice %arg7[%rem3A_279, %dma_start3A_320, %dma_start3A_327] : memref<4x8x128xi32, #tpu.memory_space<vmem>> -> memref<1x1x128xi32, #tpu.memory_space<vmem>>
      %dma_start3A_329 = tpu.memref_squeeze %dma_start3A_328 : memref<1x1x128xi32, #tpu.memory_space<vmem>> -> memref<128xi32, #tpu.memory_space<vmem>>
      %dma_start3A_330 = arith.constant 0 : i32
      %dma_start3A_331 = arith.constant 0 : i32
      %dma_start3A_332 = tpu.memref_slice %arg4[%dma_start3A_330, %dma_start3A_331] : memref<102400x8xf32, #tpu.memory_space<hbm>> -> memref<102400x8xf32, #tpu.memory_space<hbm>>
      tpu.enqueue_indirect_dma source(%dma_start3A_332 : memref<102400x8xf32, #tpu.memory_space<hbm>>) target(%dma_start3A_326 : memref<128x8xf32, #tpu.memory_space<vmem>>) offsets(%dma_start3A_329 : memref<128xi32, #tpu.memory_space<vmem>>) semaphore(%arg12 : memref<!tpu.dma_semaphore, #tpu.memory_space<semaphore_mem>>)
      %dma_start3A_333 = arith.constant 1 : i32
      %dma_start3A_334 = arith.constant 0 : i32
      %dma_start3A_335 = arith.constant 1 : i32
      %dma_start3A_336 = arith.constant 0 : i32
      %dma_start3A_337 = arith.constant 0 : i32
      %dma_start3A_338 = tpu.memref_slice %arg9[%dma_start3A_334, %dma_start3A_335, %dma_start3A_336, %dma_start3A_337] : memref<2x8x128x8xf32, #tpu.memory_space<vmem>> -> memref<1x1x128x8xf32, #tpu.memory_space<vmem>>
      %dma_start3A_339 = tpu.memref_squeeze %dma_start3A_338 : memref<1x1x128x8xf32, #tpu.memory_space<vmem>> -> memref<128x8xf32, #tpu.memory_space<vmem>>
      %dma_start3A_340 = arith.constant 0 : i32
      %dma_start3A_341 = tpu.memref_slice %arg7[%rem3A_279, %dma_start3A_333, %dma_start3A_340] : memref<4x8x128xi32, #tpu.memory_space<vmem>> -> memref<1x1x128xi32, #tpu.memory_space<vmem>>
      %dma_start3A_342 = tpu.memref_squeeze %dma_start3A_341 : memref<1x1x128xi32, #tpu.memory_space<vmem>> -> memref<128xi32, #tpu.memory_space<vmem>>
      %dma_start3A_343 = arith.constant 0 : i32
      %dma_start3A_344 = arith.constant 0 : i32
      %dma_start3A_345 = tpu.memref_slice %arg4[%dma_start3A_343, %dma_start3A_344] : memref<102400x8xf32, #tpu.memory_space<hbm>> -> memref<102400x8xf32, #tpu.memory_space<hbm>>
      tpu.enqueue_indirect_dma source(%dma_start3A_345 : memref<102400x8xf32, #tpu.memory_space<hbm>>) target(%dma_start3A_339 : memref<128x8xf32, #tpu.memory_space<vmem>>) offsets(%dma_start3A_342 : memref<128xi32, #tpu.memory_space<vmem>>) semaphore(%arg12 : memref<!tpu.dma_semaphore, #tpu.memory_space<semaphore_mem>>)
      %dma_start3A_346 = arith.constant 2 : i32
      %dma_start3A_347 = arith.constant 0 : i32
      %dma_start3A_348 = arith.constant 2 : i32
      %dma_start3A_349 = arith.constant 0 : i32
      %dma_start3A_350 = arith.constant 0 : i32
      %dma_start3A_351 = tpu.memref_slice %arg9[%dma_start3A_347, %dma_start3A_348, %dma_start3A_349, %dma_start3A_350] : memref<2x8x128x8xf32, #tpu.memory_space<vmem>> -> memref<1x1x128x8xf32, #tpu.memory_space<vmem>>
      %dma_start3A_352 = tpu.memref_squeeze %dma_start3A_351 : memref<1x1x128x8xf32, #tpu.memory_space<vmem>> -> memref<128x8xf32, #tpu.memory_space<vmem>>
      %dma_start3A_353 = arith.constant 0 : i32
      %dma_start3A_354 = tpu.memref_slice %arg7[%rem3A_279, %dma_start3A_346, %dma_start3A_353] : memref<4x8x128xi32, #tpu.memory_space<vmem>> -> memref<1x1x128xi32, #tpu.memory_space<vmem>>
      %dma_start3A_355 = tpu.memref_squeeze %dma_start3A_354 : memref<1x1x128xi32, #tpu.memory_space<vmem>> -> memref<128xi32, #tpu.memory_space<vmem>>
      %dma_start3A_356 = arith.constant 0 : i32
      %dma_start3A_357 = arith.constant 0 : i32
      %dma_start3A_358 = tpu.memref_slice %arg4[%dma_start3A_356, %dma_start3A_357] : memref<102400x8xf32, #tpu.memory_space<hbm>> -> memref<102400x8xf32, #tpu.memory_space<hbm>>
      tpu.enqueue_indirect_dma source(%dma_start3A_358 : memref<102400x8xf32, #tpu.memory_space<hbm>>) target(%dma_start3A_352 : memref<128x8xf32, #tpu.memory_space<vmem>>) offsets(%dma_start3A_355 : memref<128xi32, #tpu.memory_space<vmem>>) semaphore(%arg12 : memref<!tpu.dma_semaphore, #tpu.memory_space<semaphore_mem>>)
      %dma_start3A_359 = arith.constant 3 : i32
      %dma_start3A_360 = arith.constant 0 : i32
      %dma_start3A_361 = arith.constant 3 : i32
      %dma_start3A_362 = arith.constant 0 : i32
      %dma_start3A_363 = arith.constant 0 : i32
      %dma_start3A_364 = tpu.memref_slice %arg9[%dma_start3A_360, %dma_start3A_361, %dma_start3A_362, %dma_start3A_363] : memref<2x8x128x8xf32, #tpu.memory_space<vmem>> -> memref<1x1x128x8xf32, #tpu.memory_space<vmem>>
      %dma_start3A_365 = tpu.memref_squeeze %dma_start3A_364 : memref<1x1x128x8xf32, #tpu.memory_space<vmem>> -> memref<128x8xf32, #tpu.memory_space<vmem>>
      %dma_start3A_366 = arith.constant 0 : i32
      %dma_start3A_367 = tpu.memref_slice %arg7[%rem3A_279, %dma_start3A_359, %dma_start3A_366] : memref<4x8x128xi32, #tpu.memory_space<vmem>> -> memref<1x1x128xi32, #tpu.memory_space<vmem>>
      %dma_start3A_368 = tpu.memref_squeeze %dma_start3A_367 : memref<1x1x128xi32, #tpu.memory_space<vmem>> -> memref<128xi32, #tpu.memory_space<vmem>>
      %dma_start3A_369 = arith.constant 0 : i32
      %dma_start3A_370 = arith.constant 0 : i32
      %dma_start3A_371 = tpu.memref_slice %arg4[%dma_start3A_369, %dma_start3A_370] : memref<102400x8xf32, #tpu.memory_space<hbm>> -> memref<102400x8xf32, #tpu.memory_space<hbm>>
      tpu.enqueue_indirect_dma source(%dma_start3A_371 : memref<102400x8xf32, #tpu.memory_space<hbm>>) target(%dma_start3A_365 : memref<128x8xf32, #tpu.memory_space<vmem>>) offsets(%dma_start3A_368 : memref<128xi32, #tpu.memory_space<vmem>>) semaphore(%arg12 : memref<!tpu.dma_semaphore, #tpu.memory_space<semaphore_mem>>)
      %dma_start3A_372 = arith.constant 4 : i32
      %dma_start3A_373 = arith.constant 0 : i32
      %dma_start3A_374 = arith.constant 4 : i32
      %dma_start3A_375 = arith.constant 0 : i32
      %dma_start3A_376 = arith.constant 0 : i32
      %dma_start3A_377 = tpu.memref_slice %arg9[%dma_start3A_373, %dma_start3A_374, %dma_start3A_375, %dma_start3A_376] : memref<2x8x128x8xf32, #tpu.memory_space<vmem>> -> memref<1x1x128x8xf32, #tpu.memory_space<vmem>>
      %dma_start3A_378 = tpu.memref_squeeze %dma_start3A_377 : memref<1x1x128x8xf32, #tpu.memory_space<vmem>> -> memref<128x8xf32, #tpu.memory_space<vmem>>
      %dma_start3A_379 = arith.constant 0 : i32
      %dma_start3A_380 = tpu.memref_slice %arg7[%rem3A_279, %dma_start3A_372, %dma_start3A_379] : memref<4x8x128xi32, #tpu.memory_space<vmem>> -> memref<1x1x128xi32, #tpu.memory_space<vmem>>
      %dma_start3A_381 = tpu.memref_squeeze %dma_start3A_380 : memref<1x1x128xi32, #tpu.memory_space<vmem>> -> memref<128xi32, #tpu.memory_space<vmem>>
      %dma_start3A_382 = arith.constant 0 : i32
      %dma_start3A_383 = arith.constant 0 : i32
      %dma_start3A_384 = tpu.memref_slice %arg4[%dma_start3A_382, %dma_start3A_383] : memref<102400x8xf32, #tpu.memory_space<hbm>> -> memref<102400x8xf32, #tpu.memory_space<hbm>>
      tpu.enqueue_indirect_dma source(%dma_start3A_384 : memref<102400x8xf32, #tpu.memory_space<hbm>>) target(%dma_start3A_378 : memref<128x8xf32, #tpu.memory_space<vmem>>) offsets(%dma_start3A_381 : memref<128xi32, #tpu.memory_space<vmem>>) semaphore(%arg12 : memref<!tpu.dma_semaphore, #tpu.memory_space<semaphore_mem>>)
      %dma_start3A_385 = arith.constant 5 : i32
      %dma_start3A_386 = arith.constant 0 : i32
      %dma_start3A_387 = arith.constant 5 : i32
      %dma_start3A_388 = arith.constant 0 : i32
      %dma_start3A_389 = arith.constant 0 : i32
      %dma_start3A_390 = tpu.memref_slice %arg9[%dma_start3A_386, %dma_start3A_387, %dma_start3A_388, %dma_start3A_389] : memref<2x8x128x8xf32, #tpu.memory_space<vmem>> -> memref<1x1x128x8xf32, #tpu.memory_space<vmem>>
      %dma_start3A_391 = tpu.memref_squeeze %dma_start3A_390 : memref<1x1x128x8xf32, #tpu.memory_space<vmem>> -> memref<128x8xf32, #tpu.memory_space<vmem>>
      %dma_start3A_392 = arith.constant 0 : i32
      %dma_start3A_393 = tpu.memref_slice %arg7[%rem3A_279, %dma_start3A_385, %dma_start3A_392] : memref<4x8x128xi32, #tpu.memory_space<vmem>> -> memref<1x1x128xi32, #tpu.memory_space<vmem>>
      %dma_start3A_394 = tpu.memref_squeeze %dma_start3A_393 : memref<1x1x128xi32, #tpu.memory_space<vmem>> -> memref<128xi32, #tpu.memory_space<vmem>>
      %dma_start3A_395 = arith.constant 0 : i32
      %dma_start3A_396 = arith.constant 0 : i32
      %dma_start3A_397 = tpu.memref_slice %arg4[%dma_start3A_395, %dma_start3A_396] : memref<102400x8xf32, #tpu.memory_space<hbm>> -> memref<102400x8xf32, #tpu.memory_space<hbm>>
      tpu.enqueue_indirect_dma source(%dma_start3A_397 : memref<102400x8xf32, #tpu.memory_space<hbm>>) target(%dma_start3A_391 : memref<128x8xf32, #tpu.memory_space<vmem>>) offsets(%dma_start3A_394 : memref<128xi32, #tpu.memory_space<vmem>>) semaphore(%arg12 : memref<!tpu.dma_semaphore, #tpu.memory_space<semaphore_mem>>)
      %dma_start3A_398 = arith.constant 6 : i32
      %dma_start3A_399 = arith.constant 0 : i32
      %dma_start3A_400 = arith.constant 6 : i32
      %dma_start3A_401 = arith.constant 0 : i32
      %dma_start3A_402 = arith.constant 0 : i32
      %dma_start3A_403 = tpu.memref_slice %arg9[%dma_start3A_399, %dma_start3A_400, %dma_start3A_401, %dma_start3A_402] : memref<2x8x128x8xf32, #tpu.memory_space<vmem>> -> memref<1x1x128x8xf32, #tpu.memory_space<vmem>>
      %dma_start3A_404 = tpu.memref_squeeze %dma_start3A_403 : memref<1x1x128x8xf32, #tpu.memory_space<vmem>> -> memref<128x8xf32, #tpu.memory_space<vmem>>
      %dma_start3A_405 = arith.constant 0 : i32
      %dma_start3A_406 = tpu.memref_slice %arg7[%rem3A_279, %dma_start3A_398, %dma_start3A_405] : memref<4x8x128xi32, #tpu.memory_space<vmem>> -> memref<1x1x128xi32, #tpu.memory_space<vmem>>
      %dma_start3A_407 = tpu.memref_squeeze %dma_start3A_406 : memref<1x1x128xi32, #tpu.memory_space<vmem>> -> memref<128xi32, #tpu.memory_space<vmem>>
      %dma_start3A_408 = arith.constant 0 : i32
      %dma_start3A_409 = arith.constant 0 : i32
      %dma_start3A_410 = tpu.memref_slice %arg4[%dma_start3A_408, %dma_start3A_409] : memref<102400x8xf32, #tpu.memory_space<hbm>> -> memref<102400x8xf32, #tpu.memory_space<hbm>>
      tpu.enqueue_indirect_dma source(%dma_start3A_410 : memref<102400x8xf32, #tpu.memory_space<hbm>>) target(%dma_start3A_404 : memref<128x8xf32, #tpu.memory_space<vmem>>) offsets(%dma_start3A_407 : memref<128xi32, #tpu.memory_space<vmem>>) semaphore(%arg12 : memref<!tpu.dma_semaphore, #tpu.memory_space<semaphore_mem>>)
      %dma_start3A_411 = arith.constant 7 : i32
      %dma_start3A_412 = arith.constant 0 : i32
      %dma_start3A_413 = arith.constant 7 : i32
      %dma_start3A_414 = arith.constant 0 : i32
      %dma_start3A_415 = arith.constant 0 : i32
      %dma_start3A_416 = tpu.memref_slice %arg9[%dma_start3A_412, %dma_start3A_413, %dma_start3A_414, %dma_start3A_415] : memref<2x8x128x8xf32, #tpu.memory_space<vmem>> -> memref<1x1x128x8xf32, #tpu.memory_space<vmem>>
      %dma_start3A_417 = tpu.memref_squeeze %dma_start3A_416 : memref<1x1x128x8xf32, #tpu.memory_space<vmem>> -> memref<128x8xf32, #tpu.memory_space<vmem>>
      %dma_start3A_418 = arith.constant 0 : i32
      %dma_start3A_419 = tpu.memref_slice %arg7[%rem3A_279, %dma_start3A_411, %dma_start3A_418] : memref<4x8x128xi32, #tpu.memory_space<vmem>> -> memref<1x1x128xi32, #tpu.memory_space<vmem>>
      %dma_start3A_420 = tpu.memref_squeeze %dma_start3A_419 : memref<1x1x128xi32, #tpu.memory_space<vmem>> -> memref<128xi32, #tpu.memory_space<vmem>>
      %dma_start3A_421 = arith.constant 0 : i32
      %dma_start3A_422 = arith.constant 0 : i32
      %dma_start3A_423 = tpu.memref_slice %arg4[%dma_start3A_421, %dma_start3A_422] : memref<102400x8xf32, #tpu.memory_space<hbm>> -> memref<102400x8xf32, #tpu.memory_space<hbm>>
      tpu.enqueue_indirect_dma source(%dma_start3A_423 : memref<102400x8xf32, #tpu.memory_space<hbm>>) target(%dma_start3A_417 : memref<128x8xf32, #tpu.memory_space<vmem>>) offsets(%dma_start3A_420 : memref<128xi32, #tpu.memory_space<vmem>>) semaphore(%arg12 : memref<!tpu.dma_semaphore, #tpu.memory_space<semaphore_mem>>)
      %dma_wait3A_424 = arith.constant 0 : i32
      %dma_wait3A_425 = arith.constant 0 : i32
      %dma_wait3A_426 = arith.constant 0 : i32
      %dma_wait3A_427 = arith.constant 0 : i32
      %dma_wait3A_428 = arith.constant 0 : i32
      %dma_wait3A_429 = tpu.memref_slice %arg9[%dma_wait3A_425, %dma_wait3A_426, %dma_wait3A_427, %dma_wait3A_428] : memref<2x8x128x8xf32, #tpu.memory_space<vmem>> -> memref<1x1x128x8xf32, #tpu.memory_space<vmem>>
      %dma_wait3A_430 = tpu.memref_squeeze %dma_wait3A_429 : memref<1x1x128x8xf32, #tpu.memory_space<vmem>> -> memref<128x8xf32, #tpu.memory_space<vmem>>
      %dma_wait3A_431 = arith.constant 0 : i32
      %dma_wait3A_432 = tpu.memref_slice %arg7[%rem3A_279, %dma_wait3A_424, %dma_wait3A_431] : memref<4x8x128xi32, #tpu.memory_space<vmem>> -> memref<1x1x128xi32, #tpu.memory_space<vmem>>
      %dma_wait3A_433 = tpu.memref_squeeze %dma_wait3A_432 : memref<1x1x128xi32, #tpu.memory_space<vmem>> -> memref<128xi32, #tpu.memory_space<vmem>>
      %dma_wait3A_434 = arith.constant 0 : i32
      %dma_wait3A_435 = arith.constant 0 : i32
      %dma_wait3A_436 = tpu.memref_slice %arg4[%dma_wait3A_434, %dma_wait3A_435] : memref<102400x8xf32, #tpu.memory_space<hbm>> -> memref<102400x8xf32, #tpu.memory_space<hbm>>
      tpu.wait_indirect_dma semaphore(%arg12 : memref<!tpu.dma_semaphore, #tpu.memory_space<semaphore_mem>>) src(%dma_wait3A_436 : memref<102400x8xf32, #tpu.memory_space<hbm>>) dst(%dma_wait3A_430 : memref<128x8xf32, #tpu.memory_space<vmem>>)
      %dma_start3A_437 = arith.constant 0 : i32
      %dma_start3A_438 = arith.constant 0 : i32
      %dma_start3A_439 = arith.constant 0 : i32
      %dma_start3A_440 = arith.constant 0 : i32
      %dma_start3A_441 = arith.constant 0 : i32
      %dma_start3A_442 = tpu.memref_slice %arg9[%dma_start3A_437, %dma_start3A_438, %dma_start3A_440, %dma_start3A_441] : memref<2x8x128x8xf32, #tpu.memory_space<vmem>> -> memref<1x1x128x8xf32, #tpu.memory_space<vmem>>
      %dma_start3A_443 = tpu.memref_squeeze %dma_start3A_442 : memref<1x1x128x8xf32, #tpu.memory_space<vmem>> -> memref<128x8xf32, #tpu.memory_space<vmem>>
      %dma_start3A_444 = arith.constant 0 : i32
      %dma_start3A_445 = tpu.memref_slice %arg8[%rem3A_279, %dma_start3A_439, %dma_start3A_444] : memref<4x8x128xi32, #tpu.memory_space<vmem>> -> memref<1x1x128xi32, #tpu.memory_space<vmem>>
      %dma_start3A_446 = tpu.memref_squeeze %dma_start3A_445 : memref<1x1x128xi32, #tpu.memory_space<vmem>> -> memref<128xi32, #tpu.memory_space<vmem>>
      %dma_start3A_447 = arith.constant 0 : i32
      %dma_start3A_448 = arith.constant 0 : i32
      %dma_start3A_449 = tpu.memref_slice %arg10[%dma_start3A_447, %dma_start3A_448] : memref<51200x8xf32, #tpu.memory_space<vmem_shared>> -> memref<51200x8xf32, #tpu.memory_space<vmem_shared>>
      tpu.enqueue_indirect_dma source(%dma_start3A_443 : memref<128x8xf32, #tpu.memory_space<vmem>>) target(%dma_start3A_449 : memref<51200x8xf32, #tpu.memory_space<vmem_shared>>) offsets(%dma_start3A_446 : memref<128xi32, #tpu.memory_space<vmem>>) semaphore(%arg13 : memref<!tpu.dma_semaphore, #tpu.memory_space<semaphore_mem>>) {add = true}
      %dma_wait3A_450 = arith.constant 1 : i32
      %dma_wait3A_451 = arith.constant 0 : i32
      %dma_wait3A_452 = arith.constant 1 : i32
      %dma_wait3A_453 = arith.constant 0 : i32
      %dma_wait3A_454 = arith.constant 0 : i32
      %dma_wait3A_455 = tpu.memref_slice %arg9[%dma_wait3A_451, %dma_wait3A_452, %dma_wait3A_453, %dma_wait3A_454] : memref<2x8x128x8xf32, #tpu.memory_space<vmem>> -> memref<1x1x128x8xf32, #tpu.memory_space<vmem>>
      %dma_wait3A_456 = tpu.memref_squeeze %dma_wait3A_455 : memref<1x1x128x8xf32, #tpu.memory_space<vmem>> -> memref<128x8xf32, #tpu.memory_space<vmem>>
      %dma_wait3A_457 = arith.constant 0 : i32
      %dma_wait3A_458 = tpu.memref_slice %arg7[%rem3A_279, %dma_wait3A_450, %dma_wait3A_457] : memref<4x8x128xi32, #tpu.memory_space<vmem>> -> memref<1x1x128xi32, #tpu.memory_space<vmem>>
      %dma_wait3A_459 = tpu.memref_squeeze %dma_wait3A_458 : memref<1x1x128xi32, #tpu.memory_space<vmem>> -> memref<128xi32, #tpu.memory_space<vmem>>
      %dma_wait3A_460 = arith.constant 0 : i32
      %dma_wait3A_461 = arith.constant 0 : i32
      %dma_wait3A_462 = tpu.memref_slice %arg4[%dma_wait3A_460, %dma_wait3A_461] : memref<102400x8xf32, #tpu.memory_space<hbm>> -> memref<102400x8xf32, #tpu.memory_space<hbm>>
      tpu.wait_indirect_dma semaphore(%arg12 : memref<!tpu.dma_semaphore, #tpu.memory_space<semaphore_mem>>) src(%dma_wait3A_462 : memref<102400x8xf32, #tpu.memory_space<hbm>>) dst(%dma_wait3A_456 : memref<128x8xf32, #tpu.memory_space<vmem>>)
      %dma_start3A_463 = arith.constant 0 : i32
      %dma_start3A_464 = arith.constant 1 : i32
      %dma_start3A_465 = arith.constant 1 : i32
      %dma_start3A_466 = arith.constant 0 : i32
      %dma_start3A_467 = arith.constant 0 : i32
      %dma_start3A_468 = tpu.memref_slice %arg9[%dma_start3A_463, %dma_start3A_464, %dma_start3A_466, %dma_start3A_467] : memref<2x8x128x8xf32, #tpu.memory_space<vmem>> -> memref<1x1x128x8xf32, #tpu.memory_space<vmem>>
      %dma_start3A_469 = tpu.memref_squeeze %dma_start3A_468 : memref<1x1x128x8xf32, #tpu.memory_space<vmem>> -> memref<128x8xf32, #tpu.memory_space<vmem>>
      %dma_start3A_470 = arith.constant 0 : i32
      %dma_start3A_471 = tpu.memref_slice %arg8[%rem3A_279, %dma_start3A_465, %dma_start3A_470] : memref<4x8x128xi32, #tpu.memory_space<vmem>> -> memref<1x1x128xi32, #tpu.memory_space<vmem>>
      %dma_start3A_472 = tpu.memref_squeeze %dma_start3A_471 : memref<1x1x128xi32, #tpu.memory_space<vmem>> -> memref<128xi32, #tpu.memory_space<vmem>>
      %dma_start3A_473 = arith.constant 0 : i32
      %dma_start3A_474 = arith.constant 0 : i32
      %dma_start3A_475 = tpu.memref_slice %arg10[%dma_start3A_473, %dma_start3A_474] : memref<51200x8xf32, #tpu.memory_space<vmem_shared>> -> memref<51200x8xf32, #tpu.memory_space<vmem_shared>>
      tpu.enqueue_indirect_dma source(%dma_start3A_469 : memref<128x8xf32, #tpu.memory_space<vmem>>) target(%dma_start3A_475 : memref<51200x8xf32, #tpu.memory_space<vmem_shared>>) offsets(%dma_start3A_472 : memref<128xi32, #tpu.memory_space<vmem>>) semaphore(%arg13 : memref<!tpu.dma_semaphore, #tpu.memory_space<semaphore_mem>>) {add = true}
      %dma_wait3A_476 = arith.constant 2 : i32
      %dma_wait3A_477 = arith.constant 0 : i32
      %dma_wait3A_478 = arith.constant 2 : i32
      %dma_wait3A_479 = arith.constant 0 : i32
      %dma_wait3A_480 = arith.constant 0 : i32
      %dma_wait3A_481 = tpu.memref_slice %arg9[%dma_wait3A_477, %dma_wait3A_478, %dma_wait3A_479, %dma_wait3A_480] : memref<2x8x128x8xf32, #tpu.memory_space<vmem>> -> memref<1x1x128x8xf32, #tpu.memory_space<vmem>>
      %dma_wait3A_482 = tpu.memref_squeeze %dma_wait3A_481 : memref<1x1x128x8xf32, #tpu.memory_space<vmem>> -> memref<128x8xf32, #tpu.memory_space<vmem>>
      %dma_wait3A_483 = arith.constant 0 : i32
      %dma_wait3A_484 = tpu.memref_slice %arg7[%rem3A_279, %dma_wait3A_476, %dma_wait3A_483] : memref<4x8x128xi32, #tpu.memory_space<vmem>> -> memref<1x1x128xi32, #tpu.memory_space<vmem>>
      %dma_wait3A_485 = tpu.memref_squeeze %dma_wait3A_484 : memref<1x1x128xi32, #tpu.memory_space<vmem>> -> memref<128xi32, #tpu.memory_space<vmem>>
      %dma_wait3A_486 = arith.constant 0 : i32
      %dma_wait3A_487 = arith.constant 0 : i32
      %dma_wait3A_488 = tpu.memref_slice %arg4[%dma_wait3A_486, %dma_wait3A_487] : memref<102400x8xf32, #tpu.memory_space<hbm>> -> memref<102400x8xf32, #tpu.memory_space<hbm>>
      tpu.wait_indirect_dma semaphore(%arg12 : memref<!tpu.dma_semaphore, #tpu.memory_space<semaphore_mem>>) src(%dma_wait3A_488 : memref<102400x8xf32, #tpu.memory_space<hbm>>) dst(%dma_wait3A_482 : memref<128x8xf32, #tpu.memory_space<vmem>>)
      %dma_start3A_489 = arith.constant 0 : i32
      %dma_start3A_490 = arith.constant 2 : i32
      %dma_start3A_491 = arith.constant 2 : i32
      %dma_start3A_492 = arith.constant 0 : i32
      %dma_start3A_493 = arith.constant 0 : i32
      %dma_start3A_494 = tpu.memref_slice %arg9[%dma_start3A_489, %dma_start3A_490, %dma_start3A_492, %dma_start3A_493] : memref<2x8x128x8xf32, #tpu.memory_space<vmem>> -> memref<1x1x128x8xf32, #tpu.memory_space<vmem>>
      %dma_start3A_495 = tpu.memref_squeeze %dma_start3A_494 : memref<1x1x128x8xf32, #tpu.memory_space<vmem>> -> memref<128x8xf32, #tpu.memory_space<vmem>>
      %dma_start3A_496 = arith.constant 0 : i32
      %dma_start3A_497 = tpu.memref_slice %arg8[%rem3A_279, %dma_start3A_491, %dma_start3A_496] : memref<4x8x128xi32, #tpu.memory_space<vmem>> -> memref<1x1x128xi32, #tpu.memory_space<vmem>>
      %dma_start3A_498 = tpu.memref_squeeze %dma_start3A_497 : memref<1x1x128xi32, #tpu.memory_space<vmem>> -> memref<128xi32, #tpu.memory_space<vmem>>
      %dma_start3A_499 = arith.constant 0 : i32
      %dma_start3A_500 = arith.constant 0 : i32
      %dma_start3A_501 = tpu.memref_slice %arg10[%dma_start3A_499, %dma_start3A_500] : memref<51200x8xf32, #tpu.memory_space<vmem_shared>> -> memref<51200x8xf32, #tpu.memory_space<vmem_shared>>
      tpu.enqueue_indirect_dma source(%dma_start3A_495 : memref<128x8xf32, #tpu.memory_space<vmem>>) target(%dma_start3A_501 : memref<51200x8xf32, #tpu.memory_space<vmem_shared>>) offsets(%dma_start3A_498 : memref<128xi32, #tpu.memory_space<vmem>>) semaphore(%arg13 : memref<!tpu.dma_semaphore, #tpu.memory_space<semaphore_mem>>) {add = true}
      %dma_wait3A_502 = arith.constant 3 : i32
      %dma_wait3A_503 = arith.constant 0 : i32
      %dma_wait3A_504 = arith.constant 3 : i32
      %dma_wait3A_505 = arith.constant 0 : i32
      %dma_wait3A_506 = arith.constant 0 : i32
      %dma_wait3A_507 = tpu.memref_slice %arg9[%dma_wait3A_503, %dma_wait3A_504, %dma_wait3A_505, %dma_wait3A_506] : memref<2x8x128x8xf32, #tpu.memory_space<vmem>> -> memref<1x1x128x8xf32, #tpu.memory_space<vmem>>
      %dma_wait3A_508 = tpu.memref_squeeze %dma_wait3A_507 : memref<1x1x128x8xf32, #tpu.memory_space<vmem>> -> memref<128x8xf32, #tpu.memory_space<vmem>>
      %dma_wait3A_509 = arith.constant 0 : i32
      %dma_wait3A_510 = tpu.memref_slice %arg7[%rem3A_279, %dma_wait3A_502, %dma_wait3A_509] : memref<4x8x128xi32, #tpu.memory_space<vmem>> -> memref<1x1x128xi32, #tpu.memory_space<vmem>>
      %dma_wait3A_511 = tpu.memref_squeeze %dma_wait3A_510 : memref<1x1x128xi32, #tpu.memory_space<vmem>> -> memref<128xi32, #tpu.memory_space<vmem>>
      %dma_wait3A_512 = arith.constant 0 : i32
      %dma_wait3A_513 = arith.constant 0 : i32
      %dma_wait3A_514 = tpu.memref_slice %arg4[%dma_wait3A_512, %dma_wait3A_513] : memref<102400x8xf32, #tpu.memory_space<hbm>> -> memref<102400x8xf32, #tpu.memory_space<hbm>>
      tpu.wait_indirect_dma semaphore(%arg12 : memref<!tpu.dma_semaphore, #tpu.memory_space<semaphore_mem>>) src(%dma_wait3A_514 : memref<102400x8xf32, #tpu.memory_space<hbm>>) dst(%dma_wait3A_508 : memref<128x8xf32, #tpu.memory_space<vmem>>)
      %dma_start3A_515 = arith.constant 0 : i32
      %dma_start3A_516 = arith.constant 3 : i32
      %dma_start3A_517 = arith.constant 3 : i32
      %dma_start3A_518 = arith.constant 0 : i32
      %dma_start3A_519 = arith.constant 0 : i32
      %dma_start3A_520 = tpu.memref_slice %arg9[%dma_start3A_515, %dma_start3A_516, %dma_start3A_518, %dma_start3A_519] : memref<2x8x128x8xf32, #tpu.memory_space<vmem>> -> memref<1x1x128x8xf32, #tpu.memory_space<vmem>>
      %dma_start3A_521 = tpu.memref_squeeze %dma_start3A_520 : memref<1x1x128x8xf32, #tpu.memory_space<vmem>> -> memref<128x8xf32, #tpu.memory_space<vmem>>
      %dma_start3A_522 = arith.constant 0 : i32
      %dma_start3A_523 = tpu.memref_slice %arg8[%rem3A_279, %dma_start3A_517, %dma_start3A_522] : memref<4x8x128xi32, #tpu.memory_space<vmem>> -> memref<1x1x128xi32, #tpu.memory_space<vmem>>
      %dma_start3A_524 = tpu.memref_squeeze %dma_start3A_523 : memref<1x1x128xi32, #tpu.memory_space<vmem>> -> memref<128xi32, #tpu.memory_space<vmem>>
      %dma_start3A_525 = arith.constant 0 : i32
      %dma_start3A_526 = arith.constant 0 : i32
      %dma_start3A_527 = tpu.memref_slice %arg10[%dma_start3A_525, %dma_start3A_526] : memref<51200x8xf32, #tpu.memory_space<vmem_shared>> -> memref<51200x8xf32, #tpu.memory_space<vmem_shared>>
      tpu.enqueue_indirect_dma source(%dma_start3A_521 : memref<128x8xf32, #tpu.memory_space<vmem>>) target(%dma_start3A_527 : memref<51200x8xf32, #tpu.memory_space<vmem_shared>>) offsets(%dma_start3A_524 : memref<128xi32, #tpu.memory_space<vmem>>) semaphore(%arg13 : memref<!tpu.dma_semaphore, #tpu.memory_space<semaphore_mem>>) {add = true}
      %dma_wait3A_528 = arith.constant 4 : i32
      %dma_wait3A_529 = arith.constant 0 : i32
      %dma_wait3A_530 = arith.constant 4 : i32
      %dma_wait3A_531 = arith.constant 0 : i32
      %dma_wait3A_532 = arith.constant 0 : i32
      %dma_wait3A_533 = tpu.memref_slice %arg9[%dma_wait3A_529, %dma_wait3A_530, %dma_wait3A_531, %dma_wait3A_532] : memref<2x8x128x8xf32, #tpu.memory_space<vmem>> -> memref<1x1x128x8xf32, #tpu.memory_space<vmem>>
      %dma_wait3A_534 = tpu.memref_squeeze %dma_wait3A_533 : memref<1x1x128x8xf32, #tpu.memory_space<vmem>> -> memref<128x8xf32, #tpu.memory_space<vmem>>
      %dma_wait3A_535 = arith.constant 0 : i32
      %dma_wait3A_536 = tpu.memref_slice %arg7[%rem3A_279, %dma_wait3A_528, %dma_wait3A_535] : memref<4x8x128xi32, #tpu.memory_space<vmem>> -> memref<1x1x128xi32, #tpu.memory_space<vmem>>
      %dma_wait3A_537 = tpu.memref_squeeze %dma_wait3A_536 : memref<1x1x128xi32, #tpu.memory_space<vmem>> -> memref<128xi32, #tpu.memory_space<vmem>>
      %dma_wait3A_538 = arith.constant 0 : i32
      %dma_wait3A_539 = arith.constant 0 : i32
      %dma_wait3A_540 = tpu.memref_slice %arg4[%dma_wait3A_538, %dma_wait3A_539] : memref<102400x8xf32, #tpu.memory_space<hbm>> -> memref<102400x8xf32, #tpu.memory_space<hbm>>
      tpu.wait_indirect_dma semaphore(%arg12 : memref<!tpu.dma_semaphore, #tpu.memory_space<semaphore_mem>>) src(%dma_wait3A_540 : memref<102400x8xf32, #tpu.memory_space<hbm>>) dst(%dma_wait3A_534 : memref<128x8xf32, #tpu.memory_space<vmem>>)
      %dma_start3A_541 = arith.constant 0 : i32
      %dma_start3A_542 = arith.constant 4 : i32
      %dma_start3A_543 = arith.constant 4 : i32
      %dma_start3A_544 = arith.constant 0 : i32
      %dma_start3A_545 = arith.constant 0 : i32
      %dma_start3A_546 = tpu.memref_slice %arg9[%dma_start3A_541, %dma_start3A_542, %dma_start3A_544, %dma_start3A_545] : memref<2x8x128x8xf32, #tpu.memory_space<vmem>> -> memref<1x1x128x8xf32, #tpu.memory_space<vmem>>
      %dma_start3A_547 = tpu.memref_squeeze %dma_start3A_546 : memref<1x1x128x8xf32, #tpu.memory_space<vmem>> -> memref<128x8xf32, #tpu.memory_space<vmem>>
      %dma_start3A_548 = arith.constant 0 : i32
      %dma_start3A_549 = tpu.memref_slice %arg8[%rem3A_279, %dma_start3A_543, %dma_start3A_548] : memref<4x8x128xi32, #tpu.memory_space<vmem>> -> memref<1x1x128xi32, #tpu.memory_space<vmem>>
      %dma_start3A_550 = tpu.memref_squeeze %dma_start3A_549 : memref<1x1x128xi32, #tpu.memory_space<vmem>> -> memref<128xi32, #tpu.memory_space<vmem>>
      %dma_start3A_551 = arith.constant 0 : i32
      %dma_start3A_552 = arith.constant 0 : i32
      %dma_start3A_553 = tpu.memref_slice %arg10[%dma_start3A_551, %dma_start3A_552] : memref<51200x8xf32, #tpu.memory_space<vmem_shared>> -> memref<51200x8xf32, #tpu.memory_space<vmem_shared>>
      tpu.enqueue_indirect_dma source(%dma_start3A_547 : memref<128x8xf32, #tpu.memory_space<vmem>>) target(%dma_start3A_553 : memref<51200x8xf32, #tpu.memory_space<vmem_shared>>) offsets(%dma_start3A_550 : memref<128xi32, #tpu.memory_space<vmem>>) semaphore(%arg13 : memref<!tpu.dma_semaphore, #tpu.memory_space<semaphore_mem>>) {add = true}
      %dma_wait3A_554 = arith.constant 5 : i32
      %dma_wait3A_555 = arith.constant 0 : i32
      %dma_wait3A_556 = arith.constant 5 : i32
      %dma_wait3A_557 = arith.constant 0 : i32
      %dma_wait3A_558 = arith.constant 0 : i32
      %dma_wait3A_559 = tpu.memref_slice %arg9[%dma_wait3A_555, %dma_wait3A_556, %dma_wait3A_557, %dma_wait3A_558] : memref<2x8x128x8xf32, #tpu.memory_space<vmem>> -> memref<1x1x128x8xf32, #tpu.memory_space<vmem>>
      %dma_wait3A_560 = tpu.memref_squeeze %dma_wait3A_559 : memref<1x1x128x8xf32, #tpu.memory_space<vmem>> -> memref<128x8xf32, #tpu.memory_space<vmem>>
      %dma_wait3A_561 = arith.constant 0 : i32
      %dma_wait3A_562 = tpu.memref_slice %arg7[%rem3A_279, %dma_wait3A_554, %dma_wait3A_561] : memref<4x8x128xi32, #tpu.memory_space<vmem>> -> memref<1x1x128xi32, #tpu.memory_space<vmem>>
      %dma_wait3A_563 = tpu.memref_squeeze %dma_wait3A_562 : memref<1x1x128xi32, #tpu.memory_space<vmem>> -> memref<128xi32, #tpu.memory_space<vmem>>
      %dma_wait3A_564 = arith.constant 0 : i32
      %dma_wait3A_565 = arith.constant 0 : i32
      %dma_wait3A_566 = tpu.memref_slice %arg4[%dma_wait3A_564, %dma_wait3A_565] : memref<102400x8xf32, #tpu.memory_space<hbm>> -> memref<102400x8xf32, #tpu.memory_space<hbm>>
      tpu.wait_indirect_dma semaphore(%arg12 : memref<!tpu.dma_semaphore, #tpu.memory_space<semaphore_mem>>) src(%dma_wait3A_566 : memref<102400x8xf32, #tpu.memory_space<hbm>>) dst(%dma_wait3A_560 : memref<128x8xf32, #tpu.memory_space<vmem>>)
      %dma_start3A_567 = arith.constant 0 : i32
      %dma_start3A_568 = arith.constant 5 : i32
      %dma_start3A_569 = arith.constant 5 : i32
      %dma_start3A_570 = arith.constant 0 : i32
      %dma_start3A_571 = arith.constant 0 : i32
      %dma_start3A_572 = tpu.memref_slice %arg9[%dma_start3A_567, %dma_start3A_568, %dma_start3A_570, %dma_start3A_571] : memref<2x8x128x8xf32, #tpu.memory_space<vmem>> -> memref<1x1x128x8xf32, #tpu.memory_space<vmem>>
      %dma_start3A_573 = tpu.memref_squeeze %dma_start3A_572 : memref<1x1x128x8xf32, #tpu.memory_space<vmem>> -> memref<128x8xf32, #tpu.memory_space<vmem>>
      %dma_start3A_574 = arith.constant 0 : i32
      %dma_start3A_575 = tpu.memref_slice %arg8[%rem3A_279, %dma_start3A_569, %dma_start3A_574] : memref<4x8x128xi32, #tpu.memory_space<vmem>> -> memref<1x1x128xi32, #tpu.memory_space<vmem>>
      %dma_start3A_576 = tpu.memref_squeeze %dma_start3A_575 : memref<1x1x128xi32, #tpu.memory_space<vmem>> -> memref<128xi32, #tpu.memory_space<vmem>>
      %dma_start3A_577 = arith.constant 0 : i32
      %dma_start3A_578 = arith.constant 0 : i32
      %dma_start3A_579 = tpu.memref_slice %arg10[%dma_start3A_577, %dma_start3A_578] : memref<51200x8xf32, #tpu.memory_space<vmem_shared>> -> memref<51200x8xf32, #tpu.memory_space<vmem_shared>>
      tpu.enqueue_indirect_dma source(%dma_start3A_573 : memref<128x8xf32, #tpu.memory_space<vmem>>) target(%dma_start3A_579 : memref<51200x8xf32, #tpu.memory_space<vmem_shared>>) offsets(%dma_start3A_576 : memref<128xi32, #tpu.memory_space<vmem>>) semaphore(%arg13 : memref<!tpu.dma_semaphore, #tpu.memory_space<semaphore_mem>>) {add = true}
      %dma_wait3A_580 = arith.constant 6 : i32
      %dma_wait3A_581 = arith.constant 0 : i32
      %dma_wait3A_582 = arith.constant 6 : i32
      %dma_wait3A_583 = arith.constant 0 : i32
      %dma_wait3A_584 = arith.constant 0 : i32
      %dma_wait3A_585 = tpu.memref_slice %arg9[%dma_wait3A_581, %dma_wait3A_582, %dma_wait3A_583, %dma_wait3A_584] : memref<2x8x128x8xf32, #tpu.memory_space<vmem>> -> memref<1x1x128x8xf32, #tpu.memory_space<vmem>>
      %dma_wait3A_586 = tpu.memref_squeeze %dma_wait3A_585 : memref<1x1x128x8xf32, #tpu.memory_space<vmem>> -> memref<128x8xf32, #tpu.memory_space<vmem>>
      %dma_wait3A_587 = arith.constant 0 : i32
      %dma_wait3A_588 = tpu.memref_slice %arg7[%rem3A_279, %dma_wait3A_580, %dma_wait3A_587] : memref<4x8x128xi32, #tpu.memory_space<vmem>> -> memref<1x1x128xi32, #tpu.memory_space<vmem>>
      %dma_wait3A_589 = tpu.memref_squeeze %dma_wait3A_588 : memref<1x1x128xi32, #tpu.memory_space<vmem>> -> memref<128xi32, #tpu.memory_space<vmem>>
      %dma_wait3A_590 = arith.constant 0 : i32
      %dma_wait3A_591 = arith.constant 0 : i32
      %dma_wait3A_592 = tpu.memref_slice %arg4[%dma_wait3A_590, %dma_wait3A_591] : memref<102400x8xf32, #tpu.memory_space<hbm>> -> memref<102400x8xf32, #tpu.memory_space<hbm>>
      tpu.wait_indirect_dma semaphore(%arg12 : memref<!tpu.dma_semaphore, #tpu.memory_space<semaphore_mem>>) src(%dma_wait3A_592 : memref<102400x8xf32, #tpu.memory_space<hbm>>) dst(%dma_wait3A_586 : memref<128x8xf32, #tpu.memory_space<vmem>>)
      %dma_start3A_593 = arith.constant 0 : i32
      %dma_start3A_594 = arith.constant 6 : i32
      %dma_start3A_595 = arith.constant 6 : i32
      %dma_start3A_596 = arith.constant 0 : i32
      %dma_start3A_597 = arith.constant 0 : i32
      %dma_start3A_598 = tpu.memref_slice %arg9[%dma_start3A_593, %dma_start3A_594, %dma_start3A_596, %dma_start3A_597] : memref<2x8x128x8xf32, #tpu.memory_space<vmem>> -> memref<1x1x128x8xf32, #tpu.memory_space<vmem>>
      %dma_start3A_599 = tpu.memref_squeeze %dma_start3A_598 : memref<1x1x128x8xf32, #tpu.memory_space<vmem>> -> memref<128x8xf32, #tpu.memory_space<vmem>>
      %dma_start3A_600 = arith.constant 0 : i32
      %dma_start3A_601 = tpu.memref_slice %arg8[%rem3A_279, %dma_start3A_595, %dma_start3A_600] : memref<4x8x128xi32, #tpu.memory_space<vmem>> -> memref<1x1x128xi32, #tpu.memory_space<vmem>>
      %dma_start3A_602 = tpu.memref_squeeze %dma_start3A_601 : memref<1x1x128xi32, #tpu.memory_space<vmem>> -> memref<128xi32, #tpu.memory_space<vmem>>
      %dma_start3A_603 = arith.constant 0 : i32
      %dma_start3A_604 = arith.constant 0 : i32
      %dma_start3A_605 = tpu.memref_slice %arg10[%dma_start3A_603, %dma_start3A_604] : memref<51200x8xf32, #tpu.memory_space<vmem_shared>> -> memref<51200x8xf32, #tpu.memory_space<vmem_shared>>
      tpu.enqueue_indirect_dma source(%dma_start3A_599 : memref<128x8xf32, #tpu.memory_space<vmem>>) target(%dma_start3A_605 : memref<51200x8xf32, #tpu.memory_space<vmem_shared>>) offsets(%dma_start3A_602 : memref<128xi32, #tpu.memory_space<vmem>>) semaphore(%arg13 : memref<!tpu.dma_semaphore, #tpu.memory_space<semaphore_mem>>) {add = true}
      %dma_wait3A_606 = arith.constant 7 : i32
      %dma_wait3A_607 = arith.constant 0 : i32
      %dma_wait3A_608 = arith.constant 7 : i32
      %dma_wait3A_609 = arith.constant 0 : i32
      %dma_wait3A_610 = arith.constant 0 : i32
      %dma_wait3A_611 = tpu.memref_slice %arg9[%dma_wait3A_607, %dma_wait3A_608, %dma_wait3A_609, %dma_wait3A_610] : memref<2x8x128x8xf32, #tpu.memory_space<vmem>> -> memref<1x1x128x8xf32, #tpu.memory_space<vmem>>
      %dma_wait3A_612 = tpu.memref_squeeze %dma_wait3A_611 : memref<1x1x128x8xf32, #tpu.memory_space<vmem>> -> memref<128x8xf32, #tpu.memory_space<vmem>>
      %dma_wait3A_613 = arith.constant 0 : i32
      %dma_wait3A_614 = tpu.memref_slice %arg7[%rem3A_279, %dma_wait3A_606, %dma_wait3A_613] : memref<4x8x128xi32, #tpu.memory_space<vmem>> -> memref<1x1x128xi32, #tpu.memory_space<vmem>>
      %dma_wait3A_615 = tpu.memref_squeeze %dma_wait3A_614 : memref<1x1x128xi32, #tpu.memory_space<vmem>> -> memref<128xi32, #tpu.memory_space<vmem>>
      %dma_wait3A_616 = arith.constant 0 : i32
      %dma_wait3A_617 = arith.constant 0 : i32
      %dma_wait3A_618 = tpu.memref_slice %arg4[%dma_wait3A_616, %dma_wait3A_617] : memref<102400x8xf32, #tpu.memory_space<hbm>> -> memref<102400x8xf32, #tpu.memory_space<hbm>>
      tpu.wait_indirect_dma semaphore(%arg12 : memref<!tpu.dma_semaphore, #tpu.memory_space<semaphore_mem>>) src(%dma_wait3A_618 : memref<102400x8xf32, #tpu.memory_space<hbm>>) dst(%dma_wait3A_612 : memref<128x8xf32, #tpu.memory_space<vmem>>)
      %dma_start3A_619 = arith.constant 0 : i32
      %dma_start3A_620 = arith.constant 7 : i32
      %dma_start3A_621 = arith.constant 7 : i32
      %dma_start3A_622 = arith.constant 0 : i32
      %dma_start3A_623 = arith.constant 0 : i32
      %dma_start3A_624 = tpu.memref_slice %arg9[%dma_start3A_619, %dma_start3A_620, %dma_start3A_622, %dma_start3A_623] : memref<2x8x128x8xf32, #tpu.memory_space<vmem>> -> memref<1x1x128x8xf32, #tpu.memory_space<vmem>>
      %dma_start3A_625 = tpu.memref_squeeze %dma_start3A_624 : memref<1x1x128x8xf32, #tpu.memory_space<vmem>> -> memref<128x8xf32, #tpu.memory_space<vmem>>
      %dma_start3A_626 = arith.constant 0 : i32
      %dma_start3A_627 = tpu.memref_slice %arg8[%rem3A_279, %dma_start3A_621, %dma_start3A_626] : memref<4x8x128xi32, #tpu.memory_space<vmem>> -> memref<1x1x128xi32, #tpu.memory_space<vmem>>
      %dma_start3A_628 = tpu.memref_squeeze %dma_start3A_627 : memref<1x1x128xi32, #tpu.memory_space<vmem>> -> memref<128xi32, #tpu.memory_space<vmem>>
      %dma_start3A_629 = arith.constant 0 : i32
      %dma_start3A_630 = arith.constant 0 : i32
      %dma_start3A_631 = tpu.memref_slice %arg10[%dma_start3A_629, %dma_start3A_630] : memref<51200x8xf32, #tpu.memory_space<vmem_shared>> -> memref<51200x8xf32, #tpu.memory_space<vmem_shared>>
      tpu.enqueue_indirect_dma source(%dma_start3A_625 : memref<128x8xf32, #tpu.memory_space<vmem>>) target(%dma_start3A_631 : memref<51200x8xf32, #tpu.memory_space<vmem_shared>>) offsets(%dma_start3A_628 : memref<128xi32, #tpu.memory_space<vmem>>) semaphore(%arg13 : memref<!tpu.dma_semaphore, #tpu.memory_space<semaphore_mem>>) {add = true}
      %mul3A_632 = arith.constant 2 : i32
      %mul3A_633 = arith.muli %scan3A_274, %mul3A_632 : i32
      %add3A_634 = arith.constant 1 : i32
      %add3A_635 = arith.addi %mul3A_633, %add3A_634 : i32
      %rem3A_636 = arith.constant 4 : i32
      %rem3A_637 = arith.remsi %add3A_635, %rem3A_636 : i32
      %dma_wait3A_638 = arith.constant 0 : i32
      %dma_wait3A_639 = arith.constant 0 : i32
      %dma_wait3A_640 = tpu.memref_slice %arg7[%rem3A_637, %dma_wait3A_638, %dma_wait3A_639] : memref<4x8x128xi32, #tpu.memory_space<vmem>> -> memref<1x8x128xi32, #tpu.memory_space<vmem>>
      %dma_wait3A_641 = tpu.memref_squeeze %dma_wait3A_640 : memref<1x8x128xi32, #tpu.memory_space<vmem>> -> memref<8x128xi32, #tpu.memory_space<vmem>>
      %dma_wait3A_642 = arith.constant 0 : i32
      %dma_wait3A_643 = arith.constant 0 : i32
      %dma_wait3A_644 = tpu.memref_slice %arg2[%add3A, %dma_wait3A_642, %dma_wait3A_643] : memref<32x400x128xi32, #tpu.memory_space<hbm>> -> memref<1x8x128xi32, #tpu.memory_space<hbm>>
      %dma_wait3A_645 = tpu.memref_squeeze %dma_wait3A_644 : memref<1x8x128xi32, #tpu.memory_space<hbm>> -> memref<8x128xi32, #tpu.memory_space<hbm>>
      %dma_wait3A_646 = arith.constant 0 : i32
      %dma_wait3A_647 = arith.constant 0 : i32
      %dma_wait3A_648 = tpu.memref_slice %arg7[%rem3A_637, %dma_wait3A_646, %dma_wait3A_647] : memref<4x8x128xi32, #tpu.memory_space<vmem>> -> memref<1x8x128xi32, #tpu.memory_space<vmem>>
      %dma_wait3A_649 = tpu.memref_squeeze %dma_wait3A_648 : memref<1x8x128xi32, #tpu.memory_space<vmem>> -> memref<8x128xi32, #tpu.memory_space<vmem>>
      %dma_wait3A_650 = arith.constant 0 : i32
      %dma_wait3A_651 = arith.constant 0 : i32
      %dma_wait3A_652 = tpu.memref_slice %arg2[%add3A, %dma_wait3A_650, %dma_wait3A_651] : memref<32x400x128xi32, #tpu.memory_space<hbm>> -> memref<1x8x128xi32, #tpu.memory_space<hbm>>
      %dma_wait3A_653 = tpu.memref_squeeze %dma_wait3A_652 : memref<1x8x128xi32, #tpu.memory_space<hbm>> -> memref<8x128xi32, #tpu.memory_space<hbm>>
      tpu.wait_dma2 semaphore(%arg11 : memref<!tpu.dma_semaphore, #tpu.memory_space<semaphore_mem>>) src(%dma_wait3A_653 : memref<8x128xi32, #tpu.memory_space<hbm>>) dst(%dma_wait3A_649 : memref<8x128xi32, #tpu.memory_space<vmem>>)
      %dma_wait3A_654 = arith.constant 0 : i32
      %dma_wait3A_655 = arith.constant 0 : i32
      %dma_wait3A_656 = tpu.memref_slice %arg8[%rem3A_637, %dma_wait3A_654, %dma_wait3A_655] : memref<4x8x128xi32, #tpu.memory_space<vmem>> -> memref<1x8x128xi32, #tpu.memory_space<vmem>>
      %dma_wait3A_657 = tpu.memref_squeeze %dma_wait3A_656 : memref<1x8x128xi32, #tpu.memory_space<vmem>> -> memref<8x128xi32, #tpu.memory_space<vmem>>
      %dma_wait3A_658 = arith.constant 0 : i32
      %dma_wait3A_659 = arith.constant 0 : i32
      %dma_wait3A_660 = tpu.memref_slice %arg3[%add3A, %dma_wait3A_658, %dma_wait3A_659] : memref<32x400x128xi32, #tpu.memory_space<hbm>> -> memref<1x8x128xi32, #tpu.memory_space<hbm>>
      %dma_wait3A_661 = tpu.memref_squeeze %dma_wait3A_660 : memref<1x8x128xi32, #tpu.memory_space<hbm>> -> memref<8x128xi32, #tpu.memory_space<hbm>>
      %dma_wait3A_662 = arith.constant 0 : i32
      %dma_wait3A_663 = arith.constant 0 : i32
      %dma_wait3A_664 = tpu.memref_slice %arg8[%rem3A_637, %dma_wait3A_662, %dma_wait3A_663] : memref<4x8x128xi32, #tpu.memory_space<vmem>> -> memref<1x8x128xi32, #tpu.memory_space<vmem>>
      %dma_wait3A_665 = tpu.memref_squeeze %dma_wait3A_664 : memref<1x8x128xi32, #tpu.memory_space<vmem>> -> memref<8x128xi32, #tpu.memory_space<vmem>>
      %dma_wait3A_666 = arith.constant 0 : i32
      %dma_wait3A_667 = arith.constant 0 : i32
      %dma_wait3A_668 = tpu.memref_slice %arg3[%add3A, %dma_wait3A_666, %dma_wait3A_667] : memref<32x400x128xi32, #tpu.memory_space<hbm>> -> memref<1x8x128xi32, #tpu.memory_space<hbm>>
      %dma_wait3A_669 = tpu.memref_squeeze %dma_wait3A_668 : memref<1x8x128xi32, #tpu.memory_space<hbm>> -> memref<8x128xi32, #tpu.memory_space<hbm>>
      tpu.wait_dma2 semaphore(%arg11 : memref<!tpu.dma_semaphore, #tpu.memory_space<semaphore_mem>>) src(%dma_wait3A_669 : memref<8x128xi32, #tpu.memory_space<hbm>>) dst(%dma_wait3A_665 : memref<8x128xi32, #tpu.memory_space<vmem>>)
      %add3A_670 = arith.constant 1 : i32
      %add3A_671 = arith.addi %add3A_635, %add3A_670 : i32
      %lt3A_672 = arith.constant 50 : i32
      %lt3A_673 = arith.cmpi slt, %add3A_671, %lt3A_672 : i32
      %convert_element_type3A_674 = arith.extui %lt3A_673 : i1 to i32
      %cond3A_675 = arith.constant 0 : i32
      %cond3A_676 = arith.cmpi ne, %convert_element_type3A_674, %cond3A_675 : i32
      scf.if %cond3A_676 {
        %add3A_994 = arith.constant 1 : i32
        %add3A_995 = arith.addi %add3A_635, %add3A_994 : i32
        %add3A_996 = arith.constant 1 : i32
        %add3A_997 = arith.addi %add3A_635, %add3A_996 : i32
        %rem3A_998 = arith.constant 4 : i32
        %rem3A_999 = arith.remsi %add3A_997, %rem3A_998 : i32
        %mul3A_1000 = arith.constant 8 : i32
        %mul3A_1001 = arith.muli %add3A_995, %mul3A_1000 : i32
        %dma_start3A_1002 = arith.constant 0 : i32
        %dma_start3A_1003 = arith.constant 0 : i32
        %dma_start3A_1004 = tpu.memref_slice %arg7[%rem3A_999, %dma_start3A_1002, %dma_start3A_1003] : memref<4x8x128xi32, #tpu.memory_space<vmem>> -> memref<1x8x128xi32, #tpu.memory_space<vmem>>
        %dma_start3A_1005 = tpu.memref_squeeze %dma_start3A_1004 : memref<1x8x128xi32, #tpu.memory_space<vmem>> -> memref<8x128xi32, #tpu.memory_space<vmem>>
        %dma_start3A_1006 = arith.constant 0 : i32
        %dma_start3A_1007 = tpu.memref_slice %arg2[%add3A, %mul3A_1001, %dma_start3A_1006] : memref<32x400x128xi32, #tpu.memory_space<hbm>> -> memref<1x8x128xi32, #tpu.memory_space<hbm>>
        %dma_start3A_1008 = tpu.memref_squeeze %dma_start3A_1007 : memref<1x8x128xi32, #tpu.memory_space<hbm>> -> memref<8x128xi32, #tpu.memory_space<hbm>>
        %dma_start3A_1009 = arith.constant 0 : i32
        %dma_start3A_1010 = arith.constant 0 : i32
        %dma_start3A_1011 = tpu.memref_slice %arg7[%rem3A_999, %dma_start3A_1009, %dma_start3A_1010] : memref<4x8x128xi32, #tpu.memory_space<vmem>> -> memref<1x8x128xi32, #tpu.memory_space<vmem>>
        %dma_start3A_1012 = tpu.memref_squeeze %dma_start3A_1011 : memref<1x8x128xi32, #tpu.memory_space<vmem>> -> memref<8x128xi32, #tpu.memory_space<vmem>>
        %dma_start3A_1013 = arith.constant 0 : i32
        %dma_start3A_1014 = tpu.memref_slice %arg2[%add3A, %mul3A_1001, %dma_start3A_1013] : memref<32x400x128xi32, #tpu.memory_space<hbm>> -> memref<1x8x128xi32, #tpu.memory_space<hbm>>
        %dma_start3A_1015 = tpu.memref_squeeze %dma_start3A_1014 : memref<1x8x128xi32, #tpu.memory_space<hbm>> -> memref<8x128xi32, #tpu.memory_space<hbm>>
        tpu.enqueue_dma source(%dma_start3A_1015 : memref<8x128xi32, #tpu.memory_space<hbm>>) target(%dma_start3A_1012 : memref<8x128xi32, #tpu.memory_space<vmem>>) target_semaphore(%arg11 : memref<!tpu.dma_semaphore, #tpu.memory_space<semaphore_mem>>)
        %mul3A_1016 = arith.constant 8 : i32
        %mul3A_1017 = arith.muli %add3A_995, %mul3A_1016 : i32
        %dma_start3A_1018 = arith.constant 0 : i32
        %dma_start3A_1019 = arith.constant 0 : i32
        %dma_start3A_1020 = tpu.memref_slice %arg8[%rem3A_999, %dma_start3A_1018, %dma_start3A_1019] : memref<4x8x128xi32, #tpu.memory_space<vmem>> -> memref<1x8x128xi32, #tpu.memory_space<vmem>>
        %dma_start3A_1021 = tpu.memref_squeeze %dma_start3A_1020 : memref<1x8x128xi32, #tpu.memory_space<vmem>> -> memref<8x128xi32, #tpu.memory_space<vmem>>
        %dma_start3A_1022 = arith.constant 0 : i32
        %dma_start3A_1023 = tpu.memref_slice %arg3[%add3A, %mul3A_1017, %dma_start3A_1022] : memref<32x400x128xi32, #tpu.memory_space<hbm>> -> memref<1x8x128xi32, #tpu.memory_space<hbm>>
        %dma_start3A_1024 = tpu.memref_squeeze %dma_start3A_1023 : memref<1x8x128xi32, #tpu.memory_space<hbm>> -> memref<8x128xi32, #tpu.memory_space<hbm>>
        %dma_start3A_1025 = arith.constant 0 : i32
        %dma_start3A_1026 = arith.constant 0 : i32
        %dma_start3A_1027 = tpu.memref_slice %arg8[%rem3A_999, %dma_start3A_1025, %dma_start3A_1026] : memref<4x8x128xi32, #tpu.memory_space<vmem>> -> memref<1x8x128xi32, #tpu.memory_space<vmem>>
        %dma_start3A_1028 = tpu.memref_squeeze %dma_start3A_1027 : memref<1x8x128xi32, #tpu.memory_space<vmem>> -> memref<8x128xi32, #tpu.memory_space<vmem>>
        %dma_start3A_1029 = arith.constant 0 : i32
        %dma_start3A_1030 = tpu.memref_slice %arg3[%add3A, %mul3A_1017, %dma_start3A_1029] : memref<32x400x128xi32, #tpu.memory_space<hbm>> -> memref<1x8x128xi32, #tpu.memory_space<hbm>>
        %dma_start3A_1031 = tpu.memref_squeeze %dma_start3A_1030 : memref<1x8x128xi32, #tpu.memory_space<hbm>> -> memref<8x128xi32, #tpu.memory_space<hbm>>
        tpu.enqueue_dma source(%dma_start3A_1031 : memref<8x128xi32, #tpu.memory_space<hbm>>) target(%dma_start3A_1028 : memref<8x128xi32, #tpu.memory_space<vmem>>) target_semaphore(%arg11 : memref<!tpu.dma_semaphore, #tpu.memory_space<semaphore_mem>>)
      } else {
      }
      %ge3A_677 = arith.constant 1 : i32
      %ge3A_678 = arith.cmpi sge, %scan3A_274, %ge3A_677 : i32
      %convert_element_type3A_679 = arith.extui %ge3A_678 : i1 to i32
      %cond3A_680 = arith.constant 0 : i32
      %cond3A_681 = arith.cmpi ne, %convert_element_type3A_679, %cond3A_680 : i32
      scf.if %cond3A_681 {
        %dma_wait3A_994 = arith.constant 1 : i32
        %dma_wait3A_995 = arith.constant 0 : i32
        %dma_wait3A_996 = arith.constant 0 : i32
        %dma_wait3A_997 = arith.constant 0 : i32
        %dma_wait3A_998 = arith.constant 0 : i32
        %dma_wait3A_999 = tpu.memref_slice %arg9[%dma_wait3A_994, %dma_wait3A_995, %dma_wait3A_997, %dma_wait3A_998] : memref<2x8x128x8xf32, #tpu.memory_space<vmem>> -> memref<1x1x128x8xf32, #tpu.memory_space<vmem>>
        %dma_wait3A_1000 = tpu.memref_squeeze %dma_wait3A_999 : memref<1x1x128x8xf32, #tpu.memory_space<vmem>> -> memref<128x8xf32, #tpu.memory_space<vmem>>
        %dma_wait3A_1001 = arith.constant 0 : i32
        %dma_wait3A_1002 = tpu.memref_slice %arg8[%rem3A_637, %dma_wait3A_996, %dma_wait3A_1001] : memref<4x8x128xi32, #tpu.memory_space<vmem>> -> memref<1x1x128xi32, #tpu.memory_space<vmem>>
        %dma_wait3A_1003 = tpu.memref_squeeze %dma_wait3A_1002 : memref<1x1x128xi32, #tpu.memory_space<vmem>> -> memref<128xi32, #tpu.memory_space<vmem>>
        %dma_wait3A_1004 = arith.constant 0 : i32
        %dma_wait3A_1005 = arith.constant 0 : i32
        %dma_wait3A_1006 = tpu.memref_slice %arg10[%dma_wait3A_1004, %dma_wait3A_1005] : memref<51200x8xf32, #tpu.memory_space<vmem_shared>> -> memref<51200x8xf32, #tpu.memory_space<vmem_shared>>
        tpu.wait_indirect_dma semaphore(%arg14 : memref<!tpu.dma_semaphore, #tpu.memory_space<semaphore_mem>>) src(%dma_wait3A_1000 : memref<128x8xf32, #tpu.memory_space<vmem>>) dst(%dma_wait3A_1006 : memref<51200x8xf32, #tpu.memory_space<vmem_shared>>)
        %dma_wait3A_1007 = arith.constant 1 : i32
        %dma_wait3A_1008 = arith.constant 1 : i32
        %dma_wait3A_1009 = arith.constant 1 : i32
        %dma_wait3A_1010 = arith.constant 0 : i32
        %dma_wait3A_1011 = arith.constant 0 : i32
        %dma_wait3A_1012 = tpu.memref_slice %arg9[%dma_wait3A_1007, %dma_wait3A_1008, %dma_wait3A_1010, %dma_wait3A_1011] : memref<2x8x128x8xf32, #tpu.memory_space<vmem>> -> memref<1x1x128x8xf32, #tpu.memory_space<vmem>>
        %dma_wait3A_1013 = tpu.memref_squeeze %dma_wait3A_1012 : memref<1x1x128x8xf32, #tpu.memory_space<vmem>> -> memref<128x8xf32, #tpu.memory_space<vmem>>
        %dma_wait3A_1014 = arith.constant 0 : i32
        %dma_wait3A_1015 = tpu.memref_slice %arg8[%rem3A_637, %dma_wait3A_1009, %dma_wait3A_1014] : memref<4x8x128xi32, #tpu.memory_space<vmem>> -> memref<1x1x128xi32, #tpu.memory_space<vmem>>
        %dma_wait3A_1016 = tpu.memref_squeeze %dma_wait3A_1015 : memref<1x1x128xi32, #tpu.memory_space<vmem>> -> memref<128xi32, #tpu.memory_space<vmem>>
        %dma_wait3A_1017 = arith.constant 0 : i32
        %dma_wait3A_1018 = arith.constant 0 : i32
        %dma_wait3A_1019 = tpu.memref_slice %arg10[%dma_wait3A_1017, %dma_wait3A_1018] : memref<51200x8xf32, #tpu.memory_space<vmem_shared>> -> memref<51200x8xf32, #tpu.memory_space<vmem_shared>>
        tpu.wait_indirect_dma semaphore(%arg14 : memref<!tpu.dma_semaphore, #tpu.memory_space<semaphore_mem>>) src(%dma_wait3A_1013 : memref<128x8xf32, #tpu.memory_space<vmem>>) dst(%dma_wait3A_1019 : memref<51200x8xf32, #tpu.memory_space<vmem_shared>>)
        %dma_wait3A_1020 = arith.constant 1 : i32
        %dma_wait3A_1021 = arith.constant 2 : i32
        %dma_wait3A_1022 = arith.constant 2 : i32
        %dma_wait3A_1023 = arith.constant 0 : i32
        %dma_wait3A_1024 = arith.constant 0 : i32
        %dma_wait3A_1025 = tpu.memref_slice %arg9[%dma_wait3A_1020, %dma_wait3A_1021, %dma_wait3A_1023, %dma_wait3A_1024] : memref<2x8x128x8xf32, #tpu.memory_space<vmem>> -> memref<1x1x128x8xf32, #tpu.memory_space<vmem>>
        %dma_wait3A_1026 = tpu.memref_squeeze %dma_wait3A_1025 : memref<1x1x128x8xf32, #tpu.memory_space<vmem>> -> memref<128x8xf32, #tpu.memory_space<vmem>>
        %dma_wait3A_1027 = arith.constant 0 : i32
        %dma_wait3A_1028 = tpu.memref_slice %arg8[%rem3A_637, %dma_wait3A_1022, %dma_wait3A_1027] : memref<4x8x128xi32, #tpu.memory_space<vmem>> -> memref<1x1x128xi32, #tpu.memory_space<vmem>>
        %dma_wait3A_1029 = tpu.memref_squeeze %dma_wait3A_1028 : memref<1x1x128xi32, #tpu.memory_space<vmem>> -> memref<128xi32, #tpu.memory_space<vmem>>
        %dma_wait3A_1030 = arith.constant 0 : i32
        %dma_wait3A_1031 = arith.constant 0 : i32
        %dma_wait3A_1032 = tpu.memref_slice %arg10[%dma_wait3A_1030, %dma_wait3A_1031] : memref<51200x8xf32, #tpu.memory_space<vmem_shared>> -> memref<51200x8xf32, #tpu.memory_space<vmem_shared>>
        tpu.wait_indirect_dma semaphore(%arg14 : memref<!tpu.dma_semaphore, #tpu.memory_space<semaphore_mem>>) src(%dma_wait3A_1026 : memref<128x8xf32, #tpu.memory_space<vmem>>) dst(%dma_wait3A_1032 : memref<51200x8xf32, #tpu.memory_space<vmem_shared>>)
        %dma_wait3A_1033 = arith.constant 1 : i32
        %dma_wait3A_1034 = arith.constant 3 : i32
        %dma_wait3A_1035 = arith.constant 3 : i32
        %dma_wait3A_1036 = arith.constant 0 : i32
        %dma_wait3A_1037 = arith.constant 0 : i32
        %dma_wait3A_1038 = tpu.memref_slice %arg9[%dma_wait3A_1033, %dma_wait3A_1034, %dma_wait3A_1036, %dma_wait3A_1037] : memref<2x8x128x8xf32, #tpu.memory_space<vmem>> -> memref<1x1x128x8xf32, #tpu.memory_space<vmem>>
        %dma_wait3A_1039 = tpu.memref_squeeze %dma_wait3A_1038 : memref<1x1x128x8xf32, #tpu.memory_space<vmem>> -> memref<128x8xf32, #tpu.memory_space<vmem>>
        %dma_wait3A_1040 = arith.constant 0 : i32
        %dma_wait3A_1041 = tpu.memref_slice %arg8[%rem3A_637, %dma_wait3A_1035, %dma_wait3A_1040] : memref<4x8x128xi32, #tpu.memory_space<vmem>> -> memref<1x1x128xi32, #tpu.memory_space<vmem>>
        %dma_wait3A_1042 = tpu.memref_squeeze %dma_wait3A_1041 : memref<1x1x128xi32, #tpu.memory_space<vmem>> -> memref<128xi32, #tpu.memory_space<vmem>>
        %dma_wait3A_1043 = arith.constant 0 : i32
        %dma_wait3A_1044 = arith.constant 0 : i32
        %dma_wait3A_1045 = tpu.memref_slice %arg10[%dma_wait3A_1043, %dma_wait3A_1044] : memref<51200x8xf32, #tpu.memory_space<vmem_shared>> -> memref<51200x8xf32, #tpu.memory_space<vmem_shared>>
        tpu.wait_indirect_dma semaphore(%arg14 : memref<!tpu.dma_semaphore, #tpu.memory_space<semaphore_mem>>) src(%dma_wait3A_1039 : memref<128x8xf32, #tpu.memory_space<vmem>>) dst(%dma_wait3A_1045 : memref<51200x8xf32, #tpu.memory_space<vmem_shared>>)
        %dma_wait3A_1046 = arith.constant 1 : i32
        %dma_wait3A_1047 = arith.constant 4 : i32
        %dma_wait3A_1048 = arith.constant 4 : i32
        %dma_wait3A_1049 = arith.constant 0 : i32
        %dma_wait3A_1050 = arith.constant 0 : i32
        %dma_wait3A_1051 = tpu.memref_slice %arg9[%dma_wait3A_1046, %dma_wait3A_1047, %dma_wait3A_1049, %dma_wait3A_1050] : memref<2x8x128x8xf32, #tpu.memory_space<vmem>> -> memref<1x1x128x8xf32, #tpu.memory_space<vmem>>
        %dma_wait3A_1052 = tpu.memref_squeeze %dma_wait3A_1051 : memref<1x1x128x8xf32, #tpu.memory_space<vmem>> -> memref<128x8xf32, #tpu.memory_space<vmem>>
        %dma_wait3A_1053 = arith.constant 0 : i32
        %dma_wait3A_1054 = tpu.memref_slice %arg8[%rem3A_637, %dma_wait3A_1048, %dma_wait3A_1053] : memref<4x8x128xi32, #tpu.memory_space<vmem>> -> memref<1x1x128xi32, #tpu.memory_space<vmem>>
        %dma_wait3A_1055 = tpu.memref_squeeze %dma_wait3A_1054 : memref<1x1x128xi32, #tpu.memory_space<vmem>> -> memref<128xi32, #tpu.memory_space<vmem>>
        %dma_wait3A_1056 = arith.constant 0 : i32
        %dma_wait3A_1057 = arith.constant 0 : i32
        %dma_wait3A_1058 = tpu.memref_slice %arg10[%dma_wait3A_1056, %dma_wait3A_1057] : memref<51200x8xf32, #tpu.memory_space<vmem_shared>> -> memref<51200x8xf32, #tpu.memory_space<vmem_shared>>
        tpu.wait_indirect_dma semaphore(%arg14 : memref<!tpu.dma_semaphore, #tpu.memory_space<semaphore_mem>>) src(%dma_wait3A_1052 : memref<128x8xf32, #tpu.memory_space<vmem>>) dst(%dma_wait3A_1058 : memref<51200x8xf32, #tpu.memory_space<vmem_shared>>)
        %dma_wait3A_1059 = arith.constant 1 : i32
        %dma_wait3A_1060 = arith.constant 5 : i32
        %dma_wait3A_1061 = arith.constant 5 : i32
        %dma_wait3A_1062 = arith.constant 0 : i32
        %dma_wait3A_1063 = arith.constant 0 : i32
        %dma_wait3A_1064 = tpu.memref_slice %arg9[%dma_wait3A_1059, %dma_wait3A_1060, %dma_wait3A_1062, %dma_wait3A_1063] : memref<2x8x128x8xf32, #tpu.memory_space<vmem>> -> memref<1x1x128x8xf32, #tpu.memory_space<vmem>>
        %dma_wait3A_1065 = tpu.memref_squeeze %dma_wait3A_1064 : memref<1x1x128x8xf32, #tpu.memory_space<vmem>> -> memref<128x8xf32, #tpu.memory_space<vmem>>
        %dma_wait3A_1066 = arith.constant 0 : i32
        %dma_wait3A_1067 = tpu.memref_slice %arg8[%rem3A_637, %dma_wait3A_1061, %dma_wait3A_1066] : memref<4x8x128xi32, #tpu.memory_space<vmem>> -> memref<1x1x128xi32, #tpu.memory_space<vmem>>
        %dma_wait3A_1068 = tpu.memref_squeeze %dma_wait3A_1067 : memref<1x1x128xi32, #tpu.memory_space<vmem>> -> memref<128xi32, #tpu.memory_space<vmem>>
        %dma_wait3A_1069 = arith.constant 0 : i32
        %dma_wait3A_1070 = arith.constant 0 : i32
        %dma_wait3A_1071 = tpu.memref_slice %arg10[%dma_wait3A_1069, %dma_wait3A_1070] : memref<51200x8xf32, #tpu.memory_space<vmem_shared>> -> memref<51200x8xf32, #tpu.memory_space<vmem_shared>>
        tpu.wait_indirect_dma semaphore(%arg14 : memref<!tpu.dma_semaphore, #tpu.memory_space<semaphore_mem>>) src(%dma_wait3A_1065 : memref<128x8xf32, #tpu.memory_space<vmem>>) dst(%dma_wait3A_1071 : memref<51200x8xf32, #tpu.memory_space<vmem_shared>>)
        %dma_wait3A_1072 = arith.constant 1 : i32
        %dma_wait3A_1073 = arith.constant 6 : i32
        %dma_wait3A_1074 = arith.constant 6 : i32
        %dma_wait3A_1075 = arith.constant 0 : i32
        %dma_wait3A_1076 = arith.constant 0 : i32
        %dma_wait3A_1077 = tpu.memref_slice %arg9[%dma_wait3A_1072, %dma_wait3A_1073, %dma_wait3A_1075, %dma_wait3A_1076] : memref<2x8x128x8xf32, #tpu.memory_space<vmem>> -> memref<1x1x128x8xf32, #tpu.memory_space<vmem>>
        %dma_wait3A_1078 = tpu.memref_squeeze %dma_wait3A_1077 : memref<1x1x128x8xf32, #tpu.memory_space<vmem>> -> memref<128x8xf32, #tpu.memory_space<vmem>>
        %dma_wait3A_1079 = arith.constant 0 : i32
        %dma_wait3A_1080 = tpu.memref_slice %arg8[%rem3A_637, %dma_wait3A_1074, %dma_wait3A_1079] : memref<4x8x128xi32, #tpu.memory_space<vmem>> -> memref<1x1x128xi32, #tpu.memory_space<vmem>>
        %dma_wait3A_1081 = tpu.memref_squeeze %dma_wait3A_1080 : memref<1x1x128xi32, #tpu.memory_space<vmem>> -> memref<128xi32, #tpu.memory_space<vmem>>
        %dma_wait3A_1082 = arith.constant 0 : i32
        %dma_wait3A_1083 = arith.constant 0 : i32
        %dma_wait3A_1084 = tpu.memref_slice %arg10[%dma_wait3A_1082, %dma_wait3A_1083] : memref<51200x8xf32, #tpu.memory_space<vmem_shared>> -> memref<51200x8xf32, #tpu.memory_space<vmem_shared>>
        tpu.wait_indirect_dma semaphore(%arg14 : memref<!tpu.dma_semaphore, #tpu.memory_space<semaphore_mem>>) src(%dma_wait3A_1078 : memref<128x8xf32, #tpu.memory_space<vmem>>) dst(%dma_wait3A_1084 : memref<51200x8xf32, #tpu.memory_space<vmem_shared>>)
        %dma_wait3A_1085 = arith.constant 1 : i32
        %dma_wait3A_1086 = arith.constant 7 : i32
        %dma_wait3A_1087 = arith.constant 7 : i32
        %dma_wait3A_1088 = arith.constant 0 : i32
        %dma_wait3A_1089 = arith.constant 0 : i32
        %dma_wait3A_1090 = tpu.memref_slice %arg9[%dma_wait3A_1085, %dma_wait3A_1086, %dma_wait3A_1088, %dma_wait3A_1089] : memref<2x8x128x8xf32, #tpu.memory_space<vmem>> -> memref<1x1x128x8xf32, #tpu.memory_space<vmem>>
        %dma_wait3A_1091 = tpu.memref_squeeze %dma_wait3A_1090 : memref<1x1x128x8xf32, #tpu.memory_space<vmem>> -> memref<128x8xf32, #tpu.memory_space<vmem>>
        %dma_wait3A_1092 = arith.constant 0 : i32
        %dma_wait3A_1093 = tpu.memref_slice %arg8[%rem3A_637, %dma_wait3A_1087, %dma_wait3A_1092] : memref<4x8x128xi32, #tpu.memory_space<vmem>> -> memref<1x1x128xi32, #tpu.memory_space<vmem>>
        %dma_wait3A_1094 = tpu.memref_squeeze %dma_wait3A_1093 : memref<1x1x128xi32, #tpu.memory_space<vmem>> -> memref<128xi32, #tpu.memory_space<vmem>>
        %dma_wait3A_1095 = arith.constant 0 : i32
        %dma_wait3A_1096 = arith.constant 0 : i32
        %dma_wait3A_1097 = tpu.memref_slice %arg10[%dma_wait3A_1095, %dma_wait3A_1096] : memref<51200x8xf32, #tpu.memory_space<vmem_shared>> -> memref<51200x8xf32, #tpu.memory_space<vmem_shared>>
        tpu.wait_indirect_dma semaphore(%arg14 : memref<!tpu.dma_semaphore, #tpu.memory_space<semaphore_mem>>) src(%dma_wait3A_1091 : memref<128x8xf32, #tpu.memory_space<vmem>>) dst(%dma_wait3A_1097 : memref<51200x8xf32, #tpu.memory_space<vmem_shared>>)
      } else {
      }
      %dma_start3A_682 = arith.constant 0 : i32
      %dma_start3A_683 = arith.constant 1 : i32
      %dma_start3A_684 = arith.constant 0 : i32
      %dma_start3A_685 = arith.constant 0 : i32
      %dma_start3A_686 = arith.constant 0 : i32
      %dma_start3A_687 = tpu.memref_slice %arg9[%dma_start3A_683, %dma_start3A_684, %dma_start3A_685, %dma_start3A_686] : memref<2x8x128x8xf32, #tpu.memory_space<vmem>> -> memref<1x1x128x8xf32, #tpu.memory_space<vmem>>
      %dma_start3A_688 = tpu.memref_squeeze %dma_start3A_687 : memref<1x1x128x8xf32, #tpu.memory_space<vmem>> -> memref<128x8xf32, #tpu.memory_space<vmem>>
      %dma_start3A_689 = arith.constant 0 : i32
      %dma_start3A_690 = tpu.memref_slice %arg7[%rem3A_637, %dma_start3A_682, %dma_start3A_689] : memref<4x8x128xi32, #tpu.memory_space<vmem>> -> memref<1x1x128xi32, #tpu.memory_space<vmem>>
      %dma_start3A_691 = tpu.memref_squeeze %dma_start3A_690 : memref<1x1x128xi32, #tpu.memory_space<vmem>> -> memref<128xi32, #tpu.memory_space<vmem>>
      %dma_start3A_692 = arith.constant 0 : i32
      %dma_start3A_693 = arith.constant 0 : i32
      %dma_start3A_694 = tpu.memref_slice %arg4[%dma_start3A_692, %dma_start3A_693] : memref<102400x8xf32, #tpu.memory_space<hbm>> -> memref<102400x8xf32, #tpu.memory_space<hbm>>
      tpu.enqueue_indirect_dma source(%dma_start3A_694 : memref<102400x8xf32, #tpu.memory_space<hbm>>) target(%dma_start3A_688 : memref<128x8xf32, #tpu.memory_space<vmem>>) offsets(%dma_start3A_691 : memref<128xi32, #tpu.memory_space<vmem>>) semaphore(%arg12 : memref<!tpu.dma_semaphore, #tpu.memory_space<semaphore_mem>>)
      %dma_start3A_695 = arith.constant 1 : i32
      %dma_start3A_696 = arith.constant 1 : i32
      %dma_start3A_697 = arith.constant 1 : i32
      %dma_start3A_698 = arith.constant 0 : i32
      %dma_start3A_699 = arith.constant 0 : i32
      %dma_start3A_700 = tpu.memref_slice %arg9[%dma_start3A_696, %dma_start3A_697, %dma_start3A_698, %dma_start3A_699] : memref<2x8x128x8xf32, #tpu.memory_space<vmem>> -> memref<1x1x128x8xf32, #tpu.memory_space<vmem>>
      %dma_start3A_701 = tpu.memref_squeeze %dma_start3A_700 : memref<1x1x128x8xf32, #tpu.memory_space<vmem>> -> memref<128x8xf32, #tpu.memory_space<vmem>>
      %dma_start3A_702 = arith.constant 0 : i32
      %dma_start3A_703 = tpu.memref_slice %arg7[%rem3A_637, %dma_start3A_695, %dma_start3A_702] : memref<4x8x128xi32, #tpu.memory_space<vmem>> -> memref<1x1x128xi32, #tpu.memory_space<vmem>>
      %dma_start3A_704 = tpu.memref_squeeze %dma_start3A_703 : memref<1x1x128xi32, #tpu.memory_space<vmem>> -> memref<128xi32, #tpu.memory_space<vmem>>
      %dma_start3A_705 = arith.constant 0 : i32
      %dma_start3A_706 = arith.constant 0 : i32
      %dma_start3A_707 = tpu.memref_slice %arg4[%dma_start3A_705, %dma_start3A_706] : memref<102400x8xf32, #tpu.memory_space<hbm>> -> memref<102400x8xf32, #tpu.memory_space<hbm>>
      tpu.enqueue_indirect_dma source(%dma_start3A_707 : memref<102400x8xf32, #tpu.memory_space<hbm>>) target(%dma_start3A_701 : memref<128x8xf32, #tpu.memory_space<vmem>>) offsets(%dma_start3A_704 : memref<128xi32, #tpu.memory_space<vmem>>) semaphore(%arg12 : memref<!tpu.dma_semaphore, #tpu.memory_space<semaphore_mem>>)
      %dma_start3A_708 = arith.constant 2 : i32
      %dma_start3A_709 = arith.constant 1 : i32
      %dma_start3A_710 = arith.constant 2 : i32
      %dma_start3A_711 = arith.constant 0 : i32
      %dma_start3A_712 = arith.constant 0 : i32
      %dma_start3A_713 = tpu.memref_slice %arg9[%dma_start3A_709, %dma_start3A_710, %dma_start3A_711, %dma_start3A_712] : memref<2x8x128x8xf32, #tpu.memory_space<vmem>> -> memref<1x1x128x8xf32, #tpu.memory_space<vmem>>
      %dma_start3A_714 = tpu.memref_squeeze %dma_start3A_713 : memref<1x1x128x8xf32, #tpu.memory_space<vmem>> -> memref<128x8xf32, #tpu.memory_space<vmem>>
      %dma_start3A_715 = arith.constant 0 : i32
      %dma_start3A_716 = tpu.memref_slice %arg7[%rem3A_637, %dma_start3A_708, %dma_start3A_715] : memref<4x8x128xi32, #tpu.memory_space<vmem>> -> memref<1x1x128xi32, #tpu.memory_space<vmem>>
      %dma_start3A_717 = tpu.memref_squeeze %dma_start3A_716 : memref<1x1x128xi32, #tpu.memory_space<vmem>> -> memref<128xi32, #tpu.memory_space<vmem>>
      %dma_start3A_718 = arith.constant 0 : i32
      %dma_start3A_719 = arith.constant 0 : i32
      %dma_start3A_720 = tpu.memref_slice %arg4[%dma_start3A_718, %dma_start3A_719] : memref<102400x8xf32, #tpu.memory_space<hbm>> -> memref<102400x8xf32, #tpu.memory_space<hbm>>
      tpu.enqueue_indirect_dma source(%dma_start3A_720 : memref<102400x8xf32, #tpu.memory_space<hbm>>) target(%dma_start3A_714 : memref<128x8xf32, #tpu.memory_space<vmem>>) offsets(%dma_start3A_717 : memref<128xi32, #tpu.memory_space<vmem>>) semaphore(%arg12 : memref<!tpu.dma_semaphore, #tpu.memory_space<semaphore_mem>>)
      %dma_start3A_721 = arith.constant 3 : i32
      %dma_start3A_722 = arith.constant 1 : i32
      %dma_start3A_723 = arith.constant 3 : i32
      %dma_start3A_724 = arith.constant 0 : i32
      %dma_start3A_725 = arith.constant 0 : i32
      %dma_start3A_726 = tpu.memref_slice %arg9[%dma_start3A_722, %dma_start3A_723, %dma_start3A_724, %dma_start3A_725] : memref<2x8x128x8xf32, #tpu.memory_space<vmem>> -> memref<1x1x128x8xf32, #tpu.memory_space<vmem>>
      %dma_start3A_727 = tpu.memref_squeeze %dma_start3A_726 : memref<1x1x128x8xf32, #tpu.memory_space<vmem>> -> memref<128x8xf32, #tpu.memory_space<vmem>>
      %dma_start3A_728 = arith.constant 0 : i32
      %dma_start3A_729 = tpu.memref_slice %arg7[%rem3A_637, %dma_start3A_721, %dma_start3A_728] : memref<4x8x128xi32, #tpu.memory_space<vmem>> -> memref<1x1x128xi32, #tpu.memory_space<vmem>>
      %dma_start3A_730 = tpu.memref_squeeze %dma_start3A_729 : memref<1x1x128xi32, #tpu.memory_space<vmem>> -> memref<128xi32, #tpu.memory_space<vmem>>
      %dma_start3A_731 = arith.constant 0 : i32
      %dma_start3A_732 = arith.constant 0 : i32
      %dma_start3A_733 = tpu.memref_slice %arg4[%dma_start3A_731, %dma_start3A_732] : memref<102400x8xf32, #tpu.memory_space<hbm>> -> memref<102400x8xf32, #tpu.memory_space<hbm>>
      tpu.enqueue_indirect_dma source(%dma_start3A_733 : memref<102400x8xf32, #tpu.memory_space<hbm>>) target(%dma_start3A_727 : memref<128x8xf32, #tpu.memory_space<vmem>>) offsets(%dma_start3A_730 : memref<128xi32, #tpu.memory_space<vmem>>) semaphore(%arg12 : memref<!tpu.dma_semaphore, #tpu.memory_space<semaphore_mem>>)
      %dma_start3A_734 = arith.constant 4 : i32
      %dma_start3A_735 = arith.constant 1 : i32
      %dma_start3A_736 = arith.constant 4 : i32
      %dma_start3A_737 = arith.constant 0 : i32
      %dma_start3A_738 = arith.constant 0 : i32
      %dma_start3A_739 = tpu.memref_slice %arg9[%dma_start3A_735, %dma_start3A_736, %dma_start3A_737, %dma_start3A_738] : memref<2x8x128x8xf32, #tpu.memory_space<vmem>> -> memref<1x1x128x8xf32, #tpu.memory_space<vmem>>
      %dma_start3A_740 = tpu.memref_squeeze %dma_start3A_739 : memref<1x1x128x8xf32, #tpu.memory_space<vmem>> -> memref<128x8xf32, #tpu.memory_space<vmem>>
      %dma_start3A_741 = arith.constant 0 : i32
      %dma_start3A_742 = tpu.memref_slice %arg7[%rem3A_637, %dma_start3A_734, %dma_start3A_741] : memref<4x8x128xi32, #tpu.memory_space<vmem>> -> memref<1x1x128xi32, #tpu.memory_space<vmem>>
      %dma_start3A_743 = tpu.memref_squeeze %dma_start3A_742 : memref<1x1x128xi32, #tpu.memory_space<vmem>> -> memref<128xi32, #tpu.memory_space<vmem>>
      %dma_start3A_744 = arith.constant 0 : i32
      %dma_start3A_745 = arith.constant 0 : i32
      %dma_start3A_746 = tpu.memref_slice %arg4[%dma_start3A_744, %dma_start3A_745] : memref<102400x8xf32, #tpu.memory_space<hbm>> -> memref<102400x8xf32, #tpu.memory_space<hbm>>
      tpu.enqueue_indirect_dma source(%dma_start3A_746 : memref<102400x8xf32, #tpu.memory_space<hbm>>) target(%dma_start3A_740 : memref<128x8xf32, #tpu.memory_space<vmem>>) offsets(%dma_start3A_743 : memref<128xi32, #tpu.memory_space<vmem>>) semaphore(%arg12 : memref<!tpu.dma_semaphore, #tpu.memory_space<semaphore_mem>>)
      %dma_start3A_747 = arith.constant 5 : i32
      %dma_start3A_748 = arith.constant 1 : i32
      %dma_start3A_749 = arith.constant 5 : i32
      %dma_start3A_750 = arith.constant 0 : i32
      %dma_start3A_751 = arith.constant 0 : i32
      %dma_start3A_752 = tpu.memref_slice %arg9[%dma_start3A_748, %dma_start3A_749, %dma_start3A_750, %dma_start3A_751] : memref<2x8x128x8xf32, #tpu.memory_space<vmem>> -> memref<1x1x128x8xf32, #tpu.memory_space<vmem>>
      %dma_start3A_753 = tpu.memref_squeeze %dma_start3A_752 : memref<1x1x128x8xf32, #tpu.memory_space<vmem>> -> memref<128x8xf32, #tpu.memory_space<vmem>>
      %dma_start3A_754 = arith.constant 0 : i32
      %dma_start3A_755 = tpu.memref_slice %arg7[%rem3A_637, %dma_start3A_747, %dma_start3A_754] : memref<4x8x128xi32, #tpu.memory_space<vmem>> -> memref<1x1x128xi32, #tpu.memory_space<vmem>>
      %dma_start3A_756 = tpu.memref_squeeze %dma_start3A_755 : memref<1x1x128xi32, #tpu.memory_space<vmem>> -> memref<128xi32, #tpu.memory_space<vmem>>
      %dma_start3A_757 = arith.constant 0 : i32
      %dma_start3A_758 = arith.constant 0 : i32
      %dma_start3A_759 = tpu.memref_slice %arg4[%dma_start3A_757, %dma_start3A_758] : memref<102400x8xf32, #tpu.memory_space<hbm>> -> memref<102400x8xf32, #tpu.memory_space<hbm>>
      tpu.enqueue_indirect_dma source(%dma_start3A_759 : memref<102400x8xf32, #tpu.memory_space<hbm>>) target(%dma_start3A_753 : memref<128x8xf32, #tpu.memory_space<vmem>>) offsets(%dma_start3A_756 : memref<128xi32, #tpu.memory_space<vmem>>) semaphore(%arg12 : memref<!tpu.dma_semaphore, #tpu.memory_space<semaphore_mem>>)
      %dma_start3A_760 = arith.constant 6 : i32
      %dma_start3A_761 = arith.constant 1 : i32
      %dma_start3A_762 = arith.constant 6 : i32
      %dma_start3A_763 = arith.constant 0 : i32
      %dma_start3A_764 = arith.constant 0 : i32
      %dma_start3A_765 = tpu.memref_slice %arg9[%dma_start3A_761, %dma_start3A_762, %dma_start3A_763, %dma_start3A_764] : memref<2x8x128x8xf32, #tpu.memory_space<vmem>> -> memref<1x1x128x8xf32, #tpu.memory_space<vmem>>
      %dma_start3A_766 = tpu.memref_squeeze %dma_start3A_765 : memref<1x1x128x8xf32, #tpu.memory_space<vmem>> -> memref<128x8xf32, #tpu.memory_space<vmem>>
      %dma_start3A_767 = arith.constant 0 : i32
      %dma_start3A_768 = tpu.memref_slice %arg7[%rem3A_637, %dma_start3A_760, %dma_start3A_767] : memref<4x8x128xi32, #tpu.memory_space<vmem>> -> memref<1x1x128xi32, #tpu.memory_space<vmem>>
      %dma_start3A_769 = tpu.memref_squeeze %dma_start3A_768 : memref<1x1x128xi32, #tpu.memory_space<vmem>> -> memref<128xi32, #tpu.memory_space<vmem>>
      %dma_start3A_770 = arith.constant 0 : i32
      %dma_start3A_771 = arith.constant 0 : i32
      %dma_start3A_772 = tpu.memref_slice %arg4[%dma_start3A_770, %dma_start3A_771] : memref<102400x8xf32, #tpu.memory_space<hbm>> -> memref<102400x8xf32, #tpu.memory_space<hbm>>
      tpu.enqueue_indirect_dma source(%dma_start3A_772 : memref<102400x8xf32, #tpu.memory_space<hbm>>) target(%dma_start3A_766 : memref<128x8xf32, #tpu.memory_space<vmem>>) offsets(%dma_start3A_769 : memref<128xi32, #tpu.memory_space<vmem>>) semaphore(%arg12 : memref<!tpu.dma_semaphore, #tpu.memory_space<semaphore_mem>>)
      %dma_start3A_773 = arith.constant 7 : i32
      %dma_start3A_774 = arith.constant 1 : i32
      %dma_start3A_775 = arith.constant 7 : i32
      %dma_start3A_776 = arith.constant 0 : i32
      %dma_start3A_777 = arith.constant 0 : i32
      %dma_start3A_778 = tpu.memref_slice %arg9[%dma_start3A_774, %dma_start3A_775, %dma_start3A_776, %dma_start3A_777] : memref<2x8x128x8xf32, #tpu.memory_space<vmem>> -> memref<1x1x128x8xf32, #tpu.memory_space<vmem>>
      %dma_start3A_779 = tpu.memref_squeeze %dma_start3A_778 : memref<1x1x128x8xf32, #tpu.memory_space<vmem>> -> memref<128x8xf32, #tpu.memory_space<vmem>>
      %dma_start3A_780 = arith.constant 0 : i32
      %dma_start3A_781 = tpu.memref_slice %arg7[%rem3A_637, %dma_start3A_773, %dma_start3A_780] : memref<4x8x128xi32, #tpu.memory_space<vmem>> -> memref<1x1x128xi32, #tpu.memory_space<vmem>>
      %dma_start3A_782 = tpu.memref_squeeze %dma_start3A_781 : memref<1x1x128xi32, #tpu.memory_space<vmem>> -> memref<128xi32, #tpu.memory_space<vmem>>
      %dma_start3A_783 = arith.constant 0 : i32
      %dma_start3A_784 = arith.constant 0 : i32
      %dma_start3A_785 = tpu.memref_slice %arg4[%dma_start3A_783, %dma_start3A_784] : memref<102400x8xf32, #tpu.memory_space<hbm>> -> memref<102400x8xf32, #tpu.memory_space<hbm>>
      tpu.enqueue_indirect_dma source(%dma_start3A_785 : memref<102400x8xf32, #tpu.memory_space<hbm>>) target(%dma_start3A_779 : memref<128x8xf32, #tpu.memory_space<vmem>>) offsets(%dma_start3A_782 : memref<128xi32, #tpu.memory_space<vmem>>) semaphore(%arg12 : memref<!tpu.dma_semaphore, #tpu.memory_space<semaphore_mem>>)
      %dma_wait3A_786 = arith.constant 0 : i32
      %dma_wait3A_787 = arith.constant 1 : i32
      %dma_wait3A_788 = arith.constant 0 : i32
      %dma_wait3A_789 = arith.constant 0 : i32
      %dma_wait3A_790 = arith.constant 0 : i32
      %dma_wait3A_791 = tpu.memref_slice %arg9[%dma_wait3A_787, %dma_wait3A_788, %dma_wait3A_789, %dma_wait3A_790] : memref<2x8x128x8xf32, #tpu.memory_space<vmem>> -> memref<1x1x128x8xf32, #tpu.memory_space<vmem>>
      %dma_wait3A_792 = tpu.memref_squeeze %dma_wait3A_791 : memref<1x1x128x8xf32, #tpu.memory_space<vmem>> -> memref<128x8xf32, #tpu.memory_space<vmem>>
      %dma_wait3A_793 = arith.constant 0 : i32
      %dma_wait3A_794 = tpu.memref_slice %arg7[%rem3A_637, %dma_wait3A_786, %dma_wait3A_793] : memref<4x8x128xi32, #tpu.memory_space<vmem>> -> memref<1x1x128xi32, #tpu.memory_space<vmem>>
      %dma_wait3A_795 = tpu.memref_squeeze %dma_wait3A_794 : memref<1x1x128xi32, #tpu.memory_space<vmem>> -> memref<128xi32, #tpu.memory_space<vmem>>
      %dma_wait3A_796 = arith.constant 0 : i32
      %dma_wait3A_797 = arith.constant 0 : i32
      %dma_wait3A_798 = tpu.memref_slice %arg4[%dma_wait3A_796, %dma_wait3A_797] : memref<102400x8xf32, #tpu.memory_space<hbm>> -> memref<102400x8xf32, #tpu.memory_space<hbm>>
      tpu.wait_indirect_dma semaphore(%arg12 : memref<!tpu.dma_semaphore, #tpu.memory_space<semaphore_mem>>) src(%dma_wait3A_798 : memref<102400x8xf32, #tpu.memory_space<hbm>>) dst(%dma_wait3A_792 : memref<128x8xf32, #tpu.memory_space<vmem>>)
      %dma_start3A_799 = arith.constant 1 : i32
      %dma_start3A_800 = arith.constant 0 : i32
      %dma_start3A_801 = arith.constant 0 : i32
      %dma_start3A_802 = arith.constant 0 : i32
      %dma_start3A_803 = arith.constant 0 : i32
      %dma_start3A_804 = tpu.memref_slice %arg9[%dma_start3A_799, %dma_start3A_800, %dma_start3A_802, %dma_start3A_803] : memref<2x8x128x8xf32, #tpu.memory_space<vmem>> -> memref<1x1x128x8xf32, #tpu.memory_space<vmem>>
      %dma_start3A_805 = tpu.memref_squeeze %dma_start3A_804 : memref<1x1x128x8xf32, #tpu.memory_space<vmem>> -> memref<128x8xf32, #tpu.memory_space<vmem>>
      %dma_start3A_806 = arith.constant 0 : i32
      %dma_start3A_807 = tpu.memref_slice %arg8[%rem3A_637, %dma_start3A_801, %dma_start3A_806] : memref<4x8x128xi32, #tpu.memory_space<vmem>> -> memref<1x1x128xi32, #tpu.memory_space<vmem>>
      %dma_start3A_808 = tpu.memref_squeeze %dma_start3A_807 : memref<1x1x128xi32, #tpu.memory_space<vmem>> -> memref<128xi32, #tpu.memory_space<vmem>>
      %dma_start3A_809 = arith.constant 0 : i32
      %dma_start3A_810 = arith.constant 0 : i32
      %dma_start3A_811 = tpu.memref_slice %arg10[%dma_start3A_809, %dma_start3A_810] : memref<51200x8xf32, #tpu.memory_space<vmem_shared>> -> memref<51200x8xf32, #tpu.memory_space<vmem_shared>>
      tpu.enqueue_indirect_dma source(%dma_start3A_805 : memref<128x8xf32, #tpu.memory_space<vmem>>) target(%dma_start3A_811 : memref<51200x8xf32, #tpu.memory_space<vmem_shared>>) offsets(%dma_start3A_808 : memref<128xi32, #tpu.memory_space<vmem>>) semaphore(%arg14 : memref<!tpu.dma_semaphore, #tpu.memory_space<semaphore_mem>>) {add = true}
      %dma_wait3A_812 = arith.constant 1 : i32
      %dma_wait3A_813 = arith.constant 1 : i32
      %dma_wait3A_814 = arith.constant 1 : i32
      %dma_wait3A_815 = arith.constant 0 : i32
      %dma_wait3A_816 = arith.constant 0 : i32
      %dma_wait3A_817 = tpu.memref_slice %arg9[%dma_wait3A_813, %dma_wait3A_814, %dma_wait3A_815, %dma_wait3A_816] : memref<2x8x128x8xf32, #tpu.memory_space<vmem>> -> memref<1x1x128x8xf32, #tpu.memory_space<vmem>>
      %dma_wait3A_818 = tpu.memref_squeeze %dma_wait3A_817 : memref<1x1x128x8xf32, #tpu.memory_space<vmem>> -> memref<128x8xf32, #tpu.memory_space<vmem>>
      %dma_wait3A_819 = arith.constant 0 : i32
      %dma_wait3A_820 = tpu.memref_slice %arg7[%rem3A_637, %dma_wait3A_812, %dma_wait3A_819] : memref<4x8x128xi32, #tpu.memory_space<vmem>> -> memref<1x1x128xi32, #tpu.memory_space<vmem>>
      %dma_wait3A_821 = tpu.memref_squeeze %dma_wait3A_820 : memref<1x1x128xi32, #tpu.memory_space<vmem>> -> memref<128xi32, #tpu.memory_space<vmem>>
      %dma_wait3A_822 = arith.constant 0 : i32
      %dma_wait3A_823 = arith.constant 0 : i32
      %dma_wait3A_824 = tpu.memref_slice %arg4[%dma_wait3A_822, %dma_wait3A_823] : memref<102400x8xf32, #tpu.memory_space<hbm>> -> memref<102400x8xf32, #tpu.memory_space<hbm>>
      tpu.wait_indirect_dma semaphore(%arg12 : memref<!tpu.dma_semaphore, #tpu.memory_space<semaphore_mem>>) src(%dma_wait3A_824 : memref<102400x8xf32, #tpu.memory_space<hbm>>) dst(%dma_wait3A_818 : memref<128x8xf32, #tpu.memory_space<vmem>>)
      %dma_start3A_825 = arith.constant 1 : i32
      %dma_start3A_826 = arith.constant 1 : i32
      %dma_start3A_827 = arith.constant 1 : i32
      %dma_start3A_828 = arith.constant 0 : i32
      %dma_start3A_829 = arith.constant 0 : i32
      %dma_start3A_830 = tpu.memref_slice %arg9[%dma_start3A_825, %dma_start3A_826, %dma_start3A_828, %dma_start3A_829] : memref<2x8x128x8xf32, #tpu.memory_space<vmem>> -> memref<1x1x128x8xf32, #tpu.memory_space<vmem>>
      %dma_start3A_831 = tpu.memref_squeeze %dma_start3A_830 : memref<1x1x128x8xf32, #tpu.memory_space<vmem>> -> memref<128x8xf32, #tpu.memory_space<vmem>>
      %dma_start3A_832 = arith.constant 0 : i32
      %dma_start3A_833 = tpu.memref_slice %arg8[%rem3A_637, %dma_start3A_827, %dma_start3A_832] : memref<4x8x128xi32, #tpu.memory_space<vmem>> -> memref<1x1x128xi32, #tpu.memory_space<vmem>>
      %dma_start3A_834 = tpu.memref_squeeze %dma_start3A_833 : memref<1x1x128xi32, #tpu.memory_space<vmem>> -> memref<128xi32, #tpu.memory_space<vmem>>
      %dma_start3A_835 = arith.constant 0 : i32
      %dma_start3A_836 = arith.constant 0 : i32
      %dma_start3A_837 = tpu.memref_slice %arg10[%dma_start3A_835, %dma_start3A_836] : memref<51200x8xf32, #tpu.memory_space<vmem_shared>> -> memref<51200x8xf32, #tpu.memory_space<vmem_shared>>
      tpu.enqueue_indirect_dma source(%dma_start3A_831 : memref<128x8xf32, #tpu.memory_space<vmem>>) target(%dma_start3A_837 : memref<51200x8xf32, #tpu.memory_space<vmem_shared>>) offsets(%dma_start3A_834 : memref<128xi32, #tpu.memory_space<vmem>>) semaphore(%arg14 : memref<!tpu.dma_semaphore, #tpu.memory_space<semaphore_mem>>) {add = true}
      %dma_wait3A_838 = arith.constant 2 : i32
      %dma_wait3A_839 = arith.constant 1 : i32
      %dma_wait3A_840 = arith.constant 2 : i32
      %dma_wait3A_841 = arith.constant 0 : i32
      %dma_wait3A_842 = arith.constant 0 : i32
      %dma_wait3A_843 = tpu.memref_slice %arg9[%dma_wait3A_839, %dma_wait3A_840, %dma_wait3A_841, %dma_wait3A_842] : memref<2x8x128x8xf32, #tpu.memory_space<vmem>> -> memref<1x1x128x8xf32, #tpu.memory_space<vmem>>
      %dma_wait3A_844 = tpu.memref_squeeze %dma_wait3A_843 : memref<1x1x128x8xf32, #tpu.memory_space<vmem>> -> memref<128x8xf32, #tpu.memory_space<vmem>>
      %dma_wait3A_845 = arith.constant 0 : i32
      %dma_wait3A_846 = tpu.memref_slice %arg7[%rem3A_637, %dma_wait3A_838, %dma_wait3A_845] : memref<4x8x128xi32, #tpu.memory_space<vmem>> -> memref<1x1x128xi32, #tpu.memory_space<vmem>>
      %dma_wait3A_847 = tpu.memref_squeeze %dma_wait3A_846 : memref<1x1x128xi32, #tpu.memory_space<vmem>> -> memref<128xi32, #tpu.memory_space<vmem>>
      %dma_wait3A_848 = arith.constant 0 : i32
      %dma_wait3A_849 = arith.constant 0 : i32
      %dma_wait3A_850 = tpu.memref_slice %arg4[%dma_wait3A_848, %dma_wait3A_849] : memref<102400x8xf32, #tpu.memory_space<hbm>> -> memref<102400x8xf32, #tpu.memory_space<hbm>>
      tpu.wait_indirect_dma semaphore(%arg12 : memref<!tpu.dma_semaphore, #tpu.memory_space<semaphore_mem>>) src(%dma_wait3A_850 : memref<102400x8xf32, #tpu.memory_space<hbm>>) dst(%dma_wait3A_844 : memref<128x8xf32, #tpu.memory_space<vmem>>)
      %dma_start3A_851 = arith.constant 1 : i32
      %dma_start3A_852 = arith.constant 2 : i32
      %dma_start3A_853 = arith.constant 2 : i32
      %dma_start3A_854 = arith.constant 0 : i32
      %dma_start3A_855 = arith.constant 0 : i32
      %dma_start3A_856 = tpu.memref_slice %arg9[%dma_start3A_851, %dma_start3A_852, %dma_start3A_854, %dma_start3A_855] : memref<2x8x128x8xf32, #tpu.memory_space<vmem>> -> memref<1x1x128x8xf32, #tpu.memory_space<vmem>>
      %dma_start3A_857 = tpu.memref_squeeze %dma_start3A_856 : memref<1x1x128x8xf32, #tpu.memory_space<vmem>> -> memref<128x8xf32, #tpu.memory_space<vmem>>
      %dma_start3A_858 = arith.constant 0 : i32
      %dma_start3A_859 = tpu.memref_slice %arg8[%rem3A_637, %dma_start3A_853, %dma_start3A_858] : memref<4x8x128xi32, #tpu.memory_space<vmem>> -> memref<1x1x128xi32, #tpu.memory_space<vmem>>
      %dma_start3A_860 = tpu.memref_squeeze %dma_start3A_859 : memref<1x1x128xi32, #tpu.memory_space<vmem>> -> memref<128xi32, #tpu.memory_space<vmem>>
      %dma_start3A_861 = arith.constant 0 : i32
      %dma_start3A_862 = arith.constant 0 : i32
      %dma_start3A_863 = tpu.memref_slice %arg10[%dma_start3A_861, %dma_start3A_862] : memref<51200x8xf32, #tpu.memory_space<vmem_shared>> -> memref<51200x8xf32, #tpu.memory_space<vmem_shared>>
      tpu.enqueue_indirect_dma source(%dma_start3A_857 : memref<128x8xf32, #tpu.memory_space<vmem>>) target(%dma_start3A_863 : memref<51200x8xf32, #tpu.memory_space<vmem_shared>>) offsets(%dma_start3A_860 : memref<128xi32, #tpu.memory_space<vmem>>) semaphore(%arg14 : memref<!tpu.dma_semaphore, #tpu.memory_space<semaphore_mem>>) {add = true}
      %dma_wait3A_864 = arith.constant 3 : i32
      %dma_wait3A_865 = arith.constant 1 : i32
      %dma_wait3A_866 = arith.constant 3 : i32
      %dma_wait3A_867 = arith.constant 0 : i32
      %dma_wait3A_868 = arith.constant 0 : i32
      %dma_wait3A_869 = tpu.memref_slice %arg9[%dma_wait3A_865, %dma_wait3A_866, %dma_wait3A_867, %dma_wait3A_868] : memref<2x8x128x8xf32, #tpu.memory_space<vmem>> -> memref<1x1x128x8xf32, #tpu.memory_space<vmem>>
      %dma_wait3A_870 = tpu.memref_squeeze %dma_wait3A_869 : memref<1x1x128x8xf32, #tpu.memory_space<vmem>> -> memref<128x8xf32, #tpu.memory_space<vmem>>
      %dma_wait3A_871 = arith.constant 0 : i32
      %dma_wait3A_872 = tpu.memref_slice %arg7[%rem3A_637, %dma_wait3A_864, %dma_wait3A_871] : memref<4x8x128xi32, #tpu.memory_space<vmem>> -> memref<1x1x128xi32, #tpu.memory_space<vmem>>
      %dma_wait3A_873 = tpu.memref_squeeze %dma_wait3A_872 : memref<1x1x128xi32, #tpu.memory_space<vmem>> -> memref<128xi32, #tpu.memory_space<vmem>>
      %dma_wait3A_874 = arith.constant 0 : i32
      %dma_wait3A_875 = arith.constant 0 : i32
      %dma_wait3A_876 = tpu.memref_slice %arg4[%dma_wait3A_874, %dma_wait3A_875] : memref<102400x8xf32, #tpu.memory_space<hbm>> -> memref<102400x8xf32, #tpu.memory_space<hbm>>
      tpu.wait_indirect_dma semaphore(%arg12 : memref<!tpu.dma_semaphore, #tpu.memory_space<semaphore_mem>>) src(%dma_wait3A_876 : memref<102400x8xf32, #tpu.memory_space<hbm>>) dst(%dma_wait3A_870 : memref<128x8xf32, #tpu.memory_space<vmem>>)
      %dma_start3A_877 = arith.constant 1 : i32
      %dma_start3A_878 = arith.constant 3 : i32
      %dma_start3A_879 = arith.constant 3 : i32
      %dma_start3A_880 = arith.constant 0 : i32
      %dma_start3A_881 = arith.constant 0 : i32
      %dma_start3A_882 = tpu.memref_slice %arg9[%dma_start3A_877, %dma_start3A_878, %dma_start3A_880, %dma_start3A_881] : memref<2x8x128x8xf32, #tpu.memory_space<vmem>> -> memref<1x1x128x8xf32, #tpu.memory_space<vmem>>
      %dma_start3A_883 = tpu.memref_squeeze %dma_start3A_882 : memref<1x1x128x8xf32, #tpu.memory_space<vmem>> -> memref<128x8xf32, #tpu.memory_space<vmem>>
      %dma_start3A_884 = arith.constant 0 : i32
      %dma_start3A_885 = tpu.memref_slice %arg8[%rem3A_637, %dma_start3A_879, %dma_start3A_884] : memref<4x8x128xi32, #tpu.memory_space<vmem>> -> memref<1x1x128xi32, #tpu.memory_space<vmem>>
      %dma_start3A_886 = tpu.memref_squeeze %dma_start3A_885 : memref<1x1x128xi32, #tpu.memory_space<vmem>> -> memref<128xi32, #tpu.memory_space<vmem>>
      %dma_start3A_887 = arith.constant 0 : i32
      %dma_start3A_888 = arith.constant 0 : i32
      %dma_start3A_889 = tpu.memref_slice %arg10[%dma_start3A_887, %dma_start3A_888] : memref<51200x8xf32, #tpu.memory_space<vmem_shared>> -> memref<51200x8xf32, #tpu.memory_space<vmem_shared>>
      tpu.enqueue_indirect_dma source(%dma_start3A_883 : memref<128x8xf32, #tpu.memory_space<vmem>>) target(%dma_start3A_889 : memref<51200x8xf32, #tpu.memory_space<vmem_shared>>) offsets(%dma_start3A_886 : memref<128xi32, #tpu.memory_space<vmem>>) semaphore(%arg14 : memref<!tpu.dma_semaphore, #tpu.memory_space<semaphore_mem>>) {add = true}
      %dma_wait3A_890 = arith.constant 4 : i32
      %dma_wait3A_891 = arith.constant 1 : i32
      %dma_wait3A_892 = arith.constant 4 : i32
      %dma_wait3A_893 = arith.constant 0 : i32
      %dma_wait3A_894 = arith.constant 0 : i32
      %dma_wait3A_895 = tpu.memref_slice %arg9[%dma_wait3A_891, %dma_wait3A_892, %dma_wait3A_893, %dma_wait3A_894] : memref<2x8x128x8xf32, #tpu.memory_space<vmem>> -> memref<1x1x128x8xf32, #tpu.memory_space<vmem>>
      %dma_wait3A_896 = tpu.memref_squeeze %dma_wait3A_895 : memref<1x1x128x8xf32, #tpu.memory_space<vmem>> -> memref<128x8xf32, #tpu.memory_space<vmem>>
      %dma_wait3A_897 = arith.constant 0 : i32
      %dma_wait3A_898 = tpu.memref_slice %arg7[%rem3A_637, %dma_wait3A_890, %dma_wait3A_897] : memref<4x8x128xi32, #tpu.memory_space<vmem>> -> memref<1x1x128xi32, #tpu.memory_space<vmem>>
      %dma_wait3A_899 = tpu.memref_squeeze %dma_wait3A_898 : memref<1x1x128xi32, #tpu.memory_space<vmem>> -> memref<128xi32, #tpu.memory_space<vmem>>
      %dma_wait3A_900 = arith.constant 0 : i32
      %dma_wait3A_901 = arith.constant 0 : i32
      %dma_wait3A_902 = tpu.memref_slice %arg4[%dma_wait3A_900, %dma_wait3A_901] : memref<102400x8xf32, #tpu.memory_space<hbm>> -> memref<102400x8xf32, #tpu.memory_space<hbm>>
      tpu.wait_indirect_dma semaphore(%arg12 : memref<!tpu.dma_semaphore, #tpu.memory_space<semaphore_mem>>) src(%dma_wait3A_902 : memref<102400x8xf32, #tpu.memory_space<hbm>>) dst(%dma_wait3A_896 : memref<128x8xf32, #tpu.memory_space<vmem>>)
      %dma_start3A_903 = arith.constant 1 : i32
      %dma_start3A_904 = arith.constant 4 : i32
      %dma_start3A_905 = arith.constant 4 : i32
      %dma_start3A_906 = arith.constant 0 : i32
      %dma_start3A_907 = arith.constant 0 : i32
      %dma_start3A_908 = tpu.memref_slice %arg9[%dma_start3A_903, %dma_start3A_904, %dma_start3A_906, %dma_start3A_907] : memref<2x8x128x8xf32, #tpu.memory_space<vmem>> -> memref<1x1x128x8xf32, #tpu.memory_space<vmem>>
      %dma_start3A_909 = tpu.memref_squeeze %dma_start3A_908 : memref<1x1x128x8xf32, #tpu.memory_space<vmem>> -> memref<128x8xf32, #tpu.memory_space<vmem>>
      %dma_start3A_910 = arith.constant 0 : i32
      %dma_start3A_911 = tpu.memref_slice %arg8[%rem3A_637, %dma_start3A_905, %dma_start3A_910] : memref<4x8x128xi32, #tpu.memory_space<vmem>> -> memref<1x1x128xi32, #tpu.memory_space<vmem>>
      %dma_start3A_912 = tpu.memref_squeeze %dma_start3A_911 : memref<1x1x128xi32, #tpu.memory_space<vmem>> -> memref<128xi32, #tpu.memory_space<vmem>>
      %dma_start3A_913 = arith.constant 0 : i32
      %dma_start3A_914 = arith.constant 0 : i32
      %dma_start3A_915 = tpu.memref_slice %arg10[%dma_start3A_913, %dma_start3A_914] : memref<51200x8xf32, #tpu.memory_space<vmem_shared>> -> memref<51200x8xf32, #tpu.memory_space<vmem_shared>>
      tpu.enqueue_indirect_dma source(%dma_start3A_909 : memref<128x8xf32, #tpu.memory_space<vmem>>) target(%dma_start3A_915 : memref<51200x8xf32, #tpu.memory_space<vmem_shared>>) offsets(%dma_start3A_912 : memref<128xi32, #tpu.memory_space<vmem>>) semaphore(%arg14 : memref<!tpu.dma_semaphore, #tpu.memory_space<semaphore_mem>>) {add = true}
      %dma_wait3A_916 = arith.constant 5 : i32
      %dma_wait3A_917 = arith.constant 1 : i32
      %dma_wait3A_918 = arith.constant 5 : i32
      %dma_wait3A_919 = arith.constant 0 : i32
      %dma_wait3A_920 = arith.constant 0 : i32
      %dma_wait3A_921 = tpu.memref_slice %arg9[%dma_wait3A_917, %dma_wait3A_918, %dma_wait3A_919, %dma_wait3A_920] : memref<2x8x128x8xf32, #tpu.memory_space<vmem>> -> memref<1x1x128x8xf32, #tpu.memory_space<vmem>>
      %dma_wait3A_922 = tpu.memref_squeeze %dma_wait3A_921 : memref<1x1x128x8xf32, #tpu.memory_space<vmem>> -> memref<128x8xf32, #tpu.memory_space<vmem>>
      %dma_wait3A_923 = arith.constant 0 : i32
      %dma_wait3A_924 = tpu.memref_slice %arg7[%rem3A_637, %dma_wait3A_916, %dma_wait3A_923] : memref<4x8x128xi32, #tpu.memory_space<vmem>> -> memref<1x1x128xi32, #tpu.memory_space<vmem>>
      %dma_wait3A_925 = tpu.memref_squeeze %dma_wait3A_924 : memref<1x1x128xi32, #tpu.memory_space<vmem>> -> memref<128xi32, #tpu.memory_space<vmem>>
      %dma_wait3A_926 = arith.constant 0 : i32
      %dma_wait3A_927 = arith.constant 0 : i32
      %dma_wait3A_928 = tpu.memref_slice %arg4[%dma_wait3A_926, %dma_wait3A_927] : memref<102400x8xf32, #tpu.memory_space<hbm>> -> memref<102400x8xf32, #tpu.memory_space<hbm>>
      tpu.wait_indirect_dma semaphore(%arg12 : memref<!tpu.dma_semaphore, #tpu.memory_space<semaphore_mem>>) src(%dma_wait3A_928 : memref<102400x8xf32, #tpu.memory_space<hbm>>) dst(%dma_wait3A_922 : memref<128x8xf32, #tpu.memory_space<vmem>>)
      %dma_start3A_929 = arith.constant 1 : i32
      %dma_start3A_930 = arith.constant 5 : i32
      %dma_start3A_931 = arith.constant 5 : i32
      %dma_start3A_932 = arith.constant 0 : i32
      %dma_start3A_933 = arith.constant 0 : i32
      %dma_start3A_934 = tpu.memref_slice %arg9[%dma_start3A_929, %dma_start3A_930, %dma_start3A_932, %dma_start3A_933] : memref<2x8x128x8xf32, #tpu.memory_space<vmem>> -> memref<1x1x128x8xf32, #tpu.memory_space<vmem>>
      %dma_start3A_935 = tpu.memref_squeeze %dma_start3A_934 : memref<1x1x128x8xf32, #tpu.memory_space<vmem>> -> memref<128x8xf32, #tpu.memory_space<vmem>>
      %dma_start3A_936 = arith.constant 0 : i32
      %dma_start3A_937 = tpu.memref_slice %arg8[%rem3A_637, %dma_start3A_931, %dma_start3A_936] : memref<4x8x128xi32, #tpu.memory_space<vmem>> -> memref<1x1x128xi32, #tpu.memory_space<vmem>>
      %dma_start3A_938 = tpu.memref_squeeze %dma_start3A_937 : memref<1x1x128xi32, #tpu.memory_space<vmem>> -> memref<128xi32, #tpu.memory_space<vmem>>
      %dma_start3A_939 = arith.constant 0 : i32
      %dma_start3A_940 = arith.constant 0 : i32
      %dma_start3A_941 = tpu.memref_slice %arg10[%dma_start3A_939, %dma_start3A_940] : memref<51200x8xf32, #tpu.memory_space<vmem_shared>> -> memref<51200x8xf32, #tpu.memory_space<vmem_shared>>
      tpu.enqueue_indirect_dma source(%dma_start3A_935 : memref<128x8xf32, #tpu.memory_space<vmem>>) target(%dma_start3A_941 : memref<51200x8xf32, #tpu.memory_space<vmem_shared>>) offsets(%dma_start3A_938 : memref<128xi32, #tpu.memory_space<vmem>>) semaphore(%arg14 : memref<!tpu.dma_semaphore, #tpu.memory_space<semaphore_mem>>) {add = true}
      %dma_wait3A_942 = arith.constant 6 : i32
      %dma_wait3A_943 = arith.constant 1 : i32
      %dma_wait3A_944 = arith.constant 6 : i32
      %dma_wait3A_945 = arith.constant 0 : i32
      %dma_wait3A_946 = arith.constant 0 : i32
      %dma_wait3A_947 = tpu.memref_slice %arg9[%dma_wait3A_943, %dma_wait3A_944, %dma_wait3A_945, %dma_wait3A_946] : memref<2x8x128x8xf32, #tpu.memory_space<vmem>> -> memref<1x1x128x8xf32, #tpu.memory_space<vmem>>
      %dma_wait3A_948 = tpu.memref_squeeze %dma_wait3A_947 : memref<1x1x128x8xf32, #tpu.memory_space<vmem>> -> memref<128x8xf32, #tpu.memory_space<vmem>>
      %dma_wait3A_949 = arith.constant 0 : i32
      %dma_wait3A_950 = tpu.memref_slice %arg7[%rem3A_637, %dma_wait3A_942, %dma_wait3A_949] : memref<4x8x128xi32, #tpu.memory_space<vmem>> -> memref<1x1x128xi32, #tpu.memory_space<vmem>>
      %dma_wait3A_951 = tpu.memref_squeeze %dma_wait3A_950 : memref<1x1x128xi32, #tpu.memory_space<vmem>> -> memref<128xi32, #tpu.memory_space<vmem>>
      %dma_wait3A_952 = arith.constant 0 : i32
      %dma_wait3A_953 = arith.constant 0 : i32
      %dma_wait3A_954 = tpu.memref_slice %arg4[%dma_wait3A_952, %dma_wait3A_953] : memref<102400x8xf32, #tpu.memory_space<hbm>> -> memref<102400x8xf32, #tpu.memory_space<hbm>>
      tpu.wait_indirect_dma semaphore(%arg12 : memref<!tpu.dma_semaphore, #tpu.memory_space<semaphore_mem>>) src(%dma_wait3A_954 : memref<102400x8xf32, #tpu.memory_space<hbm>>) dst(%dma_wait3A_948 : memref<128x8xf32, #tpu.memory_space<vmem>>)
      %dma_start3A_955 = arith.constant 1 : i32
      %dma_start3A_956 = arith.constant 6 : i32
      %dma_start3A_957 = arith.constant 6 : i32
      %dma_start3A_958 = arith.constant 0 : i32
      %dma_start3A_959 = arith.constant 0 : i32
      %dma_start3A_960 = tpu.memref_slice %arg9[%dma_start3A_955, %dma_start3A_956, %dma_start3A_958, %dma_start3A_959] : memref<2x8x128x8xf32, #tpu.memory_space<vmem>> -> memref<1x1x128x8xf32, #tpu.memory_space<vmem>>
      %dma_start3A_961 = tpu.memref_squeeze %dma_start3A_960 : memref<1x1x128x8xf32, #tpu.memory_space<vmem>> -> memref<128x8xf32, #tpu.memory_space<vmem>>
      %dma_start3A_962 = arith.constant 0 : i32
      %dma_start3A_963 = tpu.memref_slice %arg8[%rem3A_637, %dma_start3A_957, %dma_start3A_962] : memref<4x8x128xi32, #tpu.memory_space<vmem>> -> memref<1x1x128xi32, #tpu.memory_space<vmem>>
      %dma_start3A_964 = tpu.memref_squeeze %dma_start3A_963 : memref<1x1x128xi32, #tpu.memory_space<vmem>> -> memref<128xi32, #tpu.memory_space<vmem>>
      %dma_start3A_965 = arith.constant 0 : i32
      %dma_start3A_966 = arith.constant 0 : i32
      %dma_start3A_967 = tpu.memref_slice %arg10[%dma_start3A_965, %dma_start3A_966] : memref<51200x8xf32, #tpu.memory_space<vmem_shared>> -> memref<51200x8xf32, #tpu.memory_space<vmem_shared>>
      tpu.enqueue_indirect_dma source(%dma_start3A_961 : memref<128x8xf32, #tpu.memory_space<vmem>>) target(%dma_start3A_967 : memref<51200x8xf32, #tpu.memory_space<vmem_shared>>) offsets(%dma_start3A_964 : memref<128xi32, #tpu.memory_space<vmem>>) semaphore(%arg14 : memref<!tpu.dma_semaphore, #tpu.memory_space<semaphore_mem>>) {add = true}
      %dma_wait3A_968 = arith.constant 7 : i32
      %dma_wait3A_969 = arith.constant 1 : i32
      %dma_wait3A_970 = arith.constant 7 : i32
      %dma_wait3A_971 = arith.constant 0 : i32
      %dma_wait3A_972 = arith.constant 0 : i32
      %dma_wait3A_973 = tpu.memref_slice %arg9[%dma_wait3A_969, %dma_wait3A_970, %dma_wait3A_971, %dma_wait3A_972] : memref<2x8x128x8xf32, #tpu.memory_space<vmem>> -> memref<1x1x128x8xf32, #tpu.memory_space<vmem>>
      %dma_wait3A_974 = tpu.memref_squeeze %dma_wait3A_973 : memref<1x1x128x8xf32, #tpu.memory_space<vmem>> -> memref<128x8xf32, #tpu.memory_space<vmem>>
      %dma_wait3A_975 = arith.constant 0 : i32
      %dma_wait3A_976 = tpu.memref_slice %arg7[%rem3A_637, %dma_wait3A_968, %dma_wait3A_975] : memref<4x8x128xi32, #tpu.memory_space<vmem>> -> memref<1x1x128xi32, #tpu.memory_space<vmem>>
      %dma_wait3A_977 = tpu.memref_squeeze %dma_wait3A_976 : memref<1x1x128xi32, #tpu.memory_space<vmem>> -> memref<128xi32, #tpu.memory_space<vmem>>
      %dma_wait3A_978 = arith.constant 0 : i32
      %dma_wait3A_979 = arith.constant 0 : i32
      %dma_wait3A_980 = tpu.memref_slice %arg4[%dma_wait3A_978, %dma_wait3A_979] : memref<102400x8xf32, #tpu.memory_space<hbm>> -> memref<102400x8xf32, #tpu.memory_space<hbm>>
      tpu.wait_indirect_dma semaphore(%arg12 : memref<!tpu.dma_semaphore, #tpu.memory_space<semaphore_mem>>) src(%dma_wait3A_980 : memref<102400x8xf32, #tpu.memory_space<hbm>>) dst(%dma_wait3A_974 : memref<128x8xf32, #tpu.memory_space<vmem>>)
      %dma_start3A_981 = arith.constant 1 : i32
      %dma_start3A_982 = arith.constant 7 : i32
      %dma_start3A_983 = arith.constant 7 : i32
      %dma_start3A_984 = arith.constant 0 : i32
      %dma_start3A_985 = arith.constant 0 : i32
      %dma_start3A_986 = tpu.memref_slice %arg9[%dma_start3A_981, %dma_start3A_982, %dma_start3A_984, %dma_start3A_985] : memref<2x8x128x8xf32, #tpu.memory_space<vmem>> -> memref<1x1x128x8xf32, #tpu.memory_space<vmem>>
      %dma_start3A_987 = tpu.memref_squeeze %dma_start3A_986 : memref<1x1x128x8xf32, #tpu.memory_space<vmem>> -> memref<128x8xf32, #tpu.memory_space<vmem>>
      %dma_start3A_988 = arith.constant 0 : i32
      %dma_start3A_989 = tpu.memref_slice %arg8[%rem3A_637, %dma_start3A_983, %dma_start3A_988] : memref<4x8x128xi32, #tpu.memory_space<vmem>> -> memref<1x1x128xi32, #tpu.memory_space<vmem>>
      %dma_start3A_990 = tpu.memref_squeeze %dma_start3A_989 : memref<1x1x128xi32, #tpu.memory_space<vmem>> -> memref<128xi32, #tpu.memory_space<vmem>>
      %dma_start3A_991 = arith.constant 0 : i32
      %dma_start3A_992 = arith.constant 0 : i32
      %dma_start3A_993 = tpu.memref_slice %arg10[%dma_start3A_991, %dma_start3A_992] : memref<51200x8xf32, #tpu.memory_space<vmem_shared>> -> memref<51200x8xf32, #tpu.memory_space<vmem_shared>>
      tpu.enqueue_indirect_dma source(%dma_start3A_987 : memref<128x8xf32, #tpu.memory_space<vmem>>) target(%dma_start3A_993 : memref<51200x8xf32, #tpu.memory_space<vmem_shared>>) offsets(%dma_start3A_990 : memref<128xi32, #tpu.memory_space<vmem>>) semaphore(%arg14 : memref<!tpu.dma_semaphore, #tpu.memory_space<semaphore_mem>>) {add = true}
    }
    %scan3A_42 = arith.constant 25 : i32
    %dma_wait3A = arith.constant 0 : i32
    %dma_wait3A_43 = arith.constant 0 : i32
    %dma_wait3A_44 = arith.constant 0 : i32
    %dma_wait3A_45 = arith.constant 0 : i32
    %dma_wait3A_46 = arith.constant 0 : i32
    %dma_wait3A_47 = arith.constant 0 : i32
    %dma_wait3A_48 = tpu.memref_slice %arg9[%dma_wait3A, %dma_wait3A_43, %dma_wait3A_46, %dma_wait3A_47] : memref<2x8x128x8xf32, #tpu.memory_space<vmem>> -> memref<1x1x128x8xf32, #tpu.memory_space<vmem>>
    %dma_wait3A_49 = tpu.memref_squeeze %dma_wait3A_48 : memref<1x1x128x8xf32, #tpu.memory_space<vmem>> -> memref<128x8xf32, #tpu.memory_space<vmem>>
    %dma_wait3A_50 = arith.constant 0 : i32
    %dma_wait3A_51 = tpu.memref_slice %arg8[%dma_wait3A_44, %dma_wait3A_45, %dma_wait3A_50] : memref<4x8x128xi32, #tpu.memory_space<vmem>> -> memref<1x1x128xi32, #tpu.memory_space<vmem>>
    %dma_wait3A_52 = tpu.memref_squeeze %dma_wait3A_51 : memref<1x1x128xi32, #tpu.memory_space<vmem>> -> memref<128xi32, #tpu.memory_space<vmem>>
    %dma_wait3A_53 = arith.constant 0 : i32
    %dma_wait3A_54 = arith.constant 0 : i32
    %dma_wait3A_55 = tpu.memref_slice %arg10[%dma_wait3A_53, %dma_wait3A_54] : memref<51200x8xf32, #tpu.memory_space<vmem_shared>> -> memref<51200x8xf32, #tpu.memory_space<vmem_shared>>
    tpu.wait_indirect_dma semaphore(%arg13 : memref<!tpu.dma_semaphore, #tpu.memory_space<semaphore_mem>>) src(%dma_wait3A_49 : memref<128x8xf32, #tpu.memory_space<vmem>>) dst(%dma_wait3A_55 : memref<51200x8xf32, #tpu.memory_space<vmem_shared>>)
    %dma_wait3A_56 = arith.constant 0 : i32
    %dma_wait3A_57 = arith.constant 1 : i32
    %dma_wait3A_58 = arith.constant 0 : i32
    %dma_wait3A_59 = arith.constant 1 : i32
    %dma_wait3A_60 = arith.constant 0 : i32
    %dma_wait3A_61 = arith.constant 0 : i32
    %dma_wait3A_62 = tpu.memref_slice %arg9[%dma_wait3A_56, %dma_wait3A_57, %dma_wait3A_60, %dma_wait3A_61] : memref<2x8x128x8xf32, #tpu.memory_space<vmem>> -> memref<1x1x128x8xf32, #tpu.memory_space<vmem>>
    %dma_wait3A_63 = tpu.memref_squeeze %dma_wait3A_62 : memref<1x1x128x8xf32, #tpu.memory_space<vmem>> -> memref<128x8xf32, #tpu.memory_space<vmem>>
    %dma_wait3A_64 = arith.constant 0 : i32
    %dma_wait3A_65 = tpu.memref_slice %arg8[%dma_wait3A_58, %dma_wait3A_59, %dma_wait3A_64] : memref<4x8x128xi32, #tpu.memory_space<vmem>> -> memref<1x1x128xi32, #tpu.memory_space<vmem>>
    %dma_wait3A_66 = tpu.memref_squeeze %dma_wait3A_65 : memref<1x1x128xi32, #tpu.memory_space<vmem>> -> memref<128xi32, #tpu.memory_space<vmem>>
    %dma_wait3A_67 = arith.constant 0 : i32
    %dma_wait3A_68 = arith.constant 0 : i32
    %dma_wait3A_69 = tpu.memref_slice %arg10[%dma_wait3A_67, %dma_wait3A_68] : memref<51200x8xf32, #tpu.memory_space<vmem_shared>> -> memref<51200x8xf32, #tpu.memory_space<vmem_shared>>
    tpu.wait_indirect_dma semaphore(%arg13 : memref<!tpu.dma_semaphore, #tpu.memory_space<semaphore_mem>>) src(%dma_wait3A_63 : memref<128x8xf32, #tpu.memory_space<vmem>>) dst(%dma_wait3A_69 : memref<51200x8xf32, #tpu.memory_space<vmem_shared>>)
    %dma_wait3A_70 = arith.constant 0 : i32
    %dma_wait3A_71 = arith.constant 2 : i32
    %dma_wait3A_72 = arith.constant 0 : i32
    %dma_wait3A_73 = arith.constant 2 : i32
    %dma_wait3A_74 = arith.constant 0 : i32
    %dma_wait3A_75 = arith.constant 0 : i32
    %dma_wait3A_76 = tpu.memref_slice %arg9[%dma_wait3A_70, %dma_wait3A_71, %dma_wait3A_74, %dma_wait3A_75] : memref<2x8x128x8xf32, #tpu.memory_space<vmem>> -> memref<1x1x128x8xf32, #tpu.memory_space<vmem>>
    %dma_wait3A_77 = tpu.memref_squeeze %dma_wait3A_76 : memref<1x1x128x8xf32, #tpu.memory_space<vmem>> -> memref<128x8xf32, #tpu.memory_space<vmem>>
    %dma_wait3A_78 = arith.constant 0 : i32
    %dma_wait3A_79 = tpu.memref_slice %arg8[%dma_wait3A_72, %dma_wait3A_73, %dma_wait3A_78] : memref<4x8x128xi32, #tpu.memory_space<vmem>> -> memref<1x1x128xi32, #tpu.memory_space<vmem>>
    %dma_wait3A_80 = tpu.memref_squeeze %dma_wait3A_79 : memref<1x1x128xi32, #tpu.memory_space<vmem>> -> memref<128xi32, #tpu.memory_space<vmem>>
    %dma_wait3A_81 = arith.constant 0 : i32
    %dma_wait3A_82 = arith.constant 0 : i32
    %dma_wait3A_83 = tpu.memref_slice %arg10[%dma_wait3A_81, %dma_wait3A_82] : memref<51200x8xf32, #tpu.memory_space<vmem_shared>> -> memref<51200x8xf32, #tpu.memory_space<vmem_shared>>
    tpu.wait_indirect_dma semaphore(%arg13 : memref<!tpu.dma_semaphore, #tpu.memory_space<semaphore_mem>>) src(%dma_wait3A_77 : memref<128x8xf32, #tpu.memory_space<vmem>>) dst(%dma_wait3A_83 : memref<51200x8xf32, #tpu.memory_space<vmem_shared>>)
    %dma_wait3A_84 = arith.constant 0 : i32
    %dma_wait3A_85 = arith.constant 3 : i32
    %dma_wait3A_86 = arith.constant 0 : i32
    %dma_wait3A_87 = arith.constant 3 : i32
    %dma_wait3A_88 = arith.constant 0 : i32
    %dma_wait3A_89 = arith.constant 0 : i32
    %dma_wait3A_90 = tpu.memref_slice %arg9[%dma_wait3A_84, %dma_wait3A_85, %dma_wait3A_88, %dma_wait3A_89] : memref<2x8x128x8xf32, #tpu.memory_space<vmem>> -> memref<1x1x128x8xf32, #tpu.memory_space<vmem>>
    %dma_wait3A_91 = tpu.memref_squeeze %dma_wait3A_90 : memref<1x1x128x8xf32, #tpu.memory_space<vmem>> -> memref<128x8xf32, #tpu.memory_space<vmem>>
    %dma_wait3A_92 = arith.constant 0 : i32
    %dma_wait3A_93 = tpu.memref_slice %arg8[%dma_wait3A_86, %dma_wait3A_87, %dma_wait3A_92] : memref<4x8x128xi32, #tpu.memory_space<vmem>> -> memref<1x1x128xi32, #tpu.memory_space<vmem>>
    %dma_wait3A_94 = tpu.memref_squeeze %dma_wait3A_93 : memref<1x1x128xi32, #tpu.memory_space<vmem>> -> memref<128xi32, #tpu.memory_space<vmem>>
    %dma_wait3A_95 = arith.constant 0 : i32
    %dma_wait3A_96 = arith.constant 0 : i32
    %dma_wait3A_97 = tpu.memref_slice %arg10[%dma_wait3A_95, %dma_wait3A_96] : memref<51200x8xf32, #tpu.memory_space<vmem_shared>> -> memref<51200x8xf32, #tpu.memory_space<vmem_shared>>
    tpu.wait_indirect_dma semaphore(%arg13 : memref<!tpu.dma_semaphore, #tpu.memory_space<semaphore_mem>>) src(%dma_wait3A_91 : memref<128x8xf32, #tpu.memory_space<vmem>>) dst(%dma_wait3A_97 : memref<51200x8xf32, #tpu.memory_space<vmem_shared>>)
    %dma_wait3A_98 = arith.constant 0 : i32
    %dma_wait3A_99 = arith.constant 4 : i32
    %dma_wait3A_100 = arith.constant 0 : i32
    %dma_wait3A_101 = arith.constant 4 : i32
    %dma_wait3A_102 = arith.constant 0 : i32
    %dma_wait3A_103 = arith.constant 0 : i32
    %dma_wait3A_104 = tpu.memref_slice %arg9[%dma_wait3A_98, %dma_wait3A_99, %dma_wait3A_102, %dma_wait3A_103] : memref<2x8x128x8xf32, #tpu.memory_space<vmem>> -> memref<1x1x128x8xf32, #tpu.memory_space<vmem>>
    %dma_wait3A_105 = tpu.memref_squeeze %dma_wait3A_104 : memref<1x1x128x8xf32, #tpu.memory_space<vmem>> -> memref<128x8xf32, #tpu.memory_space<vmem>>
    %dma_wait3A_106 = arith.constant 0 : i32
    %dma_wait3A_107 = tpu.memref_slice %arg8[%dma_wait3A_100, %dma_wait3A_101, %dma_wait3A_106] : memref<4x8x128xi32, #tpu.memory_space<vmem>> -> memref<1x1x128xi32, #tpu.memory_space<vmem>>
    %dma_wait3A_108 = tpu.memref_squeeze %dma_wait3A_107 : memref<1x1x128xi32, #tpu.memory_space<vmem>> -> memref<128xi32, #tpu.memory_space<vmem>>
    %dma_wait3A_109 = arith.constant 0 : i32
    %dma_wait3A_110 = arith.constant 0 : i32
    %dma_wait3A_111 = tpu.memref_slice %arg10[%dma_wait3A_109, %dma_wait3A_110] : memref<51200x8xf32, #tpu.memory_space<vmem_shared>> -> memref<51200x8xf32, #tpu.memory_space<vmem_shared>>
    tpu.wait_indirect_dma semaphore(%arg13 : memref<!tpu.dma_semaphore, #tpu.memory_space<semaphore_mem>>) src(%dma_wait3A_105 : memref<128x8xf32, #tpu.memory_space<vmem>>) dst(%dma_wait3A_111 : memref<51200x8xf32, #tpu.memory_space<vmem_shared>>)
    %dma_wait3A_112 = arith.constant 0 : i32
    %dma_wait3A_113 = arith.constant 5 : i32
    %dma_wait3A_114 = arith.constant 0 : i32
    %dma_wait3A_115 = arith.constant 5 : i32
    %dma_wait3A_116 = arith.constant 0 : i32
    %dma_wait3A_117 = arith.constant 0 : i32
    %dma_wait3A_118 = tpu.memref_slice %arg9[%dma_wait3A_112, %dma_wait3A_113, %dma_wait3A_116, %dma_wait3A_117] : memref<2x8x128x8xf32, #tpu.memory_space<vmem>> -> memref<1x1x128x8xf32, #tpu.memory_space<vmem>>
    %dma_wait3A_119 = tpu.memref_squeeze %dma_wait3A_118 : memref<1x1x128x8xf32, #tpu.memory_space<vmem>> -> memref<128x8xf32, #tpu.memory_space<vmem>>
    %dma_wait3A_120 = arith.constant 0 : i32
    %dma_wait3A_121 = tpu.memref_slice %arg8[%dma_wait3A_114, %dma_wait3A_115, %dma_wait3A_120] : memref<4x8x128xi32, #tpu.memory_space<vmem>> -> memref<1x1x128xi32, #tpu.memory_space<vmem>>
    %dma_wait3A_122 = tpu.memref_squeeze %dma_wait3A_121 : memref<1x1x128xi32, #tpu.memory_space<vmem>> -> memref<128xi32, #tpu.memory_space<vmem>>
    %dma_wait3A_123 = arith.constant 0 : i32
    %dma_wait3A_124 = arith.constant 0 : i32
    %dma_wait3A_125 = tpu.memref_slice %arg10[%dma_wait3A_123, %dma_wait3A_124] : memref<51200x8xf32, #tpu.memory_space<vmem_shared>> -> memref<51200x8xf32, #tpu.memory_space<vmem_shared>>
    tpu.wait_indirect_dma semaphore(%arg13 : memref<!tpu.dma_semaphore, #tpu.memory_space<semaphore_mem>>) src(%dma_wait3A_119 : memref<128x8xf32, #tpu.memory_space<vmem>>) dst(%dma_wait3A_125 : memref<51200x8xf32, #tpu.memory_space<vmem_shared>>)
    %dma_wait3A_126 = arith.constant 0 : i32
    %dma_wait3A_127 = arith.constant 6 : i32
    %dma_wait3A_128 = arith.constant 0 : i32
    %dma_wait3A_129 = arith.constant 6 : i32
    %dma_wait3A_130 = arith.constant 0 : i32
    %dma_wait3A_131 = arith.constant 0 : i32
    %dma_wait3A_132 = tpu.memref_slice %arg9[%dma_wait3A_126, %dma_wait3A_127, %dma_wait3A_130, %dma_wait3A_131] : memref<2x8x128x8xf32, #tpu.memory_space<vmem>> -> memref<1x1x128x8xf32, #tpu.memory_space<vmem>>
    %dma_wait3A_133 = tpu.memref_squeeze %dma_wait3A_132 : memref<1x1x128x8xf32, #tpu.memory_space<vmem>> -> memref<128x8xf32, #tpu.memory_space<vmem>>
    %dma_wait3A_134 = arith.constant 0 : i32
    %dma_wait3A_135 = tpu.memref_slice %arg8[%dma_wait3A_128, %dma_wait3A_129, %dma_wait3A_134] : memref<4x8x128xi32, #tpu.memory_space<vmem>> -> memref<1x1x128xi32, #tpu.memory_space<vmem>>
    %dma_wait3A_136 = tpu.memref_squeeze %dma_wait3A_135 : memref<1x1x128xi32, #tpu.memory_space<vmem>> -> memref<128xi32, #tpu.memory_space<vmem>>
    %dma_wait3A_137 = arith.constant 0 : i32
    %dma_wait3A_138 = arith.constant 0 : i32
    %dma_wait3A_139 = tpu.memref_slice %arg10[%dma_wait3A_137, %dma_wait3A_138] : memref<51200x8xf32, #tpu.memory_space<vmem_shared>> -> memref<51200x8xf32, #tpu.memory_space<vmem_shared>>
    tpu.wait_indirect_dma semaphore(%arg13 : memref<!tpu.dma_semaphore, #tpu.memory_space<semaphore_mem>>) src(%dma_wait3A_133 : memref<128x8xf32, #tpu.memory_space<vmem>>) dst(%dma_wait3A_139 : memref<51200x8xf32, #tpu.memory_space<vmem_shared>>)
    %dma_wait3A_140 = arith.constant 0 : i32
    %dma_wait3A_141 = arith.constant 7 : i32
    %dma_wait3A_142 = arith.constant 0 : i32
    %dma_wait3A_143 = arith.constant 7 : i32
    %dma_wait3A_144 = arith.constant 0 : i32
    %dma_wait3A_145 = arith.constant 0 : i32
    %dma_wait3A_146 = tpu.memref_slice %arg9[%dma_wait3A_140, %dma_wait3A_141, %dma_wait3A_144, %dma_wait3A_145] : memref<2x8x128x8xf32, #tpu.memory_space<vmem>> -> memref<1x1x128x8xf32, #tpu.memory_space<vmem>>
    %dma_wait3A_147 = tpu.memref_squeeze %dma_wait3A_146 : memref<1x1x128x8xf32, #tpu.memory_space<vmem>> -> memref<128x8xf32, #tpu.memory_space<vmem>>
    %dma_wait3A_148 = arith.constant 0 : i32
    %dma_wait3A_149 = tpu.memref_slice %arg8[%dma_wait3A_142, %dma_wait3A_143, %dma_wait3A_148] : memref<4x8x128xi32, #tpu.memory_space<vmem>> -> memref<1x1x128xi32, #tpu.memory_space<vmem>>
    %dma_wait3A_150 = tpu.memref_squeeze %dma_wait3A_149 : memref<1x1x128xi32, #tpu.memory_space<vmem>> -> memref<128xi32, #tpu.memory_space<vmem>>
    %dma_wait3A_151 = arith.constant 0 : i32
    %dma_wait3A_152 = arith.constant 0 : i32
    %dma_wait3A_153 = tpu.memref_slice %arg10[%dma_wait3A_151, %dma_wait3A_152] : memref<51200x8xf32, #tpu.memory_space<vmem_shared>> -> memref<51200x8xf32, #tpu.memory_space<vmem_shared>>
    tpu.wait_indirect_dma semaphore(%arg13 : memref<!tpu.dma_semaphore, #tpu.memory_space<semaphore_mem>>) src(%dma_wait3A_147 : memref<128x8xf32, #tpu.memory_space<vmem>>) dst(%dma_wait3A_153 : memref<51200x8xf32, #tpu.memory_space<vmem_shared>>)
    %dma_wait3A_154 = arith.constant 1 : i32
    %dma_wait3A_155 = arith.constant 0 : i32
    %dma_wait3A_156 = arith.constant 1 : i32
    %dma_wait3A_157 = arith.constant 0 : i32
    %dma_wait3A_158 = arith.constant 0 : i32
    %dma_wait3A_159 = arith.constant 0 : i32
    %dma_wait3A_160 = tpu.memref_slice %arg9[%dma_wait3A_154, %dma_wait3A_155, %dma_wait3A_158, %dma_wait3A_159] : memref<2x8x128x8xf32, #tpu.memory_space<vmem>> -> memref<1x1x128x8xf32, #tpu.memory_space<vmem>>
    %dma_wait3A_161 = tpu.memref_squeeze %dma_wait3A_160 : memref<1x1x128x8xf32, #tpu.memory_space<vmem>> -> memref<128x8xf32, #tpu.memory_space<vmem>>
    %dma_wait3A_162 = arith.constant 0 : i32
    %dma_wait3A_163 = tpu.memref_slice %arg8[%dma_wait3A_156, %dma_wait3A_157, %dma_wait3A_162] : memref<4x8x128xi32, #tpu.memory_space<vmem>> -> memref<1x1x128xi32, #tpu.memory_space<vmem>>
    %dma_wait3A_164 = tpu.memref_squeeze %dma_wait3A_163 : memref<1x1x128xi32, #tpu.memory_space<vmem>> -> memref<128xi32, #tpu.memory_space<vmem>>
    %dma_wait3A_165 = arith.constant 0 : i32
    %dma_wait3A_166 = arith.constant 0 : i32
    %dma_wait3A_167 = tpu.memref_slice %arg10[%dma_wait3A_165, %dma_wait3A_166] : memref<51200x8xf32, #tpu.memory_space<vmem_shared>> -> memref<51200x8xf32, #tpu.memory_space<vmem_shared>>
    tpu.wait_indirect_dma semaphore(%arg14 : memref<!tpu.dma_semaphore, #tpu.memory_space<semaphore_mem>>) src(%dma_wait3A_161 : memref<128x8xf32, #tpu.memory_space<vmem>>) dst(%dma_wait3A_167 : memref<51200x8xf32, #tpu.memory_space<vmem_shared>>)
    %dma_wait3A_168 = arith.constant 1 : i32
    %dma_wait3A_169 = arith.constant 1 : i32
    %dma_wait3A_170 = arith.constant 1 : i32
    %dma_wait3A_171 = arith.constant 1 : i32
    %dma_wait3A_172 = arith.constant 0 : i32
    %dma_wait3A_173 = arith.constant 0 : i32
    %dma_wait3A_174 = tpu.memref_slice %arg9[%dma_wait3A_168, %dma_wait3A_169, %dma_wait3A_172, %dma_wait3A_173] : memref<2x8x128x8xf32, #tpu.memory_space<vmem>> -> memref<1x1x128x8xf32, #tpu.memory_space<vmem>>
    %dma_wait3A_175 = tpu.memref_squeeze %dma_wait3A_174 : memref<1x1x128x8xf32, #tpu.memory_space<vmem>> -> memref<128x8xf32, #tpu.memory_space<vmem>>
    %dma_wait3A_176 = arith.constant 0 : i32
    %dma_wait3A_177 = tpu.memref_slice %arg8[%dma_wait3A_170, %dma_wait3A_171, %dma_wait3A_176] : memref<4x8x128xi32, #tpu.memory_space<vmem>> -> memref<1x1x128xi32, #tpu.memory_space<vmem>>
    %dma_wait3A_178 = tpu.memref_squeeze %dma_wait3A_177 : memref<1x1x128xi32, #tpu.memory_space<vmem>> -> memref<128xi32, #tpu.memory_space<vmem>>
    %dma_wait3A_179 = arith.constant 0 : i32
    %dma_wait3A_180 = arith.constant 0 : i32
    %dma_wait3A_181 = tpu.memref_slice %arg10[%dma_wait3A_179, %dma_wait3A_180] : memref<51200x8xf32, #tpu.memory_space<vmem_shared>> -> memref<51200x8xf32, #tpu.memory_space<vmem_shared>>
    tpu.wait_indirect_dma semaphore(%arg14 : memref<!tpu.dma_semaphore, #tpu.memory_space<semaphore_mem>>) src(%dma_wait3A_175 : memref<128x8xf32, #tpu.memory_space<vmem>>) dst(%dma_wait3A_181 : memref<51200x8xf32, #tpu.memory_space<vmem_shared>>)
    %dma_wait3A_182 = arith.constant 1 : i32
    %dma_wait3A_183 = arith.constant 2 : i32
    %dma_wait3A_184 = arith.constant 1 : i32
    %dma_wait3A_185 = arith.constant 2 : i32
    %dma_wait3A_186 = arith.constant 0 : i32
    %dma_wait3A_187 = arith.constant 0 : i32
    %dma_wait3A_188 = tpu.memref_slice %arg9[%dma_wait3A_182, %dma_wait3A_183, %dma_wait3A_186, %dma_wait3A_187] : memref<2x8x128x8xf32, #tpu.memory_space<vmem>> -> memref<1x1x128x8xf32, #tpu.memory_space<vmem>>
    %dma_wait3A_189 = tpu.memref_squeeze %dma_wait3A_188 : memref<1x1x128x8xf32, #tpu.memory_space<vmem>> -> memref<128x8xf32, #tpu.memory_space<vmem>>
    %dma_wait3A_190 = arith.constant 0 : i32
    %dma_wait3A_191 = tpu.memref_slice %arg8[%dma_wait3A_184, %dma_wait3A_185, %dma_wait3A_190] : memref<4x8x128xi32, #tpu.memory_space<vmem>> -> memref<1x1x128xi32, #tpu.memory_space<vmem>>
    %dma_wait3A_192 = tpu.memref_squeeze %dma_wait3A_191 : memref<1x1x128xi32, #tpu.memory_space<vmem>> -> memref<128xi32, #tpu.memory_space<vmem>>
    %dma_wait3A_193 = arith.constant 0 : i32
    %dma_wait3A_194 = arith.constant 0 : i32
    %dma_wait3A_195 = tpu.memref_slice %arg10[%dma_wait3A_193, %dma_wait3A_194] : memref<51200x8xf32, #tpu.memory_space<vmem_shared>> -> memref<51200x8xf32, #tpu.memory_space<vmem_shared>>
    tpu.wait_indirect_dma semaphore(%arg14 : memref<!tpu.dma_semaphore, #tpu.memory_space<semaphore_mem>>) src(%dma_wait3A_189 : memref<128x8xf32, #tpu.memory_space<vmem>>) dst(%dma_wait3A_195 : memref<51200x8xf32, #tpu.memory_space<vmem_shared>>)
    %dma_wait3A_196 = arith.constant 1 : i32
    %dma_wait3A_197 = arith.constant 3 : i32
    %dma_wait3A_198 = arith.constant 1 : i32
    %dma_wait3A_199 = arith.constant 3 : i32
    %dma_wait3A_200 = arith.constant 0 : i32
    %dma_wait3A_201 = arith.constant 0 : i32
    %dma_wait3A_202 = tpu.memref_slice %arg9[%dma_wait3A_196, %dma_wait3A_197, %dma_wait3A_200, %dma_wait3A_201] : memref<2x8x128x8xf32, #tpu.memory_space<vmem>> -> memref<1x1x128x8xf32, #tpu.memory_space<vmem>>
    %dma_wait3A_203 = tpu.memref_squeeze %dma_wait3A_202 : memref<1x1x128x8xf32, #tpu.memory_space<vmem>> -> memref<128x8xf32, #tpu.memory_space<vmem>>
    %dma_wait3A_204 = arith.constant 0 : i32
    %dma_wait3A_205 = tpu.memref_slice %arg8[%dma_wait3A_198, %dma_wait3A_199, %dma_wait3A_204] : memref<4x8x128xi32, #tpu.memory_space<vmem>> -> memref<1x1x128xi32, #tpu.memory_space<vmem>>
    %dma_wait3A_206 = tpu.memref_squeeze %dma_wait3A_205 : memref<1x1x128xi32, #tpu.memory_space<vmem>> -> memref<128xi32, #tpu.memory_space<vmem>>
    %dma_wait3A_207 = arith.constant 0 : i32
    %dma_wait3A_208 = arith.constant 0 : i32
    %dma_wait3A_209 = tpu.memref_slice %arg10[%dma_wait3A_207, %dma_wait3A_208] : memref<51200x8xf32, #tpu.memory_space<vmem_shared>> -> memref<51200x8xf32, #tpu.memory_space<vmem_shared>>
    tpu.wait_indirect_dma semaphore(%arg14 : memref<!tpu.dma_semaphore, #tpu.memory_space<semaphore_mem>>) src(%dma_wait3A_203 : memref<128x8xf32, #tpu.memory_space<vmem>>) dst(%dma_wait3A_209 : memref<51200x8xf32, #tpu.memory_space<vmem_shared>>)
    %dma_wait3A_210 = arith.constant 1 : i32
    %dma_wait3A_211 = arith.constant 4 : i32
    %dma_wait3A_212 = arith.constant 1 : i32
    %dma_wait3A_213 = arith.constant 4 : i32
    %dma_wait3A_214 = arith.constant 0 : i32
    %dma_wait3A_215 = arith.constant 0 : i32
    %dma_wait3A_216 = tpu.memref_slice %arg9[%dma_wait3A_210, %dma_wait3A_211, %dma_wait3A_214, %dma_wait3A_215] : memref<2x8x128x8xf32, #tpu.memory_space<vmem>> -> memref<1x1x128x8xf32, #tpu.memory_space<vmem>>
    %dma_wait3A_217 = tpu.memref_squeeze %dma_wait3A_216 : memref<1x1x128x8xf32, #tpu.memory_space<vmem>> -> memref<128x8xf32, #tpu.memory_space<vmem>>
    %dma_wait3A_218 = arith.constant 0 : i32
    %dma_wait3A_219 = tpu.memref_slice %arg8[%dma_wait3A_212, %dma_wait3A_213, %dma_wait3A_218] : memref<4x8x128xi32, #tpu.memory_space<vmem>> -> memref<1x1x128xi32, #tpu.memory_space<vmem>>
    %dma_wait3A_220 = tpu.memref_squeeze %dma_wait3A_219 : memref<1x1x128xi32, #tpu.memory_space<vmem>> -> memref<128xi32, #tpu.memory_space<vmem>>
    %dma_wait3A_221 = arith.constant 0 : i32
    %dma_wait3A_222 = arith.constant 0 : i32
    %dma_wait3A_223 = tpu.memref_slice %arg10[%dma_wait3A_221, %dma_wait3A_222] : memref<51200x8xf32, #tpu.memory_space<vmem_shared>> -> memref<51200x8xf32, #tpu.memory_space<vmem_shared>>
    tpu.wait_indirect_dma semaphore(%arg14 : memref<!tpu.dma_semaphore, #tpu.memory_space<semaphore_mem>>) src(%dma_wait3A_217 : memref<128x8xf32, #tpu.memory_space<vmem>>) dst(%dma_wait3A_223 : memref<51200x8xf32, #tpu.memory_space<vmem_shared>>)
    %dma_wait3A_224 = arith.constant 1 : i32
    %dma_wait3A_225 = arith.constant 5 : i32
    %dma_wait3A_226 = arith.constant 1 : i32
    %dma_wait3A_227 = arith.constant 5 : i32
    %dma_wait3A_228 = arith.constant 0 : i32
    %dma_wait3A_229 = arith.constant 0 : i32
    %dma_wait3A_230 = tpu.memref_slice %arg9[%dma_wait3A_224, %dma_wait3A_225, %dma_wait3A_228, %dma_wait3A_229] : memref<2x8x128x8xf32, #tpu.memory_space<vmem>> -> memref<1x1x128x8xf32, #tpu.memory_space<vmem>>
    %dma_wait3A_231 = tpu.memref_squeeze %dma_wait3A_230 : memref<1x1x128x8xf32, #tpu.memory_space<vmem>> -> memref<128x8xf32, #tpu.memory_space<vmem>>
    %dma_wait3A_232 = arith.constant 0 : i32
    %dma_wait3A_233 = tpu.memref_slice %arg8[%dma_wait3A_226, %dma_wait3A_227, %dma_wait3A_232] : memref<4x8x128xi32, #tpu.memory_space<vmem>> -> memref<1x1x128xi32, #tpu.memory_space<vmem>>
    %dma_wait3A_234 = tpu.memref_squeeze %dma_wait3A_233 : memref<1x1x128xi32, #tpu.memory_space<vmem>> -> memref<128xi32, #tpu.memory_space<vmem>>
    %dma_wait3A_235 = arith.constant 0 : i32
    %dma_wait3A_236 = arith.constant 0 : i32
    %dma_wait3A_237 = tpu.memref_slice %arg10[%dma_wait3A_235, %dma_wait3A_236] : memref<51200x8xf32, #tpu.memory_space<vmem_shared>> -> memref<51200x8xf32, #tpu.memory_space<vmem_shared>>
    tpu.wait_indirect_dma semaphore(%arg14 : memref<!tpu.dma_semaphore, #tpu.memory_space<semaphore_mem>>) src(%dma_wait3A_231 : memref<128x8xf32, #tpu.memory_space<vmem>>) dst(%dma_wait3A_237 : memref<51200x8xf32, #tpu.memory_space<vmem_shared>>)
    %dma_wait3A_238 = arith.constant 1 : i32
    %dma_wait3A_239 = arith.constant 6 : i32
    %dma_wait3A_240 = arith.constant 1 : i32
    %dma_wait3A_241 = arith.constant 6 : i32
    %dma_wait3A_242 = arith.constant 0 : i32
    %dma_wait3A_243 = arith.constant 0 : i32
    %dma_wait3A_244 = tpu.memref_slice %arg9[%dma_wait3A_238, %dma_wait3A_239, %dma_wait3A_242, %dma_wait3A_243] : memref<2x8x128x8xf32, #tpu.memory_space<vmem>> -> memref<1x1x128x8xf32, #tpu.memory_space<vmem>>
    %dma_wait3A_245 = tpu.memref_squeeze %dma_wait3A_244 : memref<1x1x128x8xf32, #tpu.memory_space<vmem>> -> memref<128x8xf32, #tpu.memory_space<vmem>>
    %dma_wait3A_246 = arith.constant 0 : i32
    %dma_wait3A_247 = tpu.memref_slice %arg8[%dma_wait3A_240, %dma_wait3A_241, %dma_wait3A_246] : memref<4x8x128xi32, #tpu.memory_space<vmem>> -> memref<1x1x128xi32, #tpu.memory_space<vmem>>
    %dma_wait3A_248 = tpu.memref_squeeze %dma_wait3A_247 : memref<1x1x128xi32, #tpu.memory_space<vmem>> -> memref<128xi32, #tpu.memory_space<vmem>>
    %dma_wait3A_249 = arith.constant 0 : i32
    %dma_wait3A_250 = arith.constant 0 : i32
    %dma_wait3A_251 = tpu.memref_slice %arg10[%dma_wait3A_249, %dma_wait3A_250] : memref<51200x8xf32, #tpu.memory_space<vmem_shared>> -> memref<51200x8xf32, #tpu.memory_space<vmem_shared>>
    tpu.wait_indirect_dma semaphore(%arg14 : memref<!tpu.dma_semaphore, #tpu.memory_space<semaphore_mem>>) src(%dma_wait3A_245 : memref<128x8xf32, #tpu.memory_space<vmem>>) dst(%dma_wait3A_251 : memref<51200x8xf32, #tpu.memory_space<vmem_shared>>)
    %dma_wait3A_252 = arith.constant 1 : i32
    %dma_wait3A_253 = arith.constant 7 : i32
    %dma_wait3A_254 = arith.constant 1 : i32
    %dma_wait3A_255 = arith.constant 7 : i32
    %dma_wait3A_256 = arith.constant 0 : i32
    %dma_wait3A_257 = arith.constant 0 : i32
    %dma_wait3A_258 = tpu.memref_slice %arg9[%dma_wait3A_252, %dma_wait3A_253, %dma_wait3A_256, %dma_wait3A_257] : memref<2x8x128x8xf32, #tpu.memory_space<vmem>> -> memref<1x1x128x8xf32, #tpu.memory_space<vmem>>
    %dma_wait3A_259 = tpu.memref_squeeze %dma_wait3A_258 : memref<1x1x128x8xf32, #tpu.memory_space<vmem>> -> memref<128x8xf32, #tpu.memory_space<vmem>>
    %dma_wait3A_260 = arith.constant 0 : i32
    %dma_wait3A_261 = tpu.memref_slice %arg8[%dma_wait3A_254, %dma_wait3A_255, %dma_wait3A_260] : memref<4x8x128xi32, #tpu.memory_space<vmem>> -> memref<1x1x128xi32, #tpu.memory_space<vmem>>
    %dma_wait3A_262 = tpu.memref_squeeze %dma_wait3A_261 : memref<1x1x128xi32, #tpu.memory_space<vmem>> -> memref<128xi32, #tpu.memory_space<vmem>>
    %dma_wait3A_263 = arith.constant 0 : i32
    %dma_wait3A_264 = arith.constant 0 : i32
    %dma_wait3A_265 = tpu.memref_slice %arg10[%dma_wait3A_263, %dma_wait3A_264] : memref<51200x8xf32, #tpu.memory_space<vmem_shared>> -> memref<51200x8xf32, #tpu.memory_space<vmem_shared>>
    tpu.wait_indirect_dma semaphore(%arg14 : memref<!tpu.dma_semaphore, #tpu.memory_space<semaphore_mem>>) src(%dma_wait3A_259 : memref<128x8xf32, #tpu.memory_space<vmem>>) dst(%dma_wait3A_265 : memref<51200x8xf32, #tpu.memory_space<vmem_shared>>)
    %barrier3A_266 = arith.constant 0 : index
    tpu.barrier barrier_id(%barrier3A_266)
    %mul3A_267 = arith.constant 3200 : i32
    %mul3A_268 = arith.muli %arg1, %mul3A_267 : i32
    %mul3A_269 = arith.constant 51200 : i32
    %mul3A_270 = arith.muli %arg0, %mul3A_269 : i32
    %mul3A_271 = arith.constant 3200 : i32
    %mul3A_272 = arith.muli %arg1, %mul3A_271 : i32
    %add3A_273 = arith.addi %mul3A_270, %mul3A_272 : i32
    "tpu.region"() ({
      %run_scoped3A = tpu.sem_alloc : memref<!tpu.dma_semaphore, #tpu.memory_space<semaphore_mem>>
      %dma_start3A_274 = arith.constant 0 : i32
      %dma_start3A_275 = tpu.memref_slice %arg6[%add3A_273, %dma_start3A_274] : memref<102400x8xf32, #tpu.memory_space<hbm>> -> memref<3200x8xf32, #tpu.memory_space<hbm>>
      %dma_start3A_276 = arith.constant 0 : i32
      %dma_start3A_277 = tpu.memref_slice %arg10[%mul3A_268, %dma_start3A_276] : memref<51200x8xf32, #tpu.memory_space<vmem_shared>> -> memref<3200x8xf32, #tpu.memory_space<vmem_shared>>
      tpu.enqueue_dma source(%dma_start3A_277 : memref<3200x8xf32, #tpu.memory_space<vmem_shared>>) target(%dma_start3A_275 : memref<3200x8xf32, #tpu.memory_space<hbm>>) target_semaphore(%run_scoped3A : memref<!tpu.dma_semaphore, #tpu.memory_space<semaphore_mem>>)
      %dma_wait3A_278 = arith.constant 0 : i32
      %dma_wait3A_279 = tpu.memref_slice %arg6[%add3A_273, %dma_wait3A_278] : memref<102400x8xf32, #tpu.memory_space<hbm>> -> memref<3200x8xf32, #tpu.memory_space<hbm>>
      %dma_wait3A_280 = arith.constant 0 : i32
      %dma_wait3A_281 = tpu.memref_slice %arg10[%mul3A_268, %dma_wait3A_280] : memref<51200x8xf32, #tpu.memory_space<vmem_shared>> -> memref<3200x8xf32, #tpu.memory_space<vmem_shared>>
      tpu.wait_dma2 semaphore(%run_scoped3A : memref<!tpu.dma_semaphore, #tpu.memory_space<semaphore_mem>>) src(%dma_wait3A_281 : memref<3200x8xf32, #tpu.memory_space<vmem_shared>>) dst(%dma_wait3A_279 : memref<3200x8xf32, #tpu.memory_space<hbm>>)
      tpu.yield
    }) : () -> ()
    return
  }
}

#map = affine_map<(d0, d1) -> (0, 0, 0)>
#map1 = affine_map<(d0, d1) -> (0)>
module attributes {stable_mosaic.version = 14 : i64} {
  func.func @body(%arg0: i32, %arg1: i32, %arg2: memref<32x400x128xi32, #tpu.memory_space<hbm>>, %arg3: memref<51200xf32, #tpu.memory_space<hbm>>, %arg4: memref<102400xf32, #tpu.memory_space<hbm>>, %arg5: memref<400x128xi32, #tpu.memory_space<vmem>>, %arg6: memref<128xf32, #tpu.memory_space<vmem>>, %arg7: memref<51200xf32, #tpu.memory_space<vmem_shared>>, %arg8: memref<!tpu.dma_semaphore, #tpu.memory_space<semaphore_mem>>) attributes {dimension_semantics = [#tpu.dimension_semantics<core_parallel>, #tpu.dimension_semantics<subcore_parallel>], iteration_bounds = array<i64: 2, 16>, scalar_prefetch = 0 : i64, scratch_operands = 4 : i64, tpu.core_type = #tpu.core_type<sc_vector_subcore>, window_params = [{transform_indices = #map}, {transform_indices = #map1}, {transform_indices = #map1}]} {
    %mul3A = arith.constant 16 : i32
    %mul3A_0 = arith.muli %arg0, %mul3A : i32
    %add3A = arith.addi %mul3A_0, %arg1 : i32
    "tpu.region"() ({
      %run_scoped3A = tpu.sem_alloc : memref<!tpu.dma_semaphore, #tpu.memory_space<semaphore_mem>>
      %dma_start3A = arith.constant 0 : i32
      %dma_start3A_24 = arith.constant 0 : i32
      %dma_start3A_25 = tpu.memref_slice %arg2[%add3A, %dma_start3A, %dma_start3A_24] : memref<32x400x128xi32, #tpu.memory_space<hbm>> -> memref<1x400x128xi32, #tpu.memory_space<hbm>>
      %dma_start3A_26 = tpu.memref_squeeze %dma_start3A_25 : memref<1x400x128xi32, #tpu.memory_space<hbm>> -> memref<400x128xi32, #tpu.memory_space<hbm>>
      %dma_start3A_27 = arith.constant 0 : i32
      %dma_start3A_28 = arith.constant 0 : i32
      %dma_start3A_29 = tpu.memref_slice %arg2[%add3A, %dma_start3A_27, %dma_start3A_28] : memref<32x400x128xi32, #tpu.memory_space<hbm>> -> memref<1x400x128xi32, #tpu.memory_space<hbm>>
      %dma_start3A_30 = tpu.memref_squeeze %dma_start3A_29 : memref<1x400x128xi32, #tpu.memory_space<hbm>> -> memref<400x128xi32, #tpu.memory_space<hbm>>
      tpu.enqueue_dma source(%dma_start3A_30 : memref<400x128xi32, #tpu.memory_space<hbm>>) target(%arg5 : memref<400x128xi32, #tpu.memory_space<vmem>>) target_semaphore(%run_scoped3A : memref<!tpu.dma_semaphore, #tpu.memory_space<semaphore_mem>>)
      %dma_wait3A = arith.constant 0 : i32
      %dma_wait3A_31 = arith.constant 0 : i32
      %dma_wait3A_32 = tpu.memref_slice %arg2[%add3A, %dma_wait3A, %dma_wait3A_31] : memref<32x400x128xi32, #tpu.memory_space<hbm>> -> memref<1x400x128xi32, #tpu.memory_space<hbm>>
      %dma_wait3A_33 = tpu.memref_squeeze %dma_wait3A_32 : memref<1x400x128xi32, #tpu.memory_space<hbm>> -> memref<400x128xi32, #tpu.memory_space<hbm>>
      %dma_wait3A_34 = arith.constant 0 : i32
      %dma_wait3A_35 = arith.constant 0 : i32
      %dma_wait3A_36 = tpu.memref_slice %arg2[%add3A, %dma_wait3A_34, %dma_wait3A_35] : memref<32x400x128xi32, #tpu.memory_space<hbm>> -> memref<1x400x128xi32, #tpu.memory_space<hbm>>
      %dma_wait3A_37 = tpu.memref_squeeze %dma_wait3A_36 : memref<1x400x128xi32, #tpu.memory_space<hbm>> -> memref<400x128xi32, #tpu.memory_space<hbm>>
      tpu.wait_dma2 semaphore(%run_scoped3A : memref<!tpu.dma_semaphore, #tpu.memory_space<semaphore_mem>>) src(%dma_wait3A_37 : memref<400x128xi32, #tpu.memory_space<hbm>>) dst(%arg5 : memref<400x128xi32, #tpu.memory_space<vmem>>)
      tpu.yield
    }) : () -> ()
    %scan3A = arith.constant 0 : i32
    %scan3A_1 = arith.constant 0 : i32
    %scan3A_2 = arith.constant 8 : i32
    %scan3A_3 = arith.addi %scan3A_1, %scan3A_2 : i32
    %scan3A_4 = arith.constant 1 : i32
    scf.for %scan3A_24 = %scan3A_1 to %scan3A_3 step %scan3A_4  : i32 {
      %broadcast_in_dim3A = arith.constant 1.000000e+00 : f32
      %broadcast_in_dim3A_25 = vector.broadcast %broadcast_in_dim3A : f32 to vector<16xf32>
      %mul3A_26 = arith.constant 16 : i32
      %mul3A_27 = arith.muli %scan3A_24, %mul3A_26 : i32
      %swap3A = arith.index_cast %mul3A_27 : i32 to index
      %swap3A_28 = tpu.vector_load %arg6[%swap3A] {strides = array<i32>} : memref<128xf32, #tpu.memory_space<vmem>>, vector<16xf32>,
      %swap3A_29 = vector.shape_cast %swap3A_28 : vector<16xf32> to vector<16xf32>
      %swap3A_30 = vector.shape_cast %broadcast_in_dim3A_25 : vector<16xf32> to vector<16xf32>
      tpu.vector_store %arg6[%swap3A], %swap3A_30 {strides = array<i32>} : memref<128xf32, #tpu.memory_space<vmem>>, vector<16xf32>,
    }
    %scan3A_5 = arith.constant 8 : i32
    %mul3A_6 = arith.constant 3200 : i32
    %mul3A_7 = arith.muli %arg1, %mul3A_6 : i32
    %mul3A_8 = arith.constant 3200 : i32
    %mul3A_9 = arith.muli %arg1, %mul3A_8 : i32
    "tpu.region"() ({
      %run_scoped3A = tpu.sem_alloc : memref<!tpu.dma_semaphore, #tpu.memory_space<semaphore_mem>>
      %dma_start3A = tpu.memref_slice %arg7[%mul3A_9] : memref<51200xf32, #tpu.memory_space<vmem_shared>> -> memref<3200xf32, #tpu.memory_space<vmem_shared>>
      %dma_start3A_24 = tpu.memref_slice %arg3[%mul3A_7] : memref<51200xf32, #tpu.memory_space<hbm>> -> memref<3200xf32, #tpu.memory_space<hbm>>
      tpu.enqueue_dma source(%dma_start3A_24 : memref<3200xf32, #tpu.memory_space<hbm>>) target(%dma_start3A : memref<3200xf32, #tpu.memory_space<vmem_shared>>) target_semaphore(%run_scoped3A : memref<!tpu.dma_semaphore, #tpu.memory_space<semaphore_mem>>)
      %dma_wait3A = tpu.memref_slice %arg7[%mul3A_9] : memref<51200xf32, #tpu.memory_space<vmem_shared>> -> memref<3200xf32, #tpu.memory_space<vmem_shared>>
      %dma_wait3A_25 = tpu.memref_slice %arg3[%mul3A_7] : memref<51200xf32, #tpu.memory_space<hbm>> -> memref<3200xf32, #tpu.memory_space<hbm>>
      tpu.wait_dma2 semaphore(%run_scoped3A : memref<!tpu.dma_semaphore, #tpu.memory_space<semaphore_mem>>) src(%dma_wait3A_25 : memref<3200xf32, #tpu.memory_space<hbm>>) dst(%dma_wait3A : memref<3200xf32, #tpu.memory_space<vmem_shared>>)
      tpu.yield
    }) : () -> ()
    %barrier3A = arith.constant 0 : index
    tpu.barrier barrier_id(%barrier3A)
    %scan3A_10 = arith.constant 0 : i32
    %scan3A_11 = arith.constant 0 : i32
    %scan3A_12 = arith.constant 50 : i32
    %scan3A_13 = arith.addi %scan3A_11, %scan3A_12 : i32
    %scan3A_14 = arith.constant 1 : i32
    scf.for %scan3A_24 = %scan3A_11 to %scan3A_13 step %scan3A_14  : i32 {
      %mul3A_25 = arith.constant 8 : i32
      %mul3A_26 = arith.muli %scan3A_24, %mul3A_25 : i32
      %add3A_27 = arith.constant 0 : i32
      %add3A_28 = arith.addi %mul3A_26, %add3A_27 : i32
      %dma_start3A = arith.constant 0 : i32
      %dma_start3A_29 = tpu.memref_slice %arg5[%add3A_28, %dma_start3A] : memref<400x128xi32, #tpu.memory_space<vmem>> -> memref<1x128xi32, #tpu.memory_space<vmem>>
      %dma_start3A_30 = tpu.memref_squeeze %dma_start3A_29 : memref<1x128xi32, #tpu.memory_space<vmem>> -> memref<128xi32, #tpu.memory_space<vmem>>
      %dma_start3A_31 = arith.constant 0 : i32
      %dma_start3A_32 = tpu.memref_slice %arg7[%dma_start3A_31] : memref<51200xf32, #tpu.memory_space<vmem_shared>> -> memref<51200xf32, #tpu.memory_space<vmem_shared>>
      tpu.enqueue_indirect_dma source(%arg6 : memref<128xf32, #tpu.memory_space<vmem>>) target(%dma_start3A_32 : memref<51200xf32, #tpu.memory_space<vmem_shared>>) offsets(%dma_start3A_30 : memref<128xi32, #tpu.memory_space<vmem>>) semaphore(%arg8 : memref<!tpu.dma_semaphore, #tpu.memory_space<semaphore_mem>>) {add = true}
      %mul3A_33 = arith.constant 8 : i32
      %mul3A_34 = arith.muli %scan3A_24, %mul3A_33 : i32
      %add3A_35 = arith.constant 1 : i32
      %add3A_36 = arith.addi %mul3A_34, %add3A_35 : i32
      %dma_start3A_37 = arith.constant 0 : i32
      %dma_start3A_38 = tpu.memref_slice %arg5[%add3A_36, %dma_start3A_37] : memref<400x128xi32, #tpu.memory_space<vmem>> -> memref<1x128xi32, #tpu.memory_space<vmem>>
      %dma_start3A_39 = tpu.memref_squeeze %dma_start3A_38 : memref<1x128xi32, #tpu.memory_space<vmem>> -> memref<128xi32, #tpu.memory_space<vmem>>
      %dma_start3A_40 = arith.constant 0 : i32
      %dma_start3A_41 = tpu.memref_slice %arg7[%dma_start3A_40] : memref<51200xf32, #tpu.memory_space<vmem_shared>> -> memref<51200xf32, #tpu.memory_space<vmem_shared>>
      tpu.enqueue_indirect_dma source(%arg6 : memref<128xf32, #tpu.memory_space<vmem>>) target(%dma_start3A_41 : memref<51200xf32, #tpu.memory_space<vmem_shared>>) offsets(%dma_start3A_39 : memref<128xi32, #tpu.memory_space<vmem>>) semaphore(%arg8 : memref<!tpu.dma_semaphore, #tpu.memory_space<semaphore_mem>>) {add = true}
      %mul3A_42 = arith.constant 8 : i32
      %mul3A_43 = arith.muli %scan3A_24, %mul3A_42 : i32
      %add3A_44 = arith.constant 2 : i32
      %add3A_45 = arith.addi %mul3A_43, %add3A_44 : i32
      %dma_start3A_46 = arith.constant 0 : i32
      %dma_start3A_47 = tpu.memref_slice %arg5[%add3A_45, %dma_start3A_46] : memref<400x128xi32, #tpu.memory_space<vmem>> -> memref<1x128xi32, #tpu.memory_space<vmem>>
      %dma_start3A_48 = tpu.memref_squeeze %dma_start3A_47 : memref<1x128xi32, #tpu.memory_space<vmem>> -> memref<128xi32, #tpu.memory_space<vmem>>
      %dma_start3A_49 = arith.constant 0 : i32
      %dma_start3A_50 = tpu.memref_slice %arg7[%dma_start3A_49] : memref<51200xf32, #tpu.memory_space<vmem_shared>> -> memref<51200xf32, #tpu.memory_space<vmem_shared>>
      tpu.enqueue_indirect_dma source(%arg6 : memref<128xf32, #tpu.memory_space<vmem>>) target(%dma_start3A_50 : memref<51200xf32, #tpu.memory_space<vmem_shared>>) offsets(%dma_start3A_48 : memref<128xi32, #tpu.memory_space<vmem>>) semaphore(%arg8 : memref<!tpu.dma_semaphore, #tpu.memory_space<semaphore_mem>>) {add = true}
      %mul3A_51 = arith.constant 8 : i32
      %mul3A_52 = arith.muli %scan3A_24, %mul3A_51 : i32
      %add3A_53 = arith.constant 3 : i32
      %add3A_54 = arith.addi %mul3A_52, %add3A_53 : i32
      %dma_start3A_55 = arith.constant 0 : i32
      %dma_start3A_56 = tpu.memref_slice %arg5[%add3A_54, %dma_start3A_55] : memref<400x128xi32, #tpu.memory_space<vmem>> -> memref<1x128xi32, #tpu.memory_space<vmem>>
      %dma_start3A_57 = tpu.memref_squeeze %dma_start3A_56 : memref<1x128xi32, #tpu.memory_space<vmem>> -> memref<128xi32, #tpu.memory_space<vmem>>
      %dma_start3A_58 = arith.constant 0 : i32
      %dma_start3A_59 = tpu.memref_slice %arg7[%dma_start3A_58] : memref<51200xf32, #tpu.memory_space<vmem_shared>> -> memref<51200xf32, #tpu.memory_space<vmem_shared>>
      tpu.enqueue_indirect_dma source(%arg6 : memref<128xf32, #tpu.memory_space<vmem>>) target(%dma_start3A_59 : memref<51200xf32, #tpu.memory_space<vmem_shared>>) offsets(%dma_start3A_57 : memref<128xi32, #tpu.memory_space<vmem>>) semaphore(%arg8 : memref<!tpu.dma_semaphore, #tpu.memory_space<semaphore_mem>>) {add = true}
      %mul3A_60 = arith.constant 8 : i32
      %mul3A_61 = arith.muli %scan3A_24, %mul3A_60 : i32
      %add3A_62 = arith.constant 4 : i32
      %add3A_63 = arith.addi %mul3A_61, %add3A_62 : i32
      %dma_start3A_64 = arith.constant 0 : i32
      %dma_start3A_65 = tpu.memref_slice %arg5[%add3A_63, %dma_start3A_64] : memref<400x128xi32, #tpu.memory_space<vmem>> -> memref<1x128xi32, #tpu.memory_space<vmem>>
      %dma_start3A_66 = tpu.memref_squeeze %dma_start3A_65 : memref<1x128xi32, #tpu.memory_space<vmem>> -> memref<128xi32, #tpu.memory_space<vmem>>
      %dma_start3A_67 = arith.constant 0 : i32
      %dma_start3A_68 = tpu.memref_slice %arg7[%dma_start3A_67] : memref<51200xf32, #tpu.memory_space<vmem_shared>> -> memref<51200xf32, #tpu.memory_space<vmem_shared>>
      tpu.enqueue_indirect_dma source(%arg6 : memref<128xf32, #tpu.memory_space<vmem>>) target(%dma_start3A_68 : memref<51200xf32, #tpu.memory_space<vmem_shared>>) offsets(%dma_start3A_66 : memref<128xi32, #tpu.memory_space<vmem>>) semaphore(%arg8 : memref<!tpu.dma_semaphore, #tpu.memory_space<semaphore_mem>>) {add = true}
      %mul3A_69 = arith.constant 8 : i32
      %mul3A_70 = arith.muli %scan3A_24, %mul3A_69 : i32
      %add3A_71 = arith.constant 5 : i32
      %add3A_72 = arith.addi %mul3A_70, %add3A_71 : i32
      %dma_start3A_73 = arith.constant 0 : i32
      %dma_start3A_74 = tpu.memref_slice %arg5[%add3A_72, %dma_start3A_73] : memref<400x128xi32, #tpu.memory_space<vmem>> -> memref<1x128xi32, #tpu.memory_space<vmem>>
      %dma_start3A_75 = tpu.memref_squeeze %dma_start3A_74 : memref<1x128xi32, #tpu.memory_space<vmem>> -> memref<128xi32, #tpu.memory_space<vmem>>
      %dma_start3A_76 = arith.constant 0 : i32
      %dma_start3A_77 = tpu.memref_slice %arg7[%dma_start3A_76] : memref<51200xf32, #tpu.memory_space<vmem_shared>> -> memref<51200xf32, #tpu.memory_space<vmem_shared>>
      tpu.enqueue_indirect_dma source(%arg6 : memref<128xf32, #tpu.memory_space<vmem>>) target(%dma_start3A_77 : memref<51200xf32, #tpu.memory_space<vmem_shared>>) offsets(%dma_start3A_75 : memref<128xi32, #tpu.memory_space<vmem>>) semaphore(%arg8 : memref<!tpu.dma_semaphore, #tpu.memory_space<semaphore_mem>>) {add = true}
      %mul3A_78 = arith.constant 8 : i32
      %mul3A_79 = arith.muli %scan3A_24, %mul3A_78 : i32
      %add3A_80 = arith.constant 6 : i32
      %add3A_81 = arith.addi %mul3A_79, %add3A_80 : i32
      %dma_start3A_82 = arith.constant 0 : i32
      %dma_start3A_83 = tpu.memref_slice %arg5[%add3A_81, %dma_start3A_82] : memref<400x128xi32, #tpu.memory_space<vmem>> -> memref<1x128xi32, #tpu.memory_space<vmem>>
      %dma_start3A_84 = tpu.memref_squeeze %dma_start3A_83 : memref<1x128xi32, #tpu.memory_space<vmem>> -> memref<128xi32, #tpu.memory_space<vmem>>
      %dma_start3A_85 = arith.constant 0 : i32
      %dma_start3A_86 = tpu.memref_slice %arg7[%dma_start3A_85] : memref<51200xf32, #tpu.memory_space<vmem_shared>> -> memref<51200xf32, #tpu.memory_space<vmem_shared>>
      tpu.enqueue_indirect_dma source(%arg6 : memref<128xf32, #tpu.memory_space<vmem>>) target(%dma_start3A_86 : memref<51200xf32, #tpu.memory_space<vmem_shared>>) offsets(%dma_start3A_84 : memref<128xi32, #tpu.memory_space<vmem>>) semaphore(%arg8 : memref<!tpu.dma_semaphore, #tpu.memory_space<semaphore_mem>>) {add = true}
      %mul3A_87 = arith.constant 8 : i32
      %mul3A_88 = arith.muli %scan3A_24, %mul3A_87 : i32
      %add3A_89 = arith.constant 7 : i32
      %add3A_90 = arith.addi %mul3A_88, %add3A_89 : i32
      %dma_start3A_91 = arith.constant 0 : i32
      %dma_start3A_92 = tpu.memref_slice %arg5[%add3A_90, %dma_start3A_91] : memref<400x128xi32, #tpu.memory_space<vmem>> -> memref<1x128xi32, #tpu.memory_space<vmem>>
      %dma_start3A_93 = tpu.memref_squeeze %dma_start3A_92 : memref<1x128xi32, #tpu.memory_space<vmem>> -> memref<128xi32, #tpu.memory_space<vmem>>
      %dma_start3A_94 = arith.constant 0 : i32
      %dma_start3A_95 = tpu.memref_slice %arg7[%dma_start3A_94] : memref<51200xf32, #tpu.memory_space<vmem_shared>> -> memref<51200xf32, #tpu.memory_space<vmem_shared>>
      tpu.enqueue_indirect_dma source(%arg6 : memref<128xf32, #tpu.memory_space<vmem>>) target(%dma_start3A_95 : memref<51200xf32, #tpu.memory_space<vmem_shared>>) offsets(%dma_start3A_93 : memref<128xi32, #tpu.memory_space<vmem>>) semaphore(%arg8 : memref<!tpu.dma_semaphore, #tpu.memory_space<semaphore_mem>>) {add = true}
      %dma_wait3A = arith.constant 0 : i32
      %dma_wait3A_96 = tpu.memref_slice %arg5[%add3A_28, %dma_wait3A] : memref<400x128xi32, #tpu.memory_space<vmem>> -> memref<1x128xi32, #tpu.memory_space<vmem>>
      %dma_wait3A_97 = tpu.memref_squeeze %dma_wait3A_96 : memref<1x128xi32, #tpu.memory_space<vmem>> -> memref<128xi32, #tpu.memory_space<vmem>>
      %dma_wait3A_98 = arith.constant 0 : i32
      %dma_wait3A_99 = tpu.memref_slice %arg7[%dma_wait3A_98] : memref<51200xf32, #tpu.memory_space<vmem_shared>> -> memref<51200xf32, #tpu.memory_space<vmem_shared>>
      tpu.wait_indirect_dma semaphore(%arg8 : memref<!tpu.dma_semaphore, #tpu.memory_space<semaphore_mem>>) src(%arg6 : memref<128xf32, #tpu.memory_space<vmem>>) dst(%dma_wait3A_99 : memref<51200xf32, #tpu.memory_space<vmem_shared>>)
      %dma_wait3A_100 = arith.constant 0 : i32
      %dma_wait3A_101 = tpu.memref_slice %arg5[%add3A_36, %dma_wait3A_100] : memref<400x128xi32, #tpu.memory_space<vmem>> -> memref<1x128xi32, #tpu.memory_space<vmem>>
      %dma_wait3A_102 = tpu.memref_squeeze %dma_wait3A_101 : memref<1x128xi32, #tpu.memory_space<vmem>> -> memref<128xi32, #tpu.memory_space<vmem>>
      %dma_wait3A_103 = arith.constant 0 : i32
      %dma_wait3A_104 = tpu.memref_slice %arg7[%dma_wait3A_103] : memref<51200xf32, #tpu.memory_space<vmem_shared>> -> memref<51200xf32, #tpu.memory_space<vmem_shared>>
      tpu.wait_indirect_dma semaphore(%arg8 : memref<!tpu.dma_semaphore, #tpu.memory_space<semaphore_mem>>) src(%arg6 : memref<128xf32, #tpu.memory_space<vmem>>) dst(%dma_wait3A_104 : memref<51200xf32, #tpu.memory_space<vmem_shared>>)
      %dma_wait3A_105 = arith.constant 0 : i32
      %dma_wait3A_106 = tpu.memref_slice %arg5[%add3A_45, %dma_wait3A_105] : memref<400x128xi32, #tpu.memory_space<vmem>> -> memref<1x128xi32, #tpu.memory_space<vmem>>
      %dma_wait3A_107 = tpu.memref_squeeze %dma_wait3A_106 : memref<1x128xi32, #tpu.memory_space<vmem>> -> memref<128xi32, #tpu.memory_space<vmem>>
      %dma_wait3A_108 = arith.constant 0 : i32
      %dma_wait3A_109 = tpu.memref_slice %arg7[%dma_wait3A_108] : memref<51200xf32, #tpu.memory_space<vmem_shared>> -> memref<51200xf32, #tpu.memory_space<vmem_shared>>
      tpu.wait_indirect_dma semaphore(%arg8 : memref<!tpu.dma_semaphore, #tpu.memory_space<semaphore_mem>>) src(%arg6 : memref<128xf32, #tpu.memory_space<vmem>>) dst(%dma_wait3A_109 : memref<51200xf32, #tpu.memory_space<vmem_shared>>)
      %dma_wait3A_110 = arith.constant 0 : i32
      %dma_wait3A_111 = tpu.memref_slice %arg5[%add3A_54, %dma_wait3A_110] : memref<400x128xi32, #tpu.memory_space<vmem>> -> memref<1x128xi32, #tpu.memory_space<vmem>>
      %dma_wait3A_112 = tpu.memref_squeeze %dma_wait3A_111 : memref<1x128xi32, #tpu.memory_space<vmem>> -> memref<128xi32, #tpu.memory_space<vmem>>
      %dma_wait3A_113 = arith.constant 0 : i32
      %dma_wait3A_114 = tpu.memref_slice %arg7[%dma_wait3A_113] : memref<51200xf32, #tpu.memory_space<vmem_shared>> -> memref<51200xf32, #tpu.memory_space<vmem_shared>>
      tpu.wait_indirect_dma semaphore(%arg8 : memref<!tpu.dma_semaphore, #tpu.memory_space<semaphore_mem>>) src(%arg6 : memref<128xf32, #tpu.memory_space<vmem>>) dst(%dma_wait3A_114 : memref<51200xf32, #tpu.memory_space<vmem_shared>>)
      %dma_wait3A_115 = arith.constant 0 : i32
      %dma_wait3A_116 = tpu.memref_slice %arg5[%add3A_63, %dma_wait3A_115] : memref<400x128xi32, #tpu.memory_space<vmem>> -> memref<1x128xi32, #tpu.memory_space<vmem>>
      %dma_wait3A_117 = tpu.memref_squeeze %dma_wait3A_116 : memref<1x128xi32, #tpu.memory_space<vmem>> -> memref<128xi32, #tpu.memory_space<vmem>>
      %dma_wait3A_118 = arith.constant 0 : i32
      %dma_wait3A_119 = tpu.memref_slice %arg7[%dma_wait3A_118] : memref<51200xf32, #tpu.memory_space<vmem_shared>> -> memref<51200xf32, #tpu.memory_space<vmem_shared>>
      tpu.wait_indirect_dma semaphore(%arg8 : memref<!tpu.dma_semaphore, #tpu.memory_space<semaphore_mem>>) src(%arg6 : memref<128xf32, #tpu.memory_space<vmem>>) dst(%dma_wait3A_119 : memref<51200xf32, #tpu.memory_space<vmem_shared>>)
      %dma_wait3A_120 = arith.constant 0 : i32
      %dma_wait3A_121 = tpu.memref_slice %arg5[%add3A_72, %dma_wait3A_120] : memref<400x128xi32, #tpu.memory_space<vmem>> -> memref<1x128xi32, #tpu.memory_space<vmem>>
      %dma_wait3A_122 = tpu.memref_squeeze %dma_wait3A_121 : memref<1x128xi32, #tpu.memory_space<vmem>> -> memref<128xi32, #tpu.memory_space<vmem>>
      %dma_wait3A_123 = arith.constant 0 : i32
      %dma_wait3A_124 = tpu.memref_slice %arg7[%dma_wait3A_123] : memref<51200xf32, #tpu.memory_space<vmem_shared>> -> memref<51200xf32, #tpu.memory_space<vmem_shared>>
      tpu.wait_indirect_dma semaphore(%arg8 : memref<!tpu.dma_semaphore, #tpu.memory_space<semaphore_mem>>) src(%arg6 : memref<128xf32, #tpu.memory_space<vmem>>) dst(%dma_wait3A_124 : memref<51200xf32, #tpu.memory_space<vmem_shared>>)
      %dma_wait3A_125 = arith.constant 0 : i32
      %dma_wait3A_126 = tpu.memref_slice %arg5[%add3A_81, %dma_wait3A_125] : memref<400x128xi32, #tpu.memory_space<vmem>> -> memref<1x128xi32, #tpu.memory_space<vmem>>
      %dma_wait3A_127 = tpu.memref_squeeze %dma_wait3A_126 : memref<1x128xi32, #tpu.memory_space<vmem>> -> memref<128xi32, #tpu.memory_space<vmem>>
      %dma_wait3A_128 = arith.constant 0 : i32
      %dma_wait3A_129 = tpu.memref_slice %arg7[%dma_wait3A_128] : memref<51200xf32, #tpu.memory_space<vmem_shared>> -> memref<51200xf32, #tpu.memory_space<vmem_shared>>
      tpu.wait_indirect_dma semaphore(%arg8 : memref<!tpu.dma_semaphore, #tpu.memory_space<semaphore_mem>>) src(%arg6 : memref<128xf32, #tpu.memory_space<vmem>>) dst(%dma_wait3A_129 : memref<51200xf32, #tpu.memory_space<vmem_shared>>)
      %dma_wait3A_130 = arith.constant 0 : i32
      %dma_wait3A_131 = tpu.memref_slice %arg5[%add3A_90, %dma_wait3A_130] : memref<400x128xi32, #tpu.memory_space<vmem>> -> memref<1x128xi32, #tpu.memory_space<vmem>>
      %dma_wait3A_132 = tpu.memref_squeeze %dma_wait3A_131 : memref<1x128xi32, #tpu.memory_space<vmem>> -> memref<128xi32, #tpu.memory_space<vmem>>
      %dma_wait3A_133 = arith.constant 0 : i32
      %dma_wait3A_134 = tpu.memref_slice %arg7[%dma_wait3A_133] : memref<51200xf32, #tpu.memory_space<vmem_shared>> -> memref<51200xf32, #tpu.memory_space<vmem_shared>>
      tpu.wait_indirect_dma semaphore(%arg8 : memref<!tpu.dma_semaphore, #tpu.memory_space<semaphore_mem>>) src(%arg6 : memref<128xf32, #tpu.memory_space<vmem>>) dst(%dma_wait3A_134 : memref<51200xf32, #tpu.memory_space<vmem_shared>>)
    }
    %scan3A_15 = arith.constant 50 : i32
    %barrier3A_16 = arith.constant 0 : index
    tpu.barrier barrier_id(%barrier3A_16)
    %mul3A_17 = arith.constant 3200 : i32
    %mul3A_18 = arith.muli %arg1, %mul3A_17 : i32
    %mul3A_19 = arith.constant 51200 : i32
    %mul3A_20 = arith.muli %arg0, %mul3A_19 : i32
    %mul3A_21 = arith.constant 3200 : i32
    %mul3A_22 = arith.muli %arg1, %mul3A_21 : i32
    %add3A_23 = arith.addi %mul3A_20, %mul3A_22 : i32
    "tpu.region"() ({
      %run_scoped3A = tpu.sem_alloc : memref<!tpu.dma_semaphore, #tpu.memory_space<semaphore_mem>>
      %dma_start3A = tpu.memref_slice %arg4[%add3A_23] : memref<102400xf32, #tpu.memory_space<hbm>> -> memref<3200xf32, #tpu.memory_space<hbm>>
      %dma_start3A_24 = tpu.memref_slice %arg7[%mul3A_18] : memref<51200xf32, #tpu.memory_space<vmem_shared>> -> memref<3200xf32, #tpu.memory_space<vmem_shared>>
      tpu.enqueue_dma source(%dma_start3A_24 : memref<3200xf32, #tpu.memory_space<vmem_shared>>) target(%dma_start3A : memref<3200xf32, #tpu.memory_space<hbm>>) target_semaphore(%run_scoped3A : memref<!tpu.dma_semaphore, #tpu.memory_space<semaphore_mem>>)
      %dma_wait3A = tpu.memref_slice %arg4[%add3A_23] : memref<102400xf32, #tpu.memory_space<hbm>> -> memref<3200xf32, #tpu.memory_space<hbm>>
      %dma_wait3A_25 = tpu.memref_slice %arg7[%mul3A_18] : memref<51200xf32, #tpu.memory_space<vmem_shared>> -> memref<3200xf32, #tpu.memory_space<vmem_shared>>
      tpu.wait_dma2 semaphore(%run_scoped3A : memref<!tpu.dma_semaphore, #tpu.memory_space<semaphore_mem>>) src(%dma_wait3A_25 : memref<3200xf32, #tpu.memory_space<vmem_shared>>) dst(%dma_wait3A : memref<3200xf32, #tpu.memory_space<hbm>>)
      tpu.yield
    }) : () -> ()
    return
  }
}

module attributes {stable_mosaic.version = 14 : i64} {
  func.func @_matmul_tc_kernel(%arg0: i32, %arg1: memref<100x2048xf32, #tpu.memory_space<vmem>>, %arg2: memref<100x2048xf32, #tpu.memory_space<vmem>>, %arg3: memref<2x100x8xf32, #tpu.memory_space<vmem>>, %arg4: memref<2x128x128xf32, #tpu.memory_space<vmem>>) attributes {dimension_semantics = [#tpu.dimension_semantics<arbitrary>], iteration_bounds = array<i64: 25>, scalar_prefetch = 0 : i64, scratch_operands = 0 : i64, tpu.core_type = #tpu.core_type<tc>, window_params = [{transform_indices = @transform_0, window_bounds = array<i64: 100, 2048>}, {transform_indices = @transform_1, window_bounds = array<i64: 100, 2048>}, {pipeline_mode = #tpu.pipeline_mode<synchronous>, transform_indices = @transform_2, window_bounds = array<i64: 2, 100, 8>}, {transform_indices = @transform_3, window_bounds = array<i64: 2, 128, 128>}]} {
    %get3A = arith.constant 0 : index
    %get3A_0 = arith.constant 0 : index
    %get3A_1 = vector.load %arg1[%get3A, %get3A_0] : memref<100x2048xf32, #tpu.memory_space<vmem>>, vector<100x2048xf32>
    %get3A_2 = arith.constant 0 : index
    %get3A_3 = arith.constant 0 : index
    %get3A_4 = arith.constant 0 : index
    %get3A_5 = vector.load %arg3[%get3A_2, %get3A_3, %get3A_4] : memref<2x100x8xf32, #tpu.memory_space<vmem>>, vector<1x100x8xf32>
    %get3A_6 = vector.shape_cast %get3A_5 : vector<1x100x8xf32> to vector<100x8xf32>
    %dot_general3A = arith.constant dense<0.000000e+00> : vector<2048x8xf32>
    %dot_general3A_7 = tpu.matmul %get3A_1, %get3A_6, %dot_general3A {dimension_numbers = #tpu.dot_dimension_numbers<[0], [0], [1], [1], [0, 1, 1, 1], [], []>, transpose_lhs_hint = false} : vector<100x2048xf32>, vector<100x8xf32>, vector<2048x8xf32> -> vector<2048x8xf32>
    %reshape3A = vector.shape_cast %dot_general3A_7 : vector<2048x8xf32> to vector<128x16x8xf32>
    %slice3A = vector.extract_strided_slice %reshape3A {offsets = [0, 0, 0], sizes = [128, 1, 8], strides = [1, 1, 1]} : vector<128x16x8xf32> to vector<128x1x8xf32>
    %squeeze3A = vector.shape_cast %slice3A : vector<128x1x8xf32> to vector<128x8xf32>
    %slice3A_8 = vector.extract_strided_slice %reshape3A {offsets = [0, 1, 0], sizes = [128, 1, 8], strides = [1, 1, 1]} : vector<128x16x8xf32> to vector<128x1x8xf32>
    %squeeze3A_9 = vector.shape_cast %slice3A_8 : vector<128x1x8xf32> to vector<128x8xf32>
    %slice3A_10 = vector.extract_strided_slice %reshape3A {offsets = [0, 2, 0], sizes = [128, 1, 8], strides = [1, 1, 1]} : vector<128x16x8xf32> to vector<128x1x8xf32>
    %squeeze3A_11 = vector.shape_cast %slice3A_10 : vector<128x1x8xf32> to vector<128x8xf32>
    %slice3A_12 = vector.extract_strided_slice %reshape3A {offsets = [0, 3, 0], sizes = [128, 1, 8], strides = [1, 1, 1]} : vector<128x16x8xf32> to vector<128x1x8xf32>
    %squeeze3A_13 = vector.shape_cast %slice3A_12 : vector<128x1x8xf32> to vector<128x8xf32>
    %slice3A_14 = vector.extract_strided_slice %reshape3A {offsets = [0, 4, 0], sizes = [128, 1, 8], strides = [1, 1, 1]} : vector<128x16x8xf32> to vector<128x1x8xf32>
    %squeeze3A_15 = vector.shape_cast %slice3A_14 : vector<128x1x8xf32> to vector<128x8xf32>
    %slice3A_16 = vector.extract_strided_slice %reshape3A {offsets = [0, 5, 0], sizes = [128, 1, 8], strides = [1, 1, 1]} : vector<128x16x8xf32> to vector<128x1x8xf32>
    %squeeze3A_17 = vector.shape_cast %slice3A_16 : vector<128x1x8xf32> to vector<128x8xf32>
    %slice3A_18 = vector.extract_strided_slice %reshape3A {offsets = [0, 6, 0], sizes = [128, 1, 8], strides = [1, 1, 1]} : vector<128x16x8xf32> to vector<128x1x8xf32>
    %squeeze3A_19 = vector.shape_cast %slice3A_18 : vector<128x1x8xf32> to vector<128x8xf32>
    %slice3A_20 = vector.extract_strided_slice %reshape3A {offsets = [0, 7, 0], sizes = [128, 1, 8], strides = [1, 1, 1]} : vector<128x16x8xf32> to vector<128x1x8xf32>
    %squeeze3A_21 = vector.shape_cast %slice3A_20 : vector<128x1x8xf32> to vector<128x8xf32>
    %slice3A_22 = vector.extract_strided_slice %reshape3A {offsets = [0, 8, 0], sizes = [128, 1, 8], strides = [1, 1, 1]} : vector<128x16x8xf32> to vector<128x1x8xf32>
    %squeeze3A_23 = vector.shape_cast %slice3A_22 : vector<128x1x8xf32> to vector<128x8xf32>
    %slice3A_24 = vector.extract_strided_slice %reshape3A {offsets = [0, 9, 0], sizes = [128, 1, 8], strides = [1, 1, 1]} : vector<128x16x8xf32> to vector<128x1x8xf32>
    %squeeze3A_25 = vector.shape_cast %slice3A_24 : vector<128x1x8xf32> to vector<128x8xf32>
    %slice3A_26 = vector.extract_strided_slice %reshape3A {offsets = [0, 10, 0], sizes = [128, 1, 8], strides = [1, 1, 1]} : vector<128x16x8xf32> to vector<128x1x8xf32>
    %squeeze3A_27 = vector.shape_cast %slice3A_26 : vector<128x1x8xf32> to vector<128x8xf32>
    %slice3A_28 = vector.extract_strided_slice %reshape3A {offsets = [0, 11, 0], sizes = [128, 1, 8], strides = [1, 1, 1]} : vector<128x16x8xf32> to vector<128x1x8xf32>
    %squeeze3A_29 = vector.shape_cast %slice3A_28 : vector<128x1x8xf32> to vector<128x8xf32>
    %slice3A_30 = vector.extract_strided_slice %reshape3A {offsets = [0, 12, 0], sizes = [128, 1, 8], strides = [1, 1, 1]} : vector<128x16x8xf32> to vector<128x1x8xf32>
    %squeeze3A_31 = vector.shape_cast %slice3A_30 : vector<128x1x8xf32> to vector<128x8xf32>
    %slice3A_32 = vector.extract_strided_slice %reshape3A {offsets = [0, 13, 0], sizes = [128, 1, 8], strides = [1, 1, 1]} : vector<128x16x8xf32> to vector<128x1x8xf32>
    %squeeze3A_33 = vector.shape_cast %slice3A_32 : vector<128x1x8xf32> to vector<128x8xf32>
    %slice3A_34 = vector.extract_strided_slice %reshape3A {offsets = [0, 14, 0], sizes = [128, 1, 8], strides = [1, 1, 1]} : vector<128x16x8xf32> to vector<128x1x8xf32>
    %squeeze3A_35 = vector.shape_cast %slice3A_34 : vector<128x1x8xf32> to vector<128x8xf32>
    %slice3A_36 = vector.extract_strided_slice %reshape3A {offsets = [0, 15, 0], sizes = [128, 1, 8], strides = [1, 1, 1]} : vector<128x16x8xf32> to vector<128x1x8xf32>
    %squeeze3A_37 = vector.shape_cast %slice3A_36 : vector<128x1x8xf32> to vector<128x8xf32>
    %concatenate3A = tpu.concatenate %squeeze3A, %squeeze3A_9, %squeeze3A_11, %squeeze3A_13, %squeeze3A_15, %squeeze3A_17, %squeeze3A_19, %squeeze3A_21, %squeeze3A_23, %squeeze3A_25, %squeeze3A_27, %squeeze3A_29, %squeeze3A_31, %squeeze3A_33, %squeeze3A_35, %squeeze3A_37 in 1 : vector<128x8xf32>, vector<128x8xf32>, vector<128x8xf32>, vector<128x8xf32>, vector<128x8xf32>, vector<128x8xf32>, vector<128x8xf32>, vector<128x8xf32>, vector<128x8xf32>, vector<128x8xf32>, vector<128x8xf32>, vector<128x8xf32>, vector<128x8xf32>, vector<128x8xf32>, vector<128x8xf32>, vector<128x8xf32> -> vector<128x128xf32>
    %swap3A = arith.constant 0 : index
    %swap3A_38 = arith.constant 0 : index
    %swap3A_39 = arith.constant 0 : index
    %swap3A_40 = vector.load %arg4[%swap3A, %swap3A_38, %swap3A_39] : memref<2x128x128xf32, #tpu.memory_space<vmem>>, vector<1x128x128xf32>
    %swap3A_41 = vector.shape_cast %swap3A_40 : vector<1x128x128xf32> to vector<128x128xf32>
    %swap3A_42 = vector.shape_cast %concatenate3A : vector<128x128xf32> to vector<1x128x128xf32>
    tpu.vector_store %arg4[%swap3A, %swap3A_38, %swap3A_39], %swap3A_42 {strides = array<i32>} : memref<2x128x128xf32, #tpu.memory_space<vmem>>, vector<1x128x128xf32>,
    %get3A_43 = arith.constant 0 : index
    %get3A_44 = arith.constant 0 : index
    %get3A_45 = vector.load %arg2[%get3A_43, %get3A_44] : memref<100x2048xf32, #tpu.memory_space<vmem>>, vector<100x2048xf32>
    %get3A_46 = arith.constant 1 : index
    %get3A_47 = arith.constant 0 : index
    %get3A_48 = arith.constant 0 : index
    %get3A_49 = vector.load %arg3[%get3A_46, %get3A_47, %get3A_48] : memref<2x100x8xf32, #tpu.memory_space<vmem>>, vector<1x100x8xf32>
    %get3A_50 = vector.shape_cast %get3A_49 : vector<1x100x8xf32> to vector<100x8xf32>
    %dot_general3A_51 = arith.constant dense<0.000000e+00> : vector<2048x8xf32>
    %dot_general3A_52 = tpu.matmul %get3A_45, %get3A_50, %dot_general3A_51 {dimension_numbers = #tpu.dot_dimension_numbers<[0], [0], [1], [1], [0, 1, 1, 1], [], []>, transpose_lhs_hint = false} : vector<100x2048xf32>, vector<100x8xf32>, vector<2048x8xf32> -> vector<2048x8xf32>
    %reshape3A_53 = vector.shape_cast %dot_general3A_52 : vector<2048x8xf32> to vector<128x16x8xf32>
    %slice3A_54 = vector.extract_strided_slice %reshape3A_53 {offsets = [0, 0, 0], sizes = [128, 1, 8], strides = [1, 1, 1]} : vector<128x16x8xf32> to vector<128x1x8xf32>
    %squeeze3A_55 = vector.shape_cast %slice3A_54 : vector<128x1x8xf32> to vector<128x8xf32>
    %slice3A_56 = vector.extract_strided_slice %reshape3A_53 {offsets = [0, 1, 0], sizes = [128, 1, 8], strides = [1, 1, 1]} : vector<128x16x8xf32> to vector<128x1x8xf32>
    %squeeze3A_57 = vector.shape_cast %slice3A_56 : vector<128x1x8xf32> to vector<128x8xf32>
    %slice3A_58 = vector.extract_strided_slice %reshape3A_53 {offsets = [0, 2, 0], sizes = [128, 1, 8], strides = [1, 1, 1]} : vector<128x16x8xf32> to vector<128x1x8xf32>
    %squeeze3A_59 = vector.shape_cast %slice3A_58 : vector<128x1x8xf32> to vector<128x8xf32>
    %slice3A_60 = vector.extract_strided_slice %reshape3A_53 {offsets = [0, 3, 0], sizes = [128, 1, 8], strides = [1, 1, 1]} : vector<128x16x8xf32> to vector<128x1x8xf32>
    %squeeze3A_61 = vector.shape_cast %slice3A_60 : vector<128x1x8xf32> to vector<128x8xf32>
    %slice3A_62 = vector.extract_strided_slice %reshape3A_53 {offsets = [0, 4, 0], sizes = [128, 1, 8], strides = [1, 1, 1]} : vector<128x16x8xf32> to vector<128x1x8xf32>
    %squeeze3A_63 = vector.shape_cast %slice3A_62 : vector<128x1x8xf32> to vector<128x8xf32>
    %slice3A_64 = vector.extract_strided_slice %reshape3A_53 {offsets = [0, 5, 0], sizes = [128, 1, 8], strides = [1, 1, 1]} : vector<128x16x8xf32> to vector<128x1x8xf32>
    %squeeze3A_65 = vector.shape_cast %slice3A_64 : vector<128x1x8xf32> to vector<128x8xf32>
    %slice3A_66 = vector.extract_strided_slice %reshape3A_53 {offsets = [0, 6, 0], sizes = [128, 1, 8], strides = [1, 1, 1]} : vector<128x16x8xf32> to vector<128x1x8xf32>
    %squeeze3A_67 = vector.shape_cast %slice3A_66 : vector<128x1x8xf32> to vector<128x8xf32>
    %slice3A_68 = vector.extract_strided_slice %reshape3A_53 {offsets = [0, 7, 0], sizes = [128, 1, 8], strides = [1, 1, 1]} : vector<128x16x8xf32> to vector<128x1x8xf32>
    %squeeze3A_69 = vector.shape_cast %slice3A_68 : vector<128x1x8xf32> to vector<128x8xf32>
    %slice3A_70 = vector.extract_strided_slice %reshape3A_53 {offsets = [0, 8, 0], sizes = [128, 1, 8], strides = [1, 1, 1]} : vector<128x16x8xf32> to vector<128x1x8xf32>
    %squeeze3A_71 = vector.shape_cast %slice3A_70 : vector<128x1x8xf32> to vector<128x8xf32>
    %slice3A_72 = vector.extract_strided_slice %reshape3A_53 {offsets = [0, 9, 0], sizes = [128, 1, 8], strides = [1, 1, 1]} : vector<128x16x8xf32> to vector<128x1x8xf32>
    %squeeze3A_73 = vector.shape_cast %slice3A_72 : vector<128x1x8xf32> to vector<128x8xf32>
    %slice3A_74 = vector.extract_strided_slice %reshape3A_53 {offsets = [0, 10, 0], sizes = [128, 1, 8], strides = [1, 1, 1]} : vector<128x16x8xf32> to vector<128x1x8xf32>
    %squeeze3A_75 = vector.shape_cast %slice3A_74 : vector<128x1x8xf32> to vector<128x8xf32>
    %slice3A_76 = vector.extract_strided_slice %reshape3A_53 {offsets = [0, 11, 0], sizes = [128, 1, 8], strides = [1, 1, 1]} : vector<128x16x8xf32> to vector<128x1x8xf32>
    %squeeze3A_77 = vector.shape_cast %slice3A_76 : vector<128x1x8xf32> to vector<128x8xf32>
    %slice3A_78 = vector.extract_strided_slice %reshape3A_53 {offsets = [0, 12, 0], sizes = [128, 1, 8], strides = [1, 1, 1]} : vector<128x16x8xf32> to vector<128x1x8xf32>
    %squeeze3A_79 = vector.shape_cast %slice3A_78 : vector<128x1x8xf32> to vector<128x8xf32>
    %slice3A_80 = vector.extract_strided_slice %reshape3A_53 {offsets = [0, 13, 0], sizes = [128, 1, 8], strides = [1, 1, 1]} : vector<128x16x8xf32> to vector<128x1x8xf32>
    %squeeze3A_81 = vector.shape_cast %slice3A_80 : vector<128x1x8xf32> to vector<128x8xf32>
    %slice3A_82 = vector.extract_strided_slice %reshape3A_53 {offsets = [0, 14, 0], sizes = [128, 1, 8], strides = [1, 1, 1]} : vector<128x16x8xf32> to vector<128x1x8xf32>
    %squeeze3A_83 = vector.shape_cast %slice3A_82 : vector<128x1x8xf32> to vector<128x8xf32>
    %slice3A_84 = vector.extract_strided_slice %reshape3A_53 {offsets = [0, 15, 0], sizes = [128, 1, 8], strides = [1, 1, 1]} : vector<128x16x8xf32> to vector<128x1x8xf32>
    %squeeze3A_85 = vector.shape_cast %slice3A_84 : vector<128x1x8xf32> to vector<128x8xf32>
    %concatenate3A_86 = tpu.concatenate %squeeze3A_55, %squeeze3A_57, %squeeze3A_59, %squeeze3A_61, %squeeze3A_63, %squeeze3A_65, %squeeze3A_67, %squeeze3A_69, %squeeze3A_71, %squeeze3A_73, %squeeze3A_75, %squeeze3A_77, %squeeze3A_79, %squeeze3A_81, %squeeze3A_83, %squeeze3A_85 in 1 : vector<128x8xf32>, vector<128x8xf32>, vector<128x8xf32>, vector<128x8xf32>, vector<128x8xf32>, vector<128x8xf32>, vector<128x8xf32>, vector<128x8xf32>, vector<128x8xf32>, vector<128x8xf32>, vector<128x8xf32>, vector<128x8xf32>, vector<128x8xf32>, vector<128x8xf32>, vector<128x8xf32>, vector<128x8xf32> -> vector<128x128xf32>
    %swap3A_87 = arith.constant 1 : index
    %swap3A_88 = arith.constant 0 : index
    %swap3A_89 = arith.constant 0 : index
    %swap3A_90 = vector.load %arg4[%swap3A_87, %swap3A_88, %swap3A_89] : memref<2x128x128xf32, #tpu.memory_space<vmem>>, vector<1x128x128xf32>
    %swap3A_91 = vector.shape_cast %swap3A_90 : vector<1x128x128xf32> to vector<128x128xf32>
    %swap3A_92 = vector.shape_cast %concatenate3A_86 : vector<128x128xf32> to vector<1x128x128xf32>
    tpu.vector_store %arg4[%swap3A_87, %swap3A_88, %swap3A_89], %swap3A_92 {strides = array<i32>} : memref<2x128x128xf32, #tpu.memory_space<vmem>>, vector<1x128x128xf32>,
    return
  }
  func.func @transform_0(%arg0: i32) -> (i32, i32) {
    %c0_i32 = arith.constant 0 : i32
    %c0_i32_0 = arith.constant 0 : i32
    return %c0_i32, %arg0 : i32, i32
  }
  func.func @transform_1(%arg0: i32) -> (i32, i32) {
    %c0_i32 = arith.constant 0 : i32
    %c0_i32_0 = arith.constant 0 : i32
    return %c0_i32, %arg0 : i32, i32
  }
  func.func @transform_2(%arg0: i32) -> (i32, i32, i32) {
    %c0_i32 = arith.constant 0 : i32
    %c0_i32_0 = arith.constant 0 : i32
    %c0_i32_1 = arith.constant 0 : i32
    %c0_i32_2 = arith.constant 0 : i32
    return %c0_i32, %c0_i32_0, %c0_i32_1 : i32, i32, i32
  }
  func.func @transform_3(%arg0: i32) -> (i32, i32, i32) {
    %c0_i32 = arith.constant 0 : i32
    %c0_i32_0 = arith.constant 0 : i32
    %c0_i32_1 = arith.constant 0 : i32
    return %c0_i32, %arg0, %c0_i32_0 : i32, i32, i32
  }
}

module attributes {stable_mosaic.version = 14 : i64} {
  func.func @_scale_tc_kernel(%arg0: i32, %arg1: memref<2x128x128xf32, #tpu.memory_space<vmem>>, %arg2: memref<2x128x16xf32, #tpu.memory_space<vmem>>, %arg3: memref<2x128x128xf32, #tpu.memory_space<vmem>>, %arg4: memref<2x128x128xf32, #tpu.memory_space<vmem>>) attributes {dimension_semantics = [#tpu.dimension_semantics<arbitrary>], iteration_bounds = array<i64: 25>, scalar_prefetch = 0 : i64, scratch_operands = 0 : i64, tpu.core_type = #tpu.core_type<tc>, window_params = [{transform_indices = @transform_0, window_bounds = array<i64: 2, 128, 128>}, {transform_indices = @transform_1, window_bounds = array<i64: 2, 128, 16>}, {transform_indices = @transform_2, window_bounds = array<i64: 2, 128, 128>}, {transform_indices = @transform_3, window_bounds = array<i64: 2, 128, 128>}]} {
    %iota3A = tpu.iota {dimensions = array<i32: 0>} : vector<16x128xi32>
    %iota3A_0 = tpu.iota {dimensions = array<i32: 1>} : vector<16x128xi32>
    %jit3A = arith.constant 8 : i32
    %div3A = vector.broadcast %jit3A : i32 to vector<16x128xi32>
    %div3A_1 = arith.divsi %iota3A_0, %div3A : vector<16x128xi32>
    %sign3A = arith.constant 0 : i32
    %sign3A_2 = vector.broadcast %sign3A : i32 to vector<16x128xi32>
    %sign3A_3 = arith.cmpi sgt, %iota3A_0, %sign3A_2 : vector<16x128xi32>
    %sign3A_4 = arith.extui %sign3A_3 : vector<16x128xi1> to vector<16x128xi32>
    %sign3A_5 = arith.constant 0 : i32
    %sign3A_6 = vector.broadcast %sign3A_5 : i32 to vector<16x128xi32>
    %sign3A_7 = arith.cmpi slt, %iota3A_0, %sign3A_6 : vector<16x128xi32>
    %sign3A_8 = arith.extui %sign3A_7 : vector<16x128xi1> to vector<16x128xi32>
    %sign3A_9 = arith.subi %sign3A_4, %sign3A_8 : vector<16x128xi32>
    %sign3A_10 = arith.constant 0 : i32
    %sign3A_11 = arith.cmpi sgt, %jit3A, %sign3A_10 : i32
    %sign3A_12 = arith.extui %sign3A_11 : i1 to i32
    %sign3A_13 = arith.constant 0 : i32
    %sign3A_14 = arith.cmpi slt, %jit3A, %sign3A_13 : i32
    %sign3A_15 = arith.extui %sign3A_14 : i1 to i32
    %sign3A_16 = arith.subi %sign3A_12, %sign3A_15 : i32
    %ne3A = vector.broadcast %sign3A_16 : i32 to vector<16x128xi32>
    %ne3A_17 = arith.cmpi ne, %sign3A_9, %ne3A : vector<16x128xi32>
    %rem3A = vector.broadcast %jit3A : i32 to vector<16x128xi32>
    %rem3A_18 = arith.remsi %iota3A_0, %rem3A : vector<16x128xi32>
    %ne3A_19 = arith.constant 0 : i32
    %ne3A_20 = vector.broadcast %ne3A_19 : i32 to vector<16x128xi32>
    %ne3A_21 = arith.cmpi ne, %rem3A_18, %ne3A_20 : vector<16x128xi32>
    %and3A = arith.andi %ne3A_17, %ne3A_21 : vector<16x128xi1>
    %sub3A = arith.constant 1 : i32
    %sub3A_22 = vector.broadcast %sub3A : i32 to vector<16x128xi32>
    %sub3A_23 = arith.subi %div3A_1, %sub3A_22 : vector<16x128xi32>
    %select_n3A = arith.select %and3A, %sub3A_23, %div3A_1 : vector<16x128xi1>, vector<16x128xi32>
    %eq3A = arith.cmpi eq, %select_n3A, %iota3A : vector<16x128xi32>
    %convert_element_type3A = arith.extui %eq3A : vector<16x128xi1> to vector<16x128xi32>
    %convert_element_type3A_24 = arith.sitofp %convert_element_type3A : vector<16x128xi32> to vector<16x128xf32>
    %get3A = arith.constant 0 : index
    %get3A_25 = arith.constant 0 : index
    %get3A_26 = arith.constant 0 : index
    %get3A_27 = vector.load %arg2[%get3A, %get3A_25, %get3A_26] : memref<2x128x16xf32, #tpu.memory_space<vmem>>, vector<1x128x16xf32>
    %get3A_28 = vector.shape_cast %get3A_27 : vector<1x128x16xf32> to vector<128x16xf32>
    %add3A = arith.constant 1.000000e+00 : f32
    %add3A_29 = vector.broadcast %add3A : f32 to vector<128x16xf32>
    %add3A_30 = arith.addf %get3A_28, %add3A_29 : vector<128x16xf32>
    %rsqrt3A = math.rsqrt %add3A_30 : vector<128x16xf32>
    %dot_general3A = arith.constant dense<0.000000e+00> : vector<128x128xf32>
    %dot_general3A_31 = tpu.matmul %rsqrt3A, %convert_element_type3A_24, %dot_general3A {dimension_numbers = #tpu.dot_dimension_numbers<[1], [0], [0], [1], [0, 0, 1, 1], [], []>, precision = #tpu.contract_precision<fp32>, transpose_lhs_hint = false} : vector<128x16xf32>, vector<16x128xf32>, vector<128x128xf32> -> vector<128x128xf32>
    %get3A_32 = arith.constant 0 : index
    %get3A_33 = arith.constant 0 : index
    %get3A_34 = arith.constant 0 : index
    %get3A_35 = vector.load %arg1[%get3A_32, %get3A_33, %get3A_34] : memref<2x128x128xf32, #tpu.memory_space<vmem>>, vector<1x128x128xf32>
    %get3A_36 = vector.shape_cast %get3A_35 : vector<1x128x128xf32> to vector<128x128xf32>
    %mul3A = arith.mulf %get3A_36, %dot_general3A_31 : vector<128x128xf32>
    %swap3A = arith.constant 0 : index
    %swap3A_37 = arith.constant 0 : index
    %swap3A_38 = arith.constant 0 : index
    %swap3A_39 = vector.load %arg3[%swap3A, %swap3A_37, %swap3A_38] : memref<2x128x128xf32, #tpu.memory_space<vmem>>, vector<1x128x128xf32>
    %swap3A_40 = vector.shape_cast %swap3A_39 : vector<1x128x128xf32> to vector<128x128xf32>
    %swap3A_41 = vector.shape_cast %mul3A : vector<128x128xf32> to vector<1x128x128xf32>
    tpu.vector_store %arg3[%swap3A, %swap3A_37, %swap3A_38], %swap3A_41 {strides = array<i32>} : memref<2x128x128xf32, #tpu.memory_space<vmem>>, vector<1x128x128xf32>,
    %swap3A_42 = arith.constant 0 : index
    %swap3A_43 = arith.constant 0 : index
    %swap3A_44 = arith.constant 0 : index
    %swap3A_45 = vector.load %arg4[%swap3A_42, %swap3A_43, %swap3A_44] : memref<2x128x128xf32, #tpu.memory_space<vmem>>, vector<1x128x128xf32>
    %swap3A_46 = vector.shape_cast %swap3A_45 : vector<1x128x128xf32> to vector<128x128xf32>
    %swap3A_47 = vector.shape_cast %dot_general3A_31 : vector<128x128xf32> to vector<1x128x128xf32>
    tpu.vector_store %arg4[%swap3A_42, %swap3A_43, %swap3A_44], %swap3A_47 {strides = array<i32>} : memref<2x128x128xf32, #tpu.memory_space<vmem>>, vector<1x128x128xf32>,
    %get3A_48 = arith.constant 1 : index
    %get3A_49 = arith.constant 0 : index
    %get3A_50 = arith.constant 0 : index
    %get3A_51 = vector.load %arg2[%get3A_48, %get3A_49, %get3A_50] : memref<2x128x16xf32, #tpu.memory_space<vmem>>, vector<1x128x16xf32>
    %get3A_52 = vector.shape_cast %get3A_51 : vector<1x128x16xf32> to vector<128x16xf32>
    %add3A_53 = arith.constant 1.000000e+00 : f32
    %add3A_54 = vector.broadcast %add3A_53 : f32 to vector<128x16xf32>
    %add3A_55 = arith.addf %get3A_52, %add3A_54 : vector<128x16xf32>
    %rsqrt3A_56 = math.rsqrt %add3A_55 : vector<128x16xf32>
    %dot_general3A_57 = arith.constant dense<0.000000e+00> : vector<128x128xf32>
    %dot_general3A_58 = tpu.matmul %rsqrt3A_56, %convert_element_type3A_24, %dot_general3A_57 {dimension_numbers = #tpu.dot_dimension_numbers<[1], [0], [0], [1], [0, 0, 1, 1], [], []>, precision = #tpu.contract_precision<fp32>, transpose_lhs_hint = false} : vector<128x16xf32>, vector<16x128xf32>, vector<128x128xf32> -> vector<128x128xf32>
    %get3A_59 = arith.constant 1 : index
    %get3A_60 = arith.constant 0 : index
    %get3A_61 = arith.constant 0 : index
    %get3A_62 = vector.load %arg1[%get3A_59, %get3A_60, %get3A_61] : memref<2x128x128xf32, #tpu.memory_space<vmem>>, vector<1x128x128xf32>
    %get3A_63 = vector.shape_cast %get3A_62 : vector<1x128x128xf32> to vector<128x128xf32>
    %mul3A_64 = arith.mulf %get3A_63, %dot_general3A_58 : vector<128x128xf32>
    %swap3A_65 = arith.constant 1 : index
    %swap3A_66 = arith.constant 0 : index
    %swap3A_67 = arith.constant 0 : index
    %swap3A_68 = vector.load %arg3[%swap3A_65, %swap3A_66, %swap3A_67] : memref<2x128x128xf32, #tpu.memory_space<vmem>>, vector<1x128x128xf32>
    %swap3A_69 = vector.shape_cast %swap3A_68 : vector<1x128x128xf32> to vector<128x128xf32>
    %swap3A_70 = vector.shape_cast %mul3A_64 : vector<128x128xf32> to vector<1x128x128xf32>
    tpu.vector_store %arg3[%swap3A_65, %swap3A_66, %swap3A_67], %swap3A_70 {strides = array<i32>} : memref<2x128x128xf32, #tpu.memory_space<vmem>>, vector<1x128x128xf32>,
    %swap3A_71 = arith.constant 1 : index
    %swap3A_72 = arith.constant 0 : index
    %swap3A_73 = arith.constant 0 : index
    %swap3A_74 = vector.load %arg4[%swap3A_71, %swap3A_72, %swap3A_73] : memref<2x128x128xf32, #tpu.memory_space<vmem>>, vector<1x128x128xf32>
    %swap3A_75 = vector.shape_cast %swap3A_74 : vector<1x128x128xf32> to vector<128x128xf32>
    %swap3A_76 = vector.shape_cast %dot_general3A_58 : vector<128x128xf32> to vector<1x128x128xf32>
    tpu.vector_store %arg4[%swap3A_71, %swap3A_72, %swap3A_73], %swap3A_76 {strides = array<i32>} : memref<2x128x128xf32, #tpu.memory_space<vmem>>, vector<1x128x128xf32>,
    return
  }
  func.func @transform_0(%arg0: i32) -> (i32, i32, i32) {
    %c0_i32 = arith.constant 0 : i32
    %c0_i32_0 = arith.constant 0 : i32
    %c0_i32_1 = arith.constant 0 : i32
    return %c0_i32, %arg0, %c0_i32_0 : i32, i32, i32
  }
  func.func @transform_1(%arg0: i32) -> (i32, i32, i32) {
    %c0_i32 = arith.constant 0 : i32
    %c0_i32_0 = arith.constant 0 : i32
    %c0_i32_1 = arith.constant 0 : i32
    return %c0_i32, %arg0, %c0_i32_0 : i32, i32, i32
  }
  func.func @transform_2(%arg0: i32) -> (i32, i32, i32) {
    %c0_i32 = arith.constant 0 : i32
    %c0_i32_0 = arith.constant 0 : i32
    %c0_i32_1 = arith.constant 0 : i32
    return %c0_i32, %arg0, %c0_i32_0 : i32, i32, i32
  }
  func.func @transform_3(%arg0: i32) -> (i32, i32, i32) {
    %c0_i32 = arith.constant 0 : i32
    %c0_i32_0 = arith.constant 0 : i32
    %c0_i32_1 = arith.constant 0 : i32
    return %c0_i32, %arg0, %c0_i32_0 : i32, i32, i32
  }
}

module attributes {stable_mosaic.version = 14 : i64} {
  func.func @_decode_tc_kernel(%arg0: i32, %arg1: memref<2x128x128xf32, #tpu.memory_space<vmem>>, %arg2: memref<2x128x128xf32, #tpu.memory_space<vmem>>, %arg3: memref<2x128x128xf32, #tpu.memory_space<vmem>>, %arg4: memref<2x8xf32, #tpu.memory_space<vmem>>, %arg5: memref<16x128xf32, #tpu.memory_space<vmem>>) attributes {dimension_semantics = [#tpu.dimension_semantics<arbitrary>], iteration_bounds = array<i64: 25>, scalar_prefetch = 0 : i64, scratch_operands = 0 : i64, tpu.core_type = #tpu.core_type<tc>, window_params = [{transform_indices = @transform_0, window_bounds = array<i64: 2, 128, 128>}, {transform_indices = @transform_1, window_bounds = array<i64: 2, 128, 128>}, {transform_indices = @transform_2, window_bounds = array<i64: 2, 128, 128>}, {pipeline_mode = #tpu.pipeline_mode<synchronous>, transform_indices = @transform_3, window_bounds = array<i64: 2, 8>}, {transform_indices = @transform_4, window_bounds = array<i64: 16, 128>}]} {
    %iota3A = tpu.iota {dimensions = array<i32: 0>} : vector<128x16xi32>
    %iota3A_0 = tpu.iota {dimensions = array<i32: 1>} : vector<128x16xi32>
    %jit3A = arith.constant 8 : i32
    %div3A = vector.broadcast %jit3A : i32 to vector<128x16xi32>
    %div3A_1 = arith.divsi %iota3A, %div3A : vector<128x16xi32>
    %sign3A = arith.constant 0 : i32
    %sign3A_2 = vector.broadcast %sign3A : i32 to vector<128x16xi32>
    %sign3A_3 = arith.cmpi sgt, %iota3A, %sign3A_2 : vector<128x16xi32>
    %sign3A_4 = arith.extui %sign3A_3 : vector<128x16xi1> to vector<128x16xi32>
    %sign3A_5 = arith.constant 0 : i32
    %sign3A_6 = vector.broadcast %sign3A_5 : i32 to vector<128x16xi32>
    %sign3A_7 = arith.cmpi slt, %iota3A, %sign3A_6 : vector<128x16xi32>
    %sign3A_8 = arith.extui %sign3A_7 : vector<128x16xi1> to vector<128x16xi32>
    %sign3A_9 = arith.subi %sign3A_4, %sign3A_8 : vector<128x16xi32>
    %sign3A_10 = arith.constant 0 : i32
    %sign3A_11 = arith.cmpi sgt, %jit3A, %sign3A_10 : i32
    %sign3A_12 = arith.extui %sign3A_11 : i1 to i32
    %sign3A_13 = arith.constant 0 : i32
    %sign3A_14 = arith.cmpi slt, %jit3A, %sign3A_13 : i32
    %sign3A_15 = arith.extui %sign3A_14 : i1 to i32
    %sign3A_16 = arith.subi %sign3A_12, %sign3A_15 : i32
    %ne3A = vector.broadcast %sign3A_16 : i32 to vector<128x16xi32>
    %ne3A_17 = arith.cmpi ne, %sign3A_9, %ne3A : vector<128x16xi32>
    %rem3A = vector.broadcast %jit3A : i32 to vector<128x16xi32>
    %rem3A_18 = arith.remsi %iota3A, %rem3A : vector<128x16xi32>
    %ne3A_19 = arith.constant 0 : i32
    %ne3A_20 = vector.broadcast %ne3A_19 : i32 to vector<128x16xi32>
    %ne3A_21 = arith.cmpi ne, %rem3A_18, %ne3A_20 : vector<128x16xi32>
    %and3A = arith.andi %ne3A_17, %ne3A_21 : vector<128x16xi1>
    %sub3A = arith.constant 1 : i32
    %sub3A_22 = vector.broadcast %sub3A : i32 to vector<128x16xi32>
    %sub3A_23 = arith.subi %div3A_1, %sub3A_22 : vector<128x16xi32>
    %select_n3A = arith.select %and3A, %sub3A_23, %div3A_1 : vector<128x16xi1>, vector<128x16xi32>
    %eq3A = arith.cmpi eq, %select_n3A, %iota3A_0 : vector<128x16xi32>
    %convert_element_type3A = arith.extui %eq3A : vector<128x16xi1> to vector<128x16xi32>
    %convert_element_type3A_24 = arith.sitofp %convert_element_type3A : vector<128x16xi32> to vector<128x16xf32>
    %get3A = arith.constant 0 : index
    %get3A_25 = arith.constant 0 : index
    %get3A_26 = vector.load %arg4[%get3A, %get3A_25] : memref<2x8xf32, #tpu.memory_space<vmem>>, vector<1x8xf32>
    %get3A_27 = vector.shape_cast %get3A_26 : vector<1x8xf32> to vector<8xf32>
    %concatenate3A = tpu.concatenate %get3A_27, %get3A_27, %get3A_27, %get3A_27, %get3A_27, %get3A_27, %get3A_27, %get3A_27, %get3A_27, %get3A_27, %get3A_27, %get3A_27, %get3A_27, %get3A_27, %get3A_27, %get3A_27 in 0 : vector<8xf32>, vector<8xf32>, vector<8xf32>, vector<8xf32>, vector<8xf32>, vector<8xf32>, vector<8xf32>, vector<8xf32>, vector<8xf32>, vector<8xf32>, vector<8xf32>, vector<8xf32>, vector<8xf32>, vector<8xf32>, vector<8xf32>, vector<8xf32> -> vector<128xf32>
    %get3A_28 = arith.constant 0 : index
    %get3A_29 = arith.constant 0 : index
    %get3A_30 = arith.constant 0 : index
    %get3A_31 = vector.load %arg3[%get3A_28, %get3A_29, %get3A_30] : memref<2x128x128xf32, #tpu.memory_space<vmem>>, vector<1x128x128xf32>
    %get3A_32 = vector.shape_cast %get3A_31 : vector<1x128x128xf32> to vector<128x128xf32>
    %get3A_33 = arith.constant 0 : index
    %get3A_34 = arith.constant 0 : index
    %get3A_35 = arith.constant 0 : index
    %get3A_36 = vector.load %arg2[%get3A_33, %get3A_34, %get3A_35] : memref<2x128x128xf32, #tpu.memory_space<vmem>>, vector<1x128x128xf32>
    %get3A_37 = vector.shape_cast %get3A_36 : vector<1x128x128xf32> to vector<128x128xf32>
    %get3A_38 = arith.constant 0 : index
    %get3A_39 = arith.constant 0 : index
    %get3A_40 = arith.constant 0 : index
    %get3A_41 = vector.load %arg1[%get3A_38, %get3A_39, %get3A_40] : memref<2x128x128xf32, #tpu.memory_space<vmem>>, vector<1x128x128xf32>
    %get3A_42 = vector.shape_cast %get3A_41 : vector<1x128x128xf32> to vector<128x128xf32>
    %add3A = arith.addf %get3A_37, %get3A_42 : vector<128x128xf32>
    %mul3A = arith.mulf %get3A_32, %add3A : vector<128x128xf32>
    %broadcast_in_dim3A = vector.shape_cast %concatenate3A : vector<128xf32> to vector<1x128xf32>
    %add3A_43 = vector.broadcast %broadcast_in_dim3A : vector<1x128xf32> to vector<128x128xf32>
    %add3A_44 = arith.addf %mul3A, %add3A_43 : vector<128x128xf32>
    %tanh3A = math.tanh %add3A_44 : vector<128x128xf32>
    %get3A_45 = arith.constant 1 : index
    %get3A_46 = arith.constant 0 : index
    %get3A_47 = vector.load %arg4[%get3A_45, %get3A_46] : memref<2x8xf32, #tpu.memory_space<vmem>>, vector<1x8xf32>
    %get3A_48 = vector.shape_cast %get3A_47 : vector<1x8xf32> to vector<8xf32>
    %concatenate3A_49 = tpu.concatenate %get3A_48, %get3A_48, %get3A_48, %get3A_48, %get3A_48, %get3A_48, %get3A_48, %get3A_48, %get3A_48, %get3A_48, %get3A_48, %get3A_48, %get3A_48, %get3A_48, %get3A_48, %get3A_48 in 0 : vector<8xf32>, vector<8xf32>, vector<8xf32>, vector<8xf32>, vector<8xf32>, vector<8xf32>, vector<8xf32>, vector<8xf32>, vector<8xf32>, vector<8xf32>, vector<8xf32>, vector<8xf32>, vector<8xf32>, vector<8xf32>, vector<8xf32>, vector<8xf32> -> vector<128xf32>
    %get3A_50 = arith.constant 1 : index
    %get3A_51 = arith.constant 0 : index
    %get3A_52 = arith.constant 0 : index
    %get3A_53 = vector.load %arg3[%get3A_50, %get3A_51, %get3A_52] : memref<2x128x128xf32, #tpu.memory_space<vmem>>, vector<1x128x128xf32>
    %get3A_54 = vector.shape_cast %get3A_53 : vector<1x128x128xf32> to vector<128x128xf32>
    %get3A_55 = arith.constant 1 : index
    %get3A_56 = arith.constant 0 : index
    %get3A_57 = arith.constant 0 : index
    %get3A_58 = vector.load %arg2[%get3A_55, %get3A_56, %get3A_57] : memref<2x128x128xf32, #tpu.memory_space<vmem>>, vector<1x128x128xf32>
    %get3A_59 = vector.shape_cast %get3A_58 : vector<1x128x128xf32> to vector<128x128xf32>
    %get3A_60 = arith.constant 1 : index
    %get3A_61 = arith.constant 0 : index
    %get3A_62 = arith.constant 0 : index
    %get3A_63 = vector.load %arg1[%get3A_60, %get3A_61, %get3A_62] : memref<2x128x128xf32, #tpu.memory_space<vmem>>, vector<1x128x128xf32>
    %get3A_64 = vector.shape_cast %get3A_63 : vector<1x128x128xf32> to vector<128x128xf32>
    %add3A_65 = arith.addf %get3A_59, %get3A_64 : vector<128x128xf32>
    %mul3A_66 = arith.mulf %get3A_54, %add3A_65 : vector<128x128xf32>
    %broadcast_in_dim3A_67 = vector.shape_cast %concatenate3A_49 : vector<128xf32> to vector<1x128xf32>
    %add3A_68 = vector.broadcast %broadcast_in_dim3A_67 : vector<1x128xf32> to vector<128x128xf32>
    %add3A_69 = arith.addf %mul3A_66, %add3A_68 : vector<128x128xf32>
    %tanh3A_70 = math.tanh %add3A_69 : vector<128x128xf32>
    %mul3A_71 = arith.mulf %tanh3A, %tanh3A_70 : vector<128x128xf32>
    %dot_general3A = arith.constant dense<0.000000e+00> : vector<128x16xf32>
    %dot_general3A_72 = tpu.matmul %mul3A_71, %convert_element_type3A_24, %dot_general3A {dimension_numbers = #tpu.dot_dimension_numbers<[1], [0], [0], [1], [0, 0, 1, 1], [], []>, precision = #tpu.contract_precision<fp32>, transpose_lhs_hint = false} : vector<128x128xf32>, vector<128x16xf32>, vector<128x16xf32> -> vector<128x16xf32>
    %reshape3A = vector.shape_cast %dot_general3A_72 : vector<128x16xf32> to vector<16x8x16xf32>
    %slice3A = vector.extract_strided_slice %reshape3A {offsets = [0, 0, 0], sizes = [16, 1, 16], strides = [1, 1, 1]} : vector<16x8x16xf32> to vector<16x1x16xf32>
    %squeeze3A = vector.shape_cast %slice3A : vector<16x1x16xf32> to vector<16x16xf32>
    %slice3A_73 = vector.extract_strided_slice %reshape3A {offsets = [0, 1, 0], sizes = [16, 1, 16], strides = [1, 1, 1]} : vector<16x8x16xf32> to vector<16x1x16xf32>
    %squeeze3A_74 = vector.shape_cast %slice3A_73 : vector<16x1x16xf32> to vector<16x16xf32>
    %slice3A_75 = vector.extract_strided_slice %reshape3A {offsets = [0, 2, 0], sizes = [16, 1, 16], strides = [1, 1, 1]} : vector<16x8x16xf32> to vector<16x1x16xf32>
    %squeeze3A_76 = vector.shape_cast %slice3A_75 : vector<16x1x16xf32> to vector<16x16xf32>
    %slice3A_77 = vector.extract_strided_slice %reshape3A {offsets = [0, 3, 0], sizes = [16, 1, 16], strides = [1, 1, 1]} : vector<16x8x16xf32> to vector<16x1x16xf32>
    %squeeze3A_78 = vector.shape_cast %slice3A_77 : vector<16x1x16xf32> to vector<16x16xf32>
    %slice3A_79 = vector.extract_strided_slice %reshape3A {offsets = [0, 4, 0], sizes = [16, 1, 16], strides = [1, 1, 1]} : vector<16x8x16xf32> to vector<16x1x16xf32>
    %squeeze3A_80 = vector.shape_cast %slice3A_79 : vector<16x1x16xf32> to vector<16x16xf32>
    %slice3A_81 = vector.extract_strided_slice %reshape3A {offsets = [0, 5, 0], sizes = [16, 1, 16], strides = [1, 1, 1]} : vector<16x8x16xf32> to vector<16x1x16xf32>
    %squeeze3A_82 = vector.shape_cast %slice3A_81 : vector<16x1x16xf32> to vector<16x16xf32>
    %slice3A_83 = vector.extract_strided_slice %reshape3A {offsets = [0, 6, 0], sizes = [16, 1, 16], strides = [1, 1, 1]} : vector<16x8x16xf32> to vector<16x1x16xf32>
    %squeeze3A_84 = vector.shape_cast %slice3A_83 : vector<16x1x16xf32> to vector<16x16xf32>
    %slice3A_85 = vector.extract_strided_slice %reshape3A {offsets = [0, 7, 0], sizes = [16, 1, 16], strides = [1, 1, 1]} : vector<16x8x16xf32> to vector<16x1x16xf32>
    %squeeze3A_86 = vector.shape_cast %slice3A_85 : vector<16x1x16xf32> to vector<16x16xf32>
    %concatenate3A_87 = tpu.concatenate %squeeze3A, %squeeze3A_74, %squeeze3A_76, %squeeze3A_78, %squeeze3A_80, %squeeze3A_82, %squeeze3A_84, %squeeze3A_86 in 1 : vector<16x16xf32>, vector<16x16xf32>, vector<16x16xf32>, vector<16x16xf32>, vector<16x16xf32>, vector<16x16xf32>, vector<16x16xf32>, vector<16x16xf32> -> vector<16x128xf32>
    %swap3A = arith.constant 0 : index
    %swap3A_88 = arith.constant 0 : index
    %swap3A_89 = vector.load %arg5[%swap3A, %swap3A_88] : memref<16x128xf32, #tpu.memory_space<vmem>>, vector<16x128xf32>
    tpu.vector_store %arg5[%swap3A, %swap3A_88], %concatenate3A_87 {strides = array<i32>} : memref<16x128xf32, #tpu.memory_space<vmem>>, vector<16x128xf32>,
    return
  }
  func.func @transform_0(%arg0: i32) -> (i32, i32, i32) {
    %c0_i32 = arith.constant 0 : i32
    %c0_i32_0 = arith.constant 0 : i32
    %c0_i32_1 = arith.constant 0 : i32
    return %c0_i32, %arg0, %c0_i32_0 : i32, i32, i32
  }
  func.func @transform_1(%arg0: i32) -> (i32, i32, i32) {
    %c0_i32 = arith.constant 0 : i32
    %c0_i32_0 = arith.constant 0 : i32
    %c0_i32_1 = arith.constant 0 : i32
    return %c0_i32, %arg0, %c0_i32_0 : i32, i32, i32
  }
  func.func @transform_2(%arg0: i32) -> (i32, i32, i32) {
    %c0_i32 = arith.constant 0 : i32
    %c0_i32_0 = arith.constant 0 : i32
    %c0_i32_1 = arith.constant 0 : i32
    return %c0_i32, %arg0, %c0_i32_0 : i32, i32, i32
  }
  func.func @transform_3(%arg0: i32) -> (i32, i32) {
    %c0_i32 = arith.constant 0 : i32
    %c0_i32_0 = arith.constant 0 : i32
    %c0_i32_1 = arith.constant 0 : i32
    return %c0_i32, %c0_i32_0 : i32, i32
  }
  func.func @transform_4(%arg0: i32) -> (i32, i32) {
    %c0_i32 = arith.constant 0 : i32
    %c0_i32_0 = arith.constant 0 : i32
    return %arg0, %c0_i32 : i32, i32
  }
}

</mosaic_0001>

<sc_bundles>
// kernel: kernel.10.cloned.1.call-start
scs
__scs_entry_jumppad:
0x0: {  	(pc) =	sbr.rel $0x88, $3  }
0x1: {  	(tag) =	ssettag $0x0;
	lr =	simm.s32 $0x1  }
0x2: {  	[smem:$0x3F99] =	sst lr;
	_ =	strace $0xD0000000  }
0x3: {  	_ = 	snop  }
0x4: {  	_ = 	snop  }
0x5: {  	_ = 	snop  }
0x6: {  	_ = 	snop  }
0x7: {  	_ = 	snop  }
__scs_overlays_trampoline_lowered:
0x8: {  	[smem:$0x3FA8] =	sst s0  }
0x9: {  	[smem:$0x3FA9] =	sst s1  }
0xa: {  	[smem:$0x3FAA] =	sst s2  }
0xb: {  	[smem:$0x3FAB] =	sst s3  }
0xc: {  	[smem:$0x3FAC] =	sst s4  }
0xd: {  	[smem:$0x3FAD] =	sst s5  }
0xe: {  	[smem:$0x3FAE] =	sst s6  }
0xf: {  	[smem:$0x3FAF] =	sst s7  }
0x10: {  	[smem:$0x3FB0] =	sst s8  }
0x11: {  	[smem:$0x3FB1] =	sst s9;
	s0 =	simm.s32 @!p0 $0x0  }
0x12: {  	s1 =	sld [smem:$0x3F97];
	s0 =	simm.s32 @p0 $0x1  }
0x13: {  	[smem:$0x3FB2] =	sst s0;
	s0 =	simm.s32 @!p1 $0x0  }
0x14: {  	s2 =	sld [smem:$0x3F96];
	s0 =	simm.s32 @p1 $0x1  }
0x15: {  	[smem:$0x3FB3] =	sst s0;
	s0 =	simm.s32 @!p2 $0x0  }
0x16: {  	s3 =	sld [smem:$0x3FDB];
	s0 =	simm.s32 @p2 $0x1  }
0x17: {  	s4 =	simm.s32 $0x1BF5;
	[smem:$0x3FB5] =	sst s0  }
0x18: {  	s0 =	sld [smem:$0x3F98];
	_ =	swait.ge [sflag:s4], $0x0  }
0x19: {  	s7 =	sld [smem:$0x3F99]  }
0x1a: {  	s8 =	sadd.s32 $0xFFFFE003, lr  }
0x1b: {  	s9 =	sadd.s32 $0xFFFFFEF7, lr;
	s5 =	simm.s32 $0xFFFFFFFF;
	p2 =	slt.u32 s8, $0xFFFFF086  }
0x1c: {  	p1 =	slt.u32 s9, $0xF7A;
	s5 =	simm.s32 @!p2 $0x0  }
0x1d: {  	s5 =	simm.s32 @p1 $0x1;
	p0 =	seq.s32 s7, s2  }
0x1e: {  	s7 =	smul.u32 @!p0 $0xF7A, s2;
	p2 =	seq.s32 @!p0 s5, $0x0  }
0x1f: {  	s9 =	smul.u32 $0xF7A, s1;
	s8 =	simm.s32 @!p0 $0x1BF5;
	p2 =	por !p2, p0  }
0x20: {  	[sflag:s8] =	ssyncset.s32 @!p0 $0xFFFFF086;
	s6 =	sadd.s32 @!p0 s3, s7;
	s7 =	simm.s32 @!p0 $0x108  }
0x21: {  	s3 =	sadd.s32 s3, s9;
	s6 =	sadd.s32 @!p0 $0x88, s6;
	s7 =	simm.s32 @p2 $0x1082  }
0x22: {  	[simem:s7], [sflag:s8] =	dma.local @!p0 [hbm:s6], $0xF7A  }
0x23: {  	s9 =	sor.u32 $0xD0000000, s2;
	s6 =	simm.s32 $0x108;
	_ =	swait.ge @!p0 [sflag:s8], $0x0  }
0x24: {  	s3 =	sadd.s32 $0x88, s3;
	s6 =	simm.s32 @!p1 $0x1082;
	[sflag:s4] =	ssyncset.s32 $0xFFFFF086  }
0x25: {  	[simem:s6], [sflag:s4] =	dma.local [hbm:s3], $0xF7A  }
0x26: {  	[smem:$0x3F99] =	sst s1;
	(tag) =	ssettag s2;
	_ =	strace s9  }
0x27: {  	s1 =	sld [smem:$0x3FA9]  }
0x28: {  	s2 =	sld [smem:$0x3FAA]  }
0x29: {  	s4 =	sld [smem:$0x3FAC]  }
0x2a: {  	p0 =	seq.s32 s5, $0x0;
	s5 =	sld [smem:$0x3FAD]  }
0x2b: {  	s6 =	sld [smem:$0x3FAE]  }
0x2c: {  	s7 =	sld [smem:$0x3FAF]  }
0x2d: {  	s3 =	simm.s32 $0x108;
	s8 =	sld [smem:$0x3FB0]  }
0x2e: {  	s3 =	simm.s32 @!p0 $0x1082;
	s9 =	sld [smem:$0x3FB1]  }
0x2f: {  	lr =	sadd.s32 s0, s3;
	s0 =	sld [smem:$0x3FA8]  }
0x30: {  	s3 =	sld [smem:$0x3FAB]  }
0x31: {  	[smem:$0x3FB4] =	sst s10  }
0x32: {  	s10 =	sld [smem:$0x3FB2];
	_ =	sdelay $0x3  }
0x33: {  	p0 =	seq.s32 s10, $0x1;
	s10 =	sld [smem:$0x3FB4];
	_ =	sdelay $0x3  }
0x34: {  	[smem:$0x3FB4] =	sst s10  }
0x35: {  	s10 =	sld [smem:$0x3FB3];
	_ =	sdelay $0x3  }
0x36: {  	p1 =	seq.s32 s10, $0x1;
	s10 =	sld [smem:$0x3FB4];
	_ =	sdelay $0x3  }
0x37: {  	[smem:$0x3FB4] =	sst s10  }
0x38: {  	s10 =	sld [smem:$0x3FB5]  }
0x39: {  	_ = 	snop;
	(pc) =	sbr.ind lr, $3  }
0x3a: {  	_ = 	snop  }
0x3b: {  	_ = 	snop  }
0x3c: {  	p2 =	seq.s32 s10, $0x1;
	s10 =	sld [smem:$0x3FB4]  }
0x3d: {  	_ =	shalt  }
0x3e: {  	_ =	shalt  }
0x3f: {  	_ =	shalt  }
0x40: {  	_ =	shalt  }
0x41: {  	_ =	shalt  }
0x42: {  	_ =	shalt  }
0x43: {  	_ =	shalt  }
0x44: {  	_ =	shalt  }
0x45: {  	_ =	shalt  }
0x46: {  	_ =	shalt  }
0x47: {  	_ =	shalt  }
0x48: {  	_ =	shalt  }
0x49: {  	_ =	shalt  }
0x4a: {  	_ =	shalt  }
0x4b: {  	_ =	shalt  }
0x4c: {  	_ =	shalt  }
0x4d: {  	_ =	shalt  }
0x4e: {  	_ =	shalt  }
0x4f: {  	_ =	shalt  }
0x50: {  	_ =	shalt  }
0x51: {  	_ =	shalt  }
0x52: {  	_ =	shalt  }
0x53: {  	_ =	shalt  }
0x54: {  	_ =	shalt  }
0x55: {  	_ =	shalt  }
0x56: {  	_ =	shalt  }
0x57: {  	_ =	shalt  }
0x58: {  	_ =	shalt  }
0x59: {  	_ =	shalt  }
0x5a: {  	_ =	shalt  }
0x5b: {  	_ =	shalt  }
0x5c: {  	_ =	shalt  }
0x5d: {  	_ =	shalt  }
0x5e: {  	_ =	shalt  }
0x5f: {  	_ =	shalt  }
0x60: {  	_ =	shalt  }
0x61: {  	_ =	shalt  }
0x62: {  	_ =	shalt  }
0x63: {  	_ =	shalt  }
0x64: {  	_ =	shalt  }
0x65: {  	_ =	shalt  }
0x66: {  	_ =	shalt  }
0x67: {  	_ =	shalt  }
0x68: {  	_ =	shalt  }
0x69: {  	_ =	shalt  }
0x6a: {  	_ =	shalt  }
0x6b: {  	_ =	shalt  }
0x6c: {  	_ =	shalt  }
0x6d: {  	_ =	shalt  }
0x6e: {  	_ =	shalt  }
0x6f: {  	_ =	shalt  }
0x70: {  	_ =	shalt  }
0x71: {  	_ =	shalt  }
0x72: {  	_ =	shalt  }
0x73: {  	_ =	shalt  }
0x74: {  	_ =	shalt  }
0x75: {  	_ =	shalt  }
0x76: {  	_ =	shalt  }
0x77: {  	_ =	shalt  }
0x78: {  	_ =	shalt  }
0x79: {  	_ =	shalt  }
0x7a: {  	_ =	shalt  }
0x7b: {  	_ =	shalt  }
0x7c: {  	_ =	shalt  }
0x7d: {  	_ =	shalt  }
0x7e: {  	_ =	shalt  }
0x7f: {  	_ =	shalt  }
0x80: {  	_ =	shalt  }
0x81: {  	_ =	shalt  }
0x82: {  	_ =	shalt  }
0x83: {  	_ =	shalt  }
0x84: {  	_ =	shalt  }
0x85: {  	_ =	shalt  }
0x86: {  	_ =	shalt  }
0x87: {  	_ =	shalt  }
.Lfunc_end0:
.L_simem_size_0:
called_computation.1_lowered:
.L_overlay_start_0:
0x88: {  	s2 =	sld [smem:$0x3FD9]  }
0x89: {  	s3 =	sld [smem:$0x3FFE];
	_ =	sdelay $0x1  }
0x8a: {  	s1 =	srdreg.scid  }
0x8b: {  	s0 =	sand.u32 $0x1, s1  }
0x8c: {  	s16 =	sshll.u32 s0, $0xA;
	s2 =	sadd.s32 s3, s2  }
0x8d: {  	s2 =	sadd.s32 s2, s16  }
0x8e: {  	[smem:$0x3FC0] =	sst s2  }
0x8f: {  	_ = 	snop  }
0x90: {  	(tm) =	ssettm $0x1  }
0x91: {  	s17 =	sld [smem:$0x3FFB];
	_ =	sdelay $0x3  }
0x92: {  	_ =	strace s17  }
0x93: {  	s2 =	sld [smem:$0x3FFC];
	_ =	sdelay $0x3  }
0x94: {  	_ =	strace s2  }
0x95: {  	s2 =	sld [smem:$0x3FFD];
	_ =	sdelay $0x3  }
0x96: {  	_ =	strace s2  }
0x97: {  	_ =	strace $0x8FFFFFFF  }
0x98: {  	s18 =	sld [smem:$0x3FDB];
	_ =	sdelay $0x1  }
0x99: {  	s19 =	simm.s32 $_scs_section_size  }
0x9a: {  	s4 =	simm.s32 $_size__tile_overlayer_lowered;
	s5 =	simm.s32 $_tile_overlayer_lowered  }
0x9b: {  	s22 =	simm.s32 $0x1BFF;
	s21 =	sshll.u32 s5, $0x1;
	s2 =	sadd.s32 s19, s18  }
0x9c: {  	s6 =	simm.s32 $0x0;
	s20 =	sshll.u32 s4, $0x1;
	s4 =	sadd.s32 s21, s2  }
0x9d: {  	[timem:s6], [sflag:s22] =	dma.local [hbm:s4], s20  }
0x9e: {  	_ =	swait.ge [sflag:s22], s20  }
0x9f: {  	s3 =	ssub.s32 $0x0, s20;
	[sflag:s22] =	ssyncset.done $0x0  }
0xa0: {  	[sflag:s22] =	ssyncadd.s32 s3;
	_ =	sdelay $0x1  }
0xa1: {  	s23 =	simm.s32 $0x1B8B  }
0xa2: {  	_ =	swait.ge [sflag:s23], $0x1  }
0xa3: {  	[sflag:s23] =	ssyncset.done $0x0  }
0xa4: {  	s25 =	simm.s32 $0x1B8E;
	s24 =	sld [smem:$0x3FFE];
	[sflag:s23] =	ssyncadd.s32 $0xFFFFFFFF  }
0xa5: {  	s26 =	simm.s32 $execute0_lowered;
	[smem:$0x3FD2] =	sst s25  }
0xa6: {  	s4 =	sshll.u32 s26, $0x1;
	_ =	strace $0x80000049;
	[dreg:$0x1] =	wrdreg $0xFFFFFFFF  }
0xa7: {  	s28 =	simm.s32 $_size_execute0_lowered;
	s2 =	sadd.s32 s2, s4;
	[dreg:$0x0] =	wrdreg $0x0  }
0xa8: {  	s4 =	sshll.u32 s28, $0x1;
	[dreg:$0x2] =	wrdreg s2  }
0xa9: {  	[dreg:$0x3] =	wrdreg s4  }
0xaa: {  	[dreg:$0x4] =	wrdreg $0xC0  }
0xab: {  	_ =	task [dreg:s6], $0x5FFFF  }
0xac: {  	[dreg:$0x1] =	wrdreg $0xFFFFFFFF  }
0xad: {  	[dreg:$0x0] =	wrdreg $0x60  }
0xae: {  	[dreg:$0x2] =	wrdreg s24  }
0xaf: {  	[dreg:$0x3] =	wrdreg $0x60000  }
0xb0: {  	[dreg:$0x4] =	wrdreg $0x9  }
0xb1: {  	_ =	task.clear_ibuf [dreg:s6], $0x5FFFF;
	_ =	strace $0x90000049  }
0xb2: {  	s29 =	simm.s32 $0x9;
	_ =	strace $0x8000004B  }
0xb3: {  	_ =	swait.ge [sflag:s29], $0x1  }
0xb4: {  	[sflag:s29] =	ssyncadd.s32 $0xFFFFFFFF  }
0xb5: {  	_ =	strace $0x9000004B  }
0xb6: {  	_ =	sfence  }
0xb7: {  	s30 =	sld [smem:$0x0];
	_ =	sdelay $0x2  }
0xb8: {  	s31 =	sshll.u32 s1, $0xD;
	s1 =	sshrl.u32 s1, $0x2  }
0xb9: {  	s3 =	sand.u32 $0x4000, s31;
	s1 =	sadd.s32 s1, s30  }
0xba: {  	s0 =	sor.u32 s3, s0;
	s1 =	sshll.u32 s1, $0x11  }
0xbb: {  	s0 =	sor.u32 s1, s0  }
0xbc: {  	s0 =	sadd.s32 $0x8F2B, s0  }
0xbd: {  	[sflag:s0] =	ssyncadd.remote.s32 $0x1  }
0xbe: {  	_ =	sfence.sel $0xFFFF  }
0xbf: {  	[dreg:$0x0] =	wrdreg $0xFFFFFFFF;
	(pc) =	sbr.abs _section_cstart, $3  }
0xc0: {  	[dreg:$0x1] =	wrdreg $0xFFFFFFFF  }
0xc1: {  	_ =	task.clear_ibuf [dreg:s6], $0x2FFFF;
	_ =	strace $0x9FFFFFFF  }
0xc2: {  	(tm) =	ssettm $0x7FFFFFFF  }
0xc3: {  	_ =	shalt  }
tec
execute0_lowered:
.L_overlay_start_1:
0x0: {  	(tag) =	ssettag $0x1  }
0x1: {  	s0 =	rddreg [dreg:$0x0]  }
0x2: {  	s1 =	rddreg [dreg:$0x1];
	s2 =	simm.s32 $0x0;
	s3 =	srdreg.scid  }
0x3: {  	s15 =	stileid.u32;
	s28 =	simm.s32 $0x3800;
	s29 =	simm.s32 $0x3C00  }
0x4: {  	s30 =	simm.s32 $0x2;
	s31 =	simm.s32 $0x4000;
	[smem:$0x7FF] =	sst s2  }
0x5: {  	s4 =	sadd.s32 $0x38E00, s0;
	s3 =	sand.u32 $0x1, s3;
	s7 =	smul.u32 $0x6400, s15  }
0x6: {  	s5 =	sadd.s32 $0x2200, s0;
	s6 =	sadd.s32 $0x6AE00, s0;
	s9 =	smul.u32 $0xC80, s15  }
0x7: {  	s17 =	smul.u32 $0xC800, s15;
	s18 =	sshll.u32 s15, $0x6;
	_ =	strace $0x8000004A  }
0x8: {  	s8 =	sshll.u32 s3, $0x4;
	s13 =	smul.u32 $0xC8000, s3;
	[dreg:$0x4] =	wrdreg s5  }
0x9: {  	s11 =	ssub.s32 $0x2, s3;
	s3 =	smul.u32 $0xC800, s3;
	[dreg:$0x3] =	wrdreg s4  }
0xa: {  	s8 =	sor.u32 s15, s8;
	s10 =	sshrl.u32 s7, $0x3;
	s12 =	sshrl.u32 s11, $0x1  }
0xb: {  	s7 =	sadd.s32 s7, s1;
	s8 =	smul.u32 $0xC800, s8;
	s10 =	sadd.s32 s10, s0  }
0xc: {  	s0 =	sadd.s32 s9, s0;
	s16 =	ssub.s32 s11, s12;
	s11 =	sadd.s32 s17, s13  }
0xd: {  	s12 =	sor.u32 $0x1C05, s18;
	s18 =	simm.s32 $0x4C00;
	s9 =	simm.s32 $0x5400  }
0xe: {  	s13 =	simm.s32 $0x4;
	s10 =	sadd.s32 $0x83E00, s10;
	s20 =	sor.u32 $0x400, s11  }
0xf: {  	s0 =	sadd.s32 s3, s0;
	s23 =	smax.u32 s16, $0x1;
	[dreg:$0x6] =	wrdreg s12  }
0x10: {  	s26 =	sadd.s32 $0x800, s11;
	s3 =	simm.s32 $0x4800;
	[dreg:$0x5] =	wrdreg s10  }
0x11: {  	s11 =	simm.s32 $0x5C00;
	s8 =	sshrl.u32 s8, $0x3;
	[dreg:$0xa] =	wrdreg s23  }
0x12: {  	s22 =	sshrl.u32 s20, $0x3;
	s0 =	sadd.s32 $0x90600, s0;
	[dreg:$0xd] =	wrdreg s26  }
0x13: {  	s20 =	simm.s32 $0x80;
	s23 =	simm.s32 $0x2800;
	s26 =	simm.s32 $0x3400  }
0x14: {  	s10 =	simm.s32 $0x5800;
	s19 =	sadd.s32 s4, s8;
	s21 =	sadd.s32 s5, s8  }
0x15: {  	[dreg:$0x9] =	wrdreg s0;
	s24 =	sadd.s32 s22, s5;
	s25 =	sadd.s32 s22, s4  }
0x16: {  	s4 =	sshrl.u32 s7, $0x3;
	s5 =	simm.s32 $0x5;
	[dreg:$0x7] =	wrdreg s19  }
0x17: {  	s22 =	simm.s32 $0x2400;
	s0 =	simm.s32 $0x4400;
	[dreg:$0x8] =	wrdreg s21  }
0x18: {  	s7 =	simm.s32 $0x5000;
	s8 =	simm.s32 $0x0;
	[dreg:$0xb] =	wrdreg s24  }
0x19: {  	[dreg:$0xc] =	wrdreg s25;
	s19 =	simm.s32 $0x1;
	s21 =	simm.s32 $0x2000  }
0x1a: {  	s24 =	simm.s32 $0x2C00;
	s25 =	simm.s32 $0x3000;
	[dreg:$0xe] =	wrdreg s4  }
.LBB2_1:
0x1b: {  	[dreg:$0xf] =	wrdreg s8  }
0x1c: {  	s2 =	rddreg [dreg:$0x5]  }
0x1d: {  	[spmem:s4], [sflag:s12] =	dma.local [hbm:s2], $0xC80  }
0x1e: {  	_ =	swait.ge [sflag:s5], $0xC80  }
0x1f: {  	[sflag:s5] =	ssyncset.done $0x0  }
0x20: {  	[sflag:s5] =	ssyncadd.s32 $0xFFFFF380  }
0x21: {  	[bflag:$0x0] =	sbarrier.arrive $0xFFFF  }
0x22: {  	s15 =	rddreg [dreg:$0x7]  }
0x23: {  	s14 =	simm.s32 $0x0;
	s16 =	rddreg [dreg:$0x8]  }
0x24: {  	[tilespmem:s14], [sflag:$0x1] =	stream.linear.gather [hbm4b:s15+s14], $0x400, $0x38;
	[tilespmem:$0xC400] =	vst v63  }
0x25: {  	s17 =	simm.s32 $0x1000;
	s8 =	rddreg [dreg:$0xc]  }
0x26: {  	[tilespmem:s17], [sflag:$0x1] =	stream.linear.gather [hbm4b:s16+s14], $0x400, $0x38;
	[tilespmem:$0xC400] =	vst v63  }
0x27: {  	s16 =	rddreg [dreg:$0xb];
	s17 =	simm.s32 $0x0  }
.LBB2_2:
0x28: {  	_ =	swait.ge [sflag:s19], $0x400  }
0x29: {  	[sflag:s19] =	ssyncset.done $0x0  }
0x2a: {  	[sflag:s19] =	ssyncadd.s32 $0xFFFFFC00  }
0x2b: {  	_ =	swait.ge [sflag:s19], $0x400  }
0x2c: {  	s12 =	sadd.s32 $0x400, s17;
	s2 =	simm.s32 $0x0;
	[sflag:s19] =	ssyncset.done $0x0  }
0x2d: {  	p0 =	seq.s32 s17, $0x0;
	s14 =	sand.u32 $0xC00, s12;
	[sflag:s19] =	ssyncadd.s32 $0xFFFFFC00  }
0x2e: {  	[tilespmem:s14], [sflag:$0x1] =	stream.linear.gather [hbm4b:s8+s2], $0x400, $0x38;
	[tilespmem:$0xC400] =	vst v63  }
0x2f: {  	s4 =	simm.s32 @!p0 $0x3;
	s12 =	sor.u32 $0x1000, s14  }
0x30: {  	[tilespmem:s12], [sflag:$0x1] =	stream.linear.gather [hbm4b:s16+s2], $0x400, $0x38;
	[tilespmem:$0xC400] =	vst v63  }
0x31: {  	_ =	swait.ge @!p0 [sflag:s4], $0x400  }
0x32: {  	[sflag:s4] =	ssyncset.done @!p0 $0x0  }
0x33: {  	[sflag:s4] =	ssyncadd.s32 @!p0 $0xFFFFFC00  }
0x34: {  	_ =	swait.ge @!p0 [sflag:s4], $0x400  }
0x35: {  	[sflag:s4] =	ssyncset.done @!p0 $0x0  }
0x36: {  	[sflag:s4] =	ssyncadd.s32 @!p0 $0xFFFFFC00  }
0x37: {  	_ =	swait.ge @!p0 [sflag:s4], $0x400  }
0x38: {  	[sflag:s4] =	ssyncset.done @!p0 $0x0  }
0x39: {  	[sflag:s4] =	ssyncadd.s32 @!p0 $0xFFFFFC00  }
0x3a: {  	_ =	swait.ge @!p0 [sflag:s4], $0x400  }
0x3b: {  	[sflag:s4] =	ssyncset.done @!p0 $0x0  }
0x3c: {  	[sflag:s4] =	ssyncadd.s32 @!p0 $0xFFFFFC00  }
0x3d: {  	_ =	swait.ge @!p0 [sflag:s4], $0x400  }
0x3e: {  	[sflag:s4] =	ssyncset.done @!p0 $0x0  }
0x3f: {  	[sflag:s4] =	ssyncadd.s32 @!p0 $0xFFFFFC00  }
0x40: {  	_ =	swait.ge @!p0 [sflag:s4], $0x400  }
0x41: {  	[sflag:s4] =	ssyncset.done @!p0 $0x0  }
0x42: {  	[sflag:s4] =	ssyncadd.s32 @!p0 $0xFFFFFC00  }
0x43: {  	_ =	swait.ge @!p0 [sflag:s4], $0x400  }
0x44: {  	[sflag:s4] =	ssyncset.done @!p0 $0x0  }
0x45: {  	[sflag:s4] =	ssyncadd.s32 @!p0 $0xFFFFFC00  }
0x46: {  	_ =	swait.ge @!p0 [sflag:s4], $0x400  }
0x47: {  	[sflag:s4] =	ssyncset.done @!p0 $0x0  }
0x48: {  	[sflag:s4] =	ssyncadd.s32 @!p0 $0xFFFFFC00;
	s4 =	sand.u32 $0x800, s17  }
0x49: {  	[tilespmem:s21], [sflag:$0x2] =	stream.indirect.gather [hbm4b:s6+s20], $0x8, s4, s20, $0xb8;
	[tilespmem:$0xC400] =	vst v63  }
0x4a: {  	s5 =	sor.u32 $0x80, s4  }
0x4b: {  	[tilespmem:s22], [sflag:$0x2] =	stream.indirect.gather [hbm4b:s6+s20], $0x8, s5, s20, $0xb8;
	[tilespmem:$0xC400] =	vst v63  }
0x4c: {  	s2 =	sor.u32 $0x100, s4  }
0x4d: {  	[tilespmem:s23], [sflag:$0x2] =	stream.indirect.gather [hbm4b:s6+s20], $0x8, s2, s20, $0xb8;
	[tilespmem:$0xC400] =	vst v63  }
0x4e: {  	s15 =	sor.u32 $0x180, s4  }
0x4f: {  	[tilespmem:s24], [sflag:$0x2] =	stream.indirect.gather [hbm4b:s6+s20], $0x8, s15, s20, $0xb8;
	[tilespmem:$0xC400] =	vst v63  }
0x50: {  	s2 =	sor.u32 $0x200, s4  }
0x51: {  	[tilespmem:s25], [sflag:$0x2] =	stream.indirect.gather [hbm4b:s6+s20], $0x8, s2, s20, $0xb8;
	[tilespmem:$0xC400] =	vst v63  }
0x52: {  	s15 =	sor.u32 $0x280, s4  }
0x53: {  	[tilespmem:s26], [sflag:$0x2] =	stream.indirect.gather [hbm4b:s6+s20], $0x8, s15, s20, $0xb8;
	[tilespmem:$0xC400] =	vst v63  }
0x54: {  	s2 =	sor.u32 $0x300, s4  }
0x55: {  	[tilespmem:s28], [sflag:$0x2] =	stream.indirect.gather [hbm4b:s6+s20], $0x8, s2, s20, $0xb8;
	[tilespmem:$0xC400] =	vst v63  }
0x56: {  	s15 =	sor.u32 $0x380, s4  }
0x57: {  	[tilespmem:s29], [sflag:$0x2] =	stream.indirect.gather [hbm4b:s6+s20], $0x8, s15, s20, $0xb8;
	[tilespmem:$0xC400] =	vst v63  }
0x58: {  	_ =	swait.ge [sflag:s30], $0x400  }
0x59: {  	[sflag:s30] =	ssyncset.done $0x0  }
0x5a: {  	s2 =	sor.u32 $0x1000, s4;
	[sflag:s30] =	ssyncadd.s32 $0xFFFFFC00  }
0x5b: {  	[spmem:s1] =	stream.indirect.scatter.add.f32 [tilespmem:s21], [sflag:$0x3], $0x8, s2, s20, $0xb8;
	[tilespmem:$0xC400] =	vst v63  }
0x5c: {  	_ =	swait.ge [sflag:s30], $0x400  }
0x5d: {  	[sflag:s30] =	ssyncset.done $0x0  }
0x5e: {  	s15 =	sor.u32 $0x1080, s4;
	[sflag:s30] =	ssyncadd.s32 $0xFFFFFC00  }
0x5f: {  	[spmem:s1] =	stream.indirect.scatter.add.f32 [tilespmem:s22], [sflag:$0x3], $0x8, s15, s20, $0xb8;
	[tilespmem:$0xC400] =	vst v63  }
0x60: {  	_ =	swait.ge [sflag:s30], $0x400  }
0x61: {  	[sflag:s30] =	ssyncset.done $0x0  }
0x62: {  	s2 =	sor.u32 $0x1100, s4;
	[sflag:s30] =	ssyncadd.s32 $0xFFFFFC00  }
0x63: {  	[spmem:s1] =	stream.indirect.scatter.add.f32 [tilespmem:s23], [sflag:$0x3], $0x8, s2, s20, $0xb8;
	[tilespmem:$0xC400] =	vst v63  }
0x64: {  	_ =	swait.ge [sflag:s30], $0x400  }
0x65: {  	[sflag:s30] =	ssyncset.done $0x0  }
0x66: {  	s15 =	sor.u32 $0x1180, s4;
	[sflag:s30] =	ssyncadd.s32 $0xFFFFFC00  }
0x67: {  	[spmem:s1] =	stream.indirect.scatter.add.f32 [tilespmem:s24], [sflag:$0x3], $0x8, s15, s20, $0xb8;
	[tilespmem:$0xC400] =	vst v63  }
0x68: {  	_ =	swait.ge [sflag:s30], $0x400  }
0x69: {  	[sflag:s30] =	ssyncset.done $0x0  }
0x6a: {  	s2 =	sor.u32 $0x1200, s4;
	[sflag:s30] =	ssyncadd.s32 $0xFFFFFC00  }
0x6b: {  	[spmem:s1] =	stream.indirect.scatter.add.f32 [tilespmem:s25], [sflag:$0x3], $0x8, s2, s20, $0xb8;
	[tilespmem:$0xC400] =	vst v63  }
0x6c: {  	_ =	swait.ge [sflag:s30], $0x400  }
0x6d: {  	[sflag:s30] =	ssyncset.done $0x0  }
0x6e: {  	s15 =	sor.u32 $0x1280, s4;
	[sflag:s30] =	ssyncadd.s32 $0xFFFFFC00  }
0x6f: {  	[spmem:s1] =	stream.indirect.scatter.add.f32 [tilespmem:s26], [sflag:$0x3], $0x8, s15, s20, $0xb8;
	[tilespmem:$0xC400] =	vst v63  }
0x70: {  	_ =	swait.ge [sflag:s30], $0x400  }
0x71: {  	[sflag:s30] =	ssyncset.done $0x0  }
0x72: {  	s2 =	sor.u32 $0x1300, s4;
	[sflag:s30] =	ssyncadd.s32 $0xFFFFFC00  }
0x73: {  	[spmem:s1] =	stream.indirect.scatter.add.f32 [tilespmem:s28], [sflag:$0x3], $0x8, s2, s20, $0xb8;
	[tilespmem:$0xC400] =	vst v63  }
0x74: {  	_ =	swait.ge [sflag:s30], $0x400  }
0x75: {  	[sflag:s30] =	ssyncset.done $0x0  }
0x76: {  	s4 =	sor.u32 $0x1380, s4;
	[sflag:s30] =	ssyncadd.s32 $0xFFFFFC00  }
0x77: {  	[spmem:s1] =	stream.indirect.scatter.add.f32 [tilespmem:s29], [sflag:$0x3], $0x8, s4, s20, $0xb8;
	[tilespmem:$0xC400] =	vst v63  }
0x78: {  	_ =	swait.ge [sflag:s19], $0x400  }
0x79: {  	[sflag:s19] =	ssyncset.done $0x0  }
0x7a: {  	[sflag:s19] =	ssyncadd.s32 $0xFFFFFC00  }
0x7b: {  	p0 =	seq.s32 s17, $0xC000;
	_ =	swait.ge [sflag:s19], $0x400  }
0x7c: {  	s5 =	sxor.u32 @!p0 $0xFFFFFFFF, s17;
	s2 =	rddreg [dreg:$0xd]  }
0x7d: {  	s5 =	sand.u32 @!p0 $0x800, s5;
	s4 =	sadd.s32 @!p0 s17, s2  }
0x7e: {  	[sflag:s19] =	ssyncset.done $0x0;
	s2 =	rddreg [dreg:$0x3];
	s4 =	sshrl.u32 @!p0 s4, $0x3  }
0x7f: {  	s15 =	simm.s32 @!p0 $0x0;
	[sflag:s19] =	ssyncadd.s32 $0xFFFFFC00;
	s2 =	sadd.s32 @!p0 s2, s4  }
0x80: {  	[tilespmem:s5], [sflag:$0x1] =	stream.linear.gather @!p0 [hbm4b:s2+s15], $0x400, $0x38;
	[tilespmem:$0xC400] =	vst v63  }
0x81: {  	s2 =	sor.u32 @!p0 $0x1000, s5;
	s5 =	rddreg [dreg:$0x4]  }
0x82: {  	p1 =	seq.s32 @!p0 s17, $0x0;
	s4 =	sadd.s32 @!p0 s5, s4  }
0x83: {  	[tilespmem:s2], [sflag:$0x1] =	stream.linear.gather @!p0 [hbm4b:s4+s15], $0x400, $0x38;
	[tilespmem:$0xC400] =	vst v63  }
0x84: {  	p0 =	por p0, !p1  }
0x85: {  	_ =	swait.ge @p0 [sflag:s13], $0x400  }
0x86: {  	[sflag:s13] =	ssyncset.done @p0 $0x0  }
0x87: {  	[sflag:s13] =	ssyncadd.s32 @p0 $0xFFFFFC00  }
0x88: {  	_ =	swait.ge @p0 [sflag:s13], $0x400  }
0x89: {  	[sflag:s13] =	ssyncset.done @p0 $0x0  }
0x8a: {  	[sflag:s13] =	ssyncadd.s32 @p0 $0xFFFFFC00  }
0x8b: {  	_ =	swait.ge @p0 [sflag:s13], $0x400  }
0x8c: {  	[sflag:s13] =	ssyncset.done @p0 $0x0  }
0x8d: {  	[sflag:s13] =	ssyncadd.s32 @p0 $0xFFFFFC00  }
0x8e: {  	_ =	swait.ge @p0 [sflag:s13], $0x400  }
0x8f: {  	[sflag:s13] =	ssyncset.done @p0 $0x0  }
0x90: {  	[sflag:s13] =	ssyncadd.s32 @p0 $0xFFFFFC00  }
0x91: {  	_ =	swait.ge @p0 [sflag:s13], $0x400  }
0x92: {  	[sflag:s13] =	ssyncset.done @p0 $0x0  }
0x93: {  	[sflag:s13] =	ssyncadd.s32 @p0 $0xFFFFFC00  }
0x94: {  	_ =	swait.ge @p0 [sflag:s13], $0x400  }
0x95: {  	[sflag:s13] =	ssyncset.done @p0 $0x0  }
0x96: {  	[sflag:s13] =	ssyncadd.s32 @p0 $0xFFFFFC00  }
0x97: {  	_ =	swait.ge @p0 [sflag:s13], $0x400  }
0x98: {  	[sflag:s13] =	ssyncset.done @p0 $0x0  }
0x99: {  	[sflag:s13] =	ssyncadd.s32 @p0 $0xFFFFFC00  }
0x9a: {  	_ =	swait.ge @p0 [sflag:s13], $0x400  }
0x9b: {  	[sflag:s13] =	ssyncset.done @p0 $0x0  }
0x9c: {  	[sflag:s13] =	ssyncadd.s32 @p0 $0xFFFFFC00  }
0x9d: {  	[tilespmem:s31], [sflag:$0x2] =	stream.indirect.gather [hbm4b:s6+s20], $0x8, s14, s20, $0xb8;
	[tilespmem:$0xC400] =	vst v63  }
0x9e: {  	s4 =	sor.u32 $0x80, s14  }
0x9f: {  	[tilespmem:s0], [sflag:$0x2] =	stream.indirect.gather [hbm4b:s6+s20], $0x8, s4, s20, $0xb8;
	[tilespmem:$0xC400] =	vst v63  }
0xa0: {  	s5 =	sor.u32 $0x100, s14  }
0xa1: {  	[tilespmem:s3], [sflag:$0x2] =	stream.indirect.gather [hbm4b:s6+s20], $0x8, s5, s20, $0xb8;
	[tilespmem:$0xC400] =	vst v63  }
0xa2: {  	s15 =	sor.u32 $0x180, s14  }
0xa3: {  	[tilespmem:s18], [sflag:$0x2] =	stream.indirect.gather [hbm4b:s6+s20], $0x8, s15, s20, $0xb8;
	[tilespmem:$0xC400] =	vst v63  }
0xa4: {  	s4 =	sor.u32 $0x200, s14  }
0xa5: {  	[tilespmem:s7], [sflag:$0x2] =	stream.indirect.gather [hbm4b:s6+s20], $0x8, s4, s20, $0xb8;
	[tilespmem:$0xC400] =	vst v63  }
0xa6: {  	s5 =	sor.u32 $0x280, s14  }
0xa7: {  	[tilespmem:s9], [sflag:$0x2] =	stream.indirect.gather [hbm4b:s6+s20], $0x8, s5, s20, $0xb8;
	[tilespmem:$0xC400] =	vst v63  }
0xa8: {  	s15 =	sor.u32 $0x300, s14  }
0xa9: {  	[tilespmem:s10], [sflag:$0x2] =	stream.indirect.gather [hbm4b:s6+s20], $0x8, s15, s20, $0xb8;
	[tilespmem:$0xC400] =	vst v63  }
0xaa: {  	s4 =	sor.u32 $0x380, s14  }
0xab: {  	[tilespmem:s11], [sflag:$0x2] =	stream.indirect.gather [hbm4b:s6+s20], $0x8, s4, s20, $0xb8;
	[tilespmem:$0xC400] =	vst v63  }
0xac: {  	_ =	swait.ge [sflag:s30], $0x400  }
0xad: {  	[sflag:s30] =	ssyncset.done $0x0  }
0xae: {  	[sflag:s30] =	ssyncadd.s32 $0xFFFFFC00  }
0xaf: {  	[spmem:s1] =	stream.indirect.scatter.add.f32 [tilespmem:s31], [sflag:$0x4], $0x8, s12, s20, $0xb8;
	[tilespmem:$0xC400] =	vst v63  }
0xb0: {  	_ =	swait.ge [sflag:s30], $0x400  }
0xb1: {  	[sflag:s30] =	ssyncset.done $0x0  }
0xb2: {  	s5 =	sor.u32 $0x1080, s14;
	[sflag:s30] =	ssyncadd.s32 $0xFFFFFC00  }
0xb3: {  	[spmem:s1] =	stream.indirect.scatter.add.f32 [tilespmem:s0], [sflag:$0x4], $0x8, s5, s20, $0xb8;
	[tilespmem:$0xC400] =	vst v63  }
0xb4: {  	_ =	swait.ge [sflag:s30], $0x400  }
0xb5: {  	[sflag:s30] =	ssyncset.done $0x0  }
0xb6: {  	s12 =	sor.u32 $0x1100, s14;
	[sflag:s30] =	ssyncadd.s32 $0xFFFFFC00  }
0xb7: {  	[spmem:s1] =	stream.indirect.scatter.add.f32 [tilespmem:s3], [sflag:$0x4], $0x8, s12, s20, $0xb8;
	[tilespmem:$0xC400] =	vst v63  }
0xb8: {  	_ =	swait.ge [sflag:s30], $0x400  }
0xb9: {  	[sflag:s30] =	ssyncset.done $0x0  }
0xba: {  	s15 =	sor.u32 $0x1180, s14;
	[sflag:s30] =	ssyncadd.s32 $0xFFFFFC00  }
0xbb: {  	[spmem:s1] =	stream.indirect.scatter.add.f32 [tilespmem:s18], [sflag:$0x4], $0x8, s15, s20, $0xb8;
	[tilespmem:$0xC400] =	vst v63  }
0xbc: {  	_ =	swait.ge [sflag:s30], $0x400  }
0xbd: {  	[sflag:s30] =	ssyncset.done $0x0  }
0xbe: {  	s4 =	sor.u32 $0x1200, s14;
	[sflag:s30] =	ssyncadd.s32 $0xFFFFFC00  }
0xbf: {  	[spmem:s1] =	stream.indirect.scatter.add.f32 [tilespmem:s7], [sflag:$0x4], $0x8, s4, s20, $0xb8;
	[tilespmem:$0xC400] =	vst v63  }
0xc0: {  	_ =	swait.ge [sflag:s30], $0x400  }
0xc1: {  	[sflag:s30] =	ssyncset.done $0x0  }
0xc2: {  	s5 =	sor.u32 $0x1280, s14;
	[sflag:s30] =	ssyncadd.s32 $0xFFFFFC00  }
0xc3: {  	[spmem:s1] =	stream.indirect.scatter.add.f32 [tilespmem:s9], [sflag:$0x4], $0x8, s5, s20, $0xb8;
	[tilespmem:$0xC400] =	vst v63  }
0xc4: {  	_ =	swait.ge [sflag:s30], $0x400  }
0xc5: {  	s17 =	sadd.s32 $0x800, s17;
	[sflag:s30] =	ssyncset.done $0x0  }
0xc6: {  	p0 =	sne.s32 s17, $0xC800;
	s12 =	sor.u32 $0x1300, s14;
	[sflag:s30] =	ssyncadd.s32 $0xFFFFFC00  }
0xc7: {  	[spmem:s1] =	stream.indirect.scatter.add.f32 [tilespmem:s10], [sflag:$0x4], $0x8, s12, s20, $0xb8;
	[tilespmem:$0xC400] =	vst v63  }
.Ltmp0:
0xc8: {  	_ = 	snop;
	(pc) =	sbr.rel @p0 .LBB2_2-.Ltmp0, $4  }
0xc9: {  	_ =	swait.ge [sflag:s30], $0x400  }
0xca: {  	s8 =	sadd.s32 $0x100, s8;
	[sflag:s30] =	ssyncset.done $0x0  }
0xcb: {  	s16 =	sadd.s32 $0x100, s16;
	s15 =	sor.u32 $0x1380, s14;
	[sflag:s30] =	ssyncadd.s32 $0xFFFFFC00  }
0xcc: {  	[spmem:s1] =	stream.indirect.scatter.add.f32 [tilespmem:s11], [sflag:$0x4], $0x8, s15, s20, $0xb8;
	[tilespmem:$0xC400] =	vst v63  }
0xcd: {  	s2 =	simm.s32 $0x3  }
0xce: {  	_ =	swait.ge [sflag:s2], $0x400  }
0xcf: {  	[sflag:s2] =	ssyncset.done $0x0  }
0xd0: {  	[sflag:s2] =	ssyncadd.s32 $0xFFFFFC00  }
0xd1: {  	_ =	swait.ge [sflag:s2], $0x400  }
0xd2: {  	[sflag:s2] =	ssyncset.done $0x0  }
0xd3: {  	[sflag:s2] =	ssyncadd.s32 $0xFFFFFC00  }
0xd4: {  	_ =	swait.ge [sflag:s2], $0x400  }
0xd5: {  	[sflag:s2] =	ssyncset.done $0x0  }
0xd6: {  	[sflag:s2] =	ssyncadd.s32 $0xFFFFFC00  }
0xd7: {  	_ =	swait.ge [sflag:s2], $0x400  }
0xd8: {  	[sflag:s2] =	ssyncset.done $0x0  }
0xd9: {  	[sflag:s2] =	ssyncadd.s32 $0xFFFFFC00  }
0xda: {  	_ =	swait.ge [sflag:s2], $0x400  }
0xdb: {  	[sflag:s2] =	ssyncset.done $0x0  }
0xdc: {  	[sflag:s2] =	ssyncadd.s32 $0xFFFFFC00  }
0xdd: {  	_ =	swait.ge [sflag:s2], $0x400  }
0xde: {  	[sflag:s2] =	ssyncset.done $0x0  }
0xdf: {  	[sflag:s2] =	ssyncadd.s32 $0xFFFFFC00  }
0xe0: {  	_ =	swait.ge [sflag:s2], $0x400  }
0xe1: {  	[sflag:s2] =	ssyncset.done $0x0  }
0xe2: {  	[sflag:s2] =	ssyncadd.s32 $0xFFFFFC00  }
0xe3: {  	_ =	swait.ge [sflag:s2], $0x400  }
0xe4: {  	[sflag:s2] =	ssyncset.done $0x0  }
0xe5: {  	[sflag:s2] =	ssyncadd.s32 $0xFFFFFC00  }
0xe6: {  	_ =	swait.ge [sflag:s13], $0x400  }
0xe7: {  	[sflag:s13] =	ssyncset.done $0x0  }
0xe8: {  	[sflag:s13] =	ssyncadd.s32 $0xFFFFFC00  }
0xe9: {  	_ =	swait.ge [sflag:s13], $0x400  }
0xea: {  	[sflag:s13] =	ssyncset.done $0x0  }
0xeb: {  	[sflag:s13] =	ssyncadd.s32 $0xFFFFFC00  }
0xec: {  	_ =	swait.ge [sflag:s13], $0x400  }
0xed: {  	[sflag:s13] =	ssyncset.done $0x0  }
0xee: {  	[sflag:s13] =	ssyncadd.s32 $0xFFFFFC00  }
0xef: {  	_ =	swait.ge [sflag:s13], $0x400  }
0xf0: {  	[sflag:s13] =	ssyncset.done $0x0  }
0xf1: {  	[sflag:s13] =	ssyncadd.s32 $0xFFFFFC00  }
0xf2: {  	_ =	swait.ge [sflag:s13], $0x400  }
0xf3: {  	[sflag:s13] =	ssyncset.done $0x0  }
0xf4: {  	[sflag:s13] =	ssyncadd.s32 $0xFFFFFC00  }
0xf5: {  	_ =	swait.ge [sflag:s13], $0x400  }
0xf6: {  	[sflag:s13] =	ssyncset.done $0x0  }
0xf7: {  	[sflag:s13] =	ssyncadd.s32 $0xFFFFFC00  }
0xf8: {  	_ =	swait.ge [sflag:s13], $0x400  }
0xf9: {  	[sflag:s13] =	ssyncset.done $0x0  }
0xfa: {  	[sflag:s13] =	ssyncadd.s32 $0xFFFFFC00  }
0xfb: {  	_ =	swait.ge [sflag:s13], $0x400  }
0xfc: {  	[sflag:s13] =	ssyncset.done $0x0  }
0xfd: {  	[sflag:s13] =	ssyncadd.s32 $0xFFFFFC00  }
0xfe: {  	[bflag:$0x0] =	sbarrier.arrive $0xFFFF  }
0xff: {  	s12 =	rddreg [dreg:$0x6]  }
0x100: {  	s16 =	rddreg [dreg:$0x9]  }
0x101: {  	s5 =	simm.s32 $0x5;
	s4 =	rddreg [dreg:$0xe]  }
0x102: {  	[hbm:s16], [sflag:s12] =	dma.local [spmem:s4], $0xC80  }
0x103: {  	_ =	swait.ge [sflag:s5], $0xC80  }
0x104: {  	s8 =	rddreg [dreg:$0xf]  }
0x105: {  	s17 =	rddreg [dreg:$0xa];
	s8 =	sadd.s32 $0x1, s8  }
0x106: {  	p0 =	sne.s32 s8, s17  }
.Ltmp1:
0x107: {  	_ = 	snop;
	(pc) =	sbr.rel @p0 .LBB2_1-.Ltmp1, $3  }
0x108: {  	_ =	sdelay $0x1  }
0x109: {  	[sflag:s5] =	ssyncset.done $0x0  }
0x10a: {  	[sflag:s5] =	ssyncadd.s32 $0xFFFFF380  }
0x10b: {  	_ =	sfence.sel $0x180000  }
0x10c: {  	[bflag:$0x0] =	sbarrier.arrive $0xFFFF  }
0x10d: {  	_ =	strace $0x9000004A  }
0x10e: {  	s0 =	stileid.u32;
	[bflag:$0x2] =	sbarrier.arrive $0xFFFF  }
0x10f: {  	p0 =	sne.s32 s0, $0x0;
	s0 =	rddreg [dreg:$0x2]  }
0x110: {  	s0 =	sadd.s32 @!p0 $0x100000, s0  }
0x111: {  	[sflag:s0] =	ssyncadd.tile.s32 @!p0 $0x1;
	_ =	shalt  }
.Lfunc_end2:
_tile_overlayer_lowered:
.L_overlay_start_2:
0x112: {  	(tag) =	ssettag $0x2  }
0x113: {  	s0 =	rddreg [dreg:$0x0];
	s2 =	stileid.u32  }
0x114: {  	s1 =	rddreg [dreg:$0x1];
	p0 =	sne.s32 s2, $0x0  }
0x115: {  	s3 =	rddreg [dreg:$0x2];
	[bflag:$0x3] =	sbarrier.arrive $0xFFFF;
	s2 =	simm.s32 @!p0 $0x1C05  }
0x116: {  	[timem:s3], [sflag:s2] =	dma.local @!p0 [hbm:s0], s1  }
0x117: {  	s0 =	simm.s32 @!p0 $0x5  }
0x118: {  	_ =	swait.ge @!p0 [sflag:s0], s1  }
0x119: {  	s1 =	ssub.s32 @!p0 $0x0, s1;
	[sflag:s0] =	ssyncset.done @!p0 $0x0  }
0x11a: {  	[sflag:s0] =	ssyncadd.s32 @!p0 s1  }
0x11b: {  	[bflag:$0x3] =	sbarrier.arrive $0xFFFF  }
0x11c: {  	_ =	shalt  }

// kernel: kernel.7.cloned.1.call-start
scs
__scs_entry_jumppad:
0x0: {  	(pc) =	sbr.rel $0x88, $3  }
0x1: {  	(tag) =	ssettag $0x0;
	lr =	simm.s32 $0x1  }
0x2: {  	[smem:$0x3F99] =	sst lr;
	_ =	strace $0xD0000000  }
0x3: {  	_ = 	snop  }
0x4: {  	_ = 	snop  }
0x5: {  	_ = 	snop  }
0x6: {  	_ = 	snop  }
0x7: {  	_ = 	snop  }
__scs_overlays_trampoline_lowered:
0x8: {  	[smem:$0x3FA8] =	sst s0  }
0x9: {  	[smem:$0x3FA9] =	sst s1  }
0xa: {  	[smem:$0x3FAA] =	sst s2  }
0xb: {  	[smem:$0x3FAB] =	sst s3  }
0xc: {  	[smem:$0x3FAC] =	sst s4  }
0xd: {  	[smem:$0x3FAD] =	sst s5  }
0xe: {  	[smem:$0x3FAE] =	sst s6  }
0xf: {  	[smem:$0x3FAF] =	sst s7  }
0x10: {  	[smem:$0x3FB0] =	sst s8  }
0x11: {  	[smem:$0x3FB1] =	sst s9;
	s0 =	simm.s32 @!p0 $0x0  }
0x12: {  	s1 =	sld [smem:$0x3F97];
	s0 =	simm.s32 @p0 $0x1  }
0x13: {  	[smem:$0x3FB2] =	sst s0;
	s0 =	simm.s32 @!p1 $0x0  }
0x14: {  	s2 =	sld [smem:$0x3F96];
	s0 =	simm.s32 @p1 $0x1  }
0x15: {  	[smem:$0x3FB3] =	sst s0;
	s0 =	simm.s32 @!p2 $0x0  }
0x16: {  	s3 =	sld [smem:$0x3FDB];
	s0 =	simm.s32 @p2 $0x1  }
0x17: {  	s4 =	simm.s32 $0x1BF5;
	[smem:$0x3FB5] =	sst s0  }
0x18: {  	s0 =	sld [smem:$0x3F98];
	_ =	swait.ge [sflag:s4], $0x0  }
0x19: {  	s7 =	sld [smem:$0x3F99]  }
0x1a: {  	s8 =	sadd.s32 $0xFFFFE003, lr  }
0x1b: {  	s9 =	sadd.s32 $0xFFFFFEF7, lr;
	s5 =	simm.s32 $0xFFFFFFFF;
	p2 =	slt.u32 s8, $0xFFFFF086  }
0x1c: {  	p1 =	slt.u32 s9, $0xF7A;
	s5 =	simm.s32 @!p2 $0x0  }
0x1d: {  	s5 =	simm.s32 @p1 $0x1;
	p0 =	seq.s32 s7, s2  }
0x1e: {  	s7 =	smul.u32 @!p0 $0xF7A, s2;
	p2 =	seq.s32 @!p0 s5, $0x0  }
0x1f: {  	s9 =	smul.u32 $0xF7A, s1;
	s8 =	simm.s32 @!p0 $0x1BF5;
	p2 =	por !p2, p0  }
0x20: {  	[sflag:s8] =	ssyncset.s32 @!p0 $0xFFFFF086;
	s6 =	sadd.s32 @!p0 s3, s7;
	s7 =	simm.s32 @!p0 $0x108  }
0x21: {  	s3 =	sadd.s32 s3, s9;
	s6 =	sadd.s32 @!p0 $0x88, s6;
	s7 =	simm.s32 @p2 $0x1082  }
0x22: {  	[simem:s7], [sflag:s8] =	dma.local @!p0 [hbm:s6], $0xF7A  }
0x23: {  	s9 =	sor.u32 $0xD0000000, s2;
	s6 =	simm.s32 $0x108;
	_ =	swait.ge @!p0 [sflag:s8], $0x0  }
0x24: {  	s3 =	sadd.s32 $0x88, s3;
	s6 =	simm.s32 @!p1 $0x1082;
	[sflag:s4] =	ssyncset.s32 $0xFFFFF086  }
0x25: {  	[simem:s6], [sflag:s4] =	dma.local [hbm:s3], $0xF7A  }
0x26: {  	[smem:$0x3F99] =	sst s1;
	(tag) =	ssettag s2;
	_ =	strace s9  }
0x27: {  	s1 =	sld [smem:$0x3FA9]  }
0x28: {  	s2 =	sld [smem:$0x3FAA]  }
0x29: {  	s4 =	sld [smem:$0x3FAC]  }
0x2a: {  	p0 =	seq.s32 s5, $0x0;
	s5 =	sld [smem:$0x3FAD]  }
0x2b: {  	s6 =	sld [smem:$0x3FAE]  }
0x2c: {  	s7 =	sld [smem:$0x3FAF]  }
0x2d: {  	s3 =	simm.s32 $0x108;
	s8 =	sld [smem:$0x3FB0]  }
0x2e: {  	s3 =	simm.s32 @!p0 $0x1082;
	s9 =	sld [smem:$0x3FB1]  }
0x2f: {  	lr =	sadd.s32 s0, s3;
	s0 =	sld [smem:$0x3FA8]  }
0x30: {  	s3 =	sld [smem:$0x3FAB]  }
0x31: {  	[smem:$0x3FB4] =	sst s10  }
0x32: {  	s10 =	sld [smem:$0x3FB2];
	_ =	sdelay $0x3  }
0x33: {  	p0 =	seq.s32 s10, $0x1;
	s10 =	sld [smem:$0x3FB4];
	_ =	sdelay $0x3  }
0x34: {  	[smem:$0x3FB4] =	sst s10  }
0x35: {  	s10 =	sld [smem:$0x3FB3];
	_ =	sdelay $0x3  }
0x36: {  	p1 =	seq.s32 s10, $0x1;
	s10 =	sld [smem:$0x3FB4];
	_ =	sdelay $0x3  }
0x37: {  	[smem:$0x3FB4] =	sst s10  }
0x38: {  	s10 =	sld [smem:$0x3FB5]  }
0x39: {  	_ = 	snop;
	(pc) =	sbr.ind lr, $3  }
0x3a: {  	_ = 	snop  }
0x3b: {  	_ = 	snop  }
0x3c: {  	p2 =	seq.s32 s10, $0x1;
	s10 =	sld [smem:$0x3FB4]  }
0x3d: {  	_ =	shalt  }
0x3e: {  	_ =	shalt  }
0x3f: {  	_ =	shalt  }
0x40: {  	_ =	shalt  }
0x41: {  	_ =	shalt  }
0x42: {  	_ =	shalt  }
0x43: {  	_ =	shalt  }
0x44: {  	_ =	shalt  }
0x45: {  	_ =	shalt  }
0x46: {  	_ =	shalt  }
0x47: {  	_ =	shalt  }
0x48: {  	_ =	shalt  }
0x49: {  	_ =	shalt  }
0x4a: {  	_ =	shalt  }
0x4b: {  	_ =	shalt  }
0x4c: {  	_ =	shalt  }
0x4d: {  	_ =	shalt  }
0x4e: {  	_ =	shalt  }
0x4f: {  	_ =	shalt  }
0x50: {  	_ =	shalt  }
0x51: {  	_ =	shalt  }
0x52: {  	_ =	shalt  }
0x53: {  	_ =	shalt  }
0x54: {  	_ =	shalt  }
0x55: {  	_ =	shalt  }
0x56: {  	_ =	shalt  }
0x57: {  	_ =	shalt  }
0x58: {  	_ =	shalt  }
0x59: {  	_ =	shalt  }
0x5a: {  	_ =	shalt  }
0x5b: {  	_ =	shalt  }
0x5c: {  	_ =	shalt  }
0x5d: {  	_ =	shalt  }
0x5e: {  	_ =	shalt  }
0x5f: {  	_ =	shalt  }
0x60: {  	_ =	shalt  }
0x61: {  	_ =	shalt  }
0x62: {  	_ =	shalt  }
0x63: {  	_ =	shalt  }
0x64: {  	_ =	shalt  }
0x65: {  	_ =	shalt  }
0x66: {  	_ =	shalt  }
0x67: {  	_ =	shalt  }
0x68: {  	_ =	shalt  }
0x69: {  	_ =	shalt  }
0x6a: {  	_ =	shalt  }
0x6b: {  	_ =	shalt  }
0x6c: {  	_ =	shalt  }
0x6d: {  	_ =	shalt  }
0x6e: {  	_ =	shalt  }
0x6f: {  	_ =	shalt  }
0x70: {  	_ =	shalt  }
0x71: {  	_ =	shalt  }
0x72: {  	_ =	shalt  }
0x73: {  	_ =	shalt  }
0x74: {  	_ =	shalt  }
0x75: {  	_ =	shalt  }
0x76: {  	_ =	shalt  }
0x77: {  	_ =	shalt  }
0x78: {  	_ =	shalt  }
0x79: {  	_ =	shalt  }
0x7a: {  	_ =	shalt  }
0x7b: {  	_ =	shalt  }
0x7c: {  	_ =	shalt  }
0x7d: {  	_ =	shalt  }
0x7e: {  	_ =	shalt  }
0x7f: {  	_ =	shalt  }
0x80: {  	_ =	shalt  }
0x81: {  	_ =	shalt  }
0x82: {  	_ =	shalt  }
0x83: {  	_ =	shalt  }
0x84: {  	_ =	shalt  }
0x85: {  	_ =	shalt  }
0x86: {  	_ =	shalt  }
0x87: {  	_ =	shalt  }
.Lfunc_end0:
.L_simem_size_0:
called_computation_lowered:
.L_overlay_start_0:
0x88: {  	s2 =	sld [smem:$0x3FD9]  }
0x89: {  	s3 =	sld [smem:$0x3FFE];
	_ =	sdelay $0x1  }
0x8a: {  	s1 =	srdreg.scid  }
0x8b: {  	s0 =	sand.u32 $0x1, s1  }
0x8c: {  	s16 =	sshll.u32 s0, $0xA;
	s2 =	sadd.s32 s3, s2  }
0x8d: {  	s2 =	sadd.s32 s2, s16  }
0x8e: {  	[smem:$0x3FC0] =	sst s2  }
0x8f: {  	_ = 	snop  }
0x90: {  	(tm) =	ssettm $0x1  }
0x91: {  	s17 =	sld [smem:$0x3FFB];
	_ =	sdelay $0x3  }
0x92: {  	_ =	strace s17  }
0x93: {  	s2 =	sld [smem:$0x3FFC];
	_ =	sdelay $0x3  }
0x94: {  	_ =	strace s2  }
0x95: {  	s2 =	sld [smem:$0x3FFD];
	_ =	sdelay $0x3  }
0x96: {  	_ =	strace s2  }
0x97: {  	_ =	strace $0x8FFFFFFF  }
0x98: {  	s18 =	sld [smem:$0x3FDB];
	_ =	sdelay $0x1  }
0x99: {  	s19 =	simm.s32 $_scs_section_size  }
0x9a: {  	s4 =	simm.s32 $_size__tile_overlayer_lowered;
	s5 =	simm.s32 $_tile_overlayer_lowered  }
0x9b: {  	s22 =	simm.s32 $0x1BFF;
	s21 =	sshll.u32 s5, $0x1;
	s2 =	sadd.s32 s19, s18  }
0x9c: {  	s6 =	simm.s32 $0x0;
	s20 =	sshll.u32 s4, $0x1;
	s4 =	sadd.s32 s21, s2  }
0x9d: {  	[timem:s6], [sflag:s22] =	dma.local [hbm:s4], s20  }
0x9e: {  	_ =	swait.ge [sflag:s22], s20  }
0x9f: {  	s3 =	ssub.s32 $0x0, s20;
	[sflag:s22] =	ssyncset.done $0x0  }
0xa0: {  	[sflag:s22] =	ssyncadd.s32 s3;
	_ =	sdelay $0x1  }
0xa1: {  	s23 =	simm.s32 $0x1B8B  }
0xa2: {  	_ =	swait.ge [sflag:s23], $0x1  }
0xa3: {  	[sflag:s23] =	ssyncset.done $0x0  }
0xa4: {  	s25 =	simm.s32 $0x1B8E;
	s24 =	sld [smem:$0x3FFE];
	[sflag:s23] =	ssyncadd.s32 $0xFFFFFFFF  }
0xa5: {  	s26 =	simm.s32 $execute0_lowered;
	[smem:$0x3FD2] =	sst s25  }
0xa6: {  	s4 =	sshll.u32 s26, $0x1;
	_ =	strace $0x80000046;
	[dreg:$0x1] =	wrdreg $0xFFFFFFFF  }
0xa7: {  	s28 =	simm.s32 $_size_execute0_lowered;
	s2 =	sadd.s32 s2, s4;
	[dreg:$0x0] =	wrdreg $0x0  }
0xa8: {  	s4 =	sshll.u32 s28, $0x1;
	[dreg:$0x2] =	wrdreg s2  }
0xa9: {  	[dreg:$0x3] =	wrdreg s4  }
0xaa: {  	[dreg:$0x4] =	wrdreg $0xC0  }
0xab: {  	_ =	task [dreg:s6], $0x5FFFF  }
0xac: {  	[dreg:$0x1] =	wrdreg $0xFFFFFFFF  }
0xad: {  	[dreg:$0x0] =	wrdreg $0x60  }
0xae: {  	[dreg:$0x2] =	wrdreg s24  }
0xaf: {  	[dreg:$0x3] =	wrdreg $0xC8800  }
0xb0: {  	[dreg:$0x4] =	wrdreg $0x9  }
0xb1: {  	_ =	task.clear_ibuf [dreg:s6], $0x5FFFF;
	_ =	strace $0x90000046  }
0xb2: {  	s29 =	simm.s32 $0x9;
	_ =	strace $0x80000048  }
0xb3: {  	_ =	swait.ge [sflag:s29], $0x1  }
0xb4: {  	[sflag:s29] =	ssyncadd.s32 $0xFFFFFFFF  }
0xb5: {  	_ =	strace $0x90000048  }
0xb6: {  	_ =	sfence  }
0xb7: {  	s30 =	sld [smem:$0x0];
	_ =	sdelay $0x2  }
0xb8: {  	s31 =	sshll.u32 s1, $0xD;
	s1 =	sshrl.u32 s1, $0x2  }
0xb9: {  	s3 =	sand.u32 $0x4000, s31;
	s1 =	sadd.s32 s1, s30  }
0xba: {  	s0 =	sor.u32 s3, s0;
	s1 =	sshll.u32 s1, $0x11  }
0xbb: {  	s0 =	sor.u32 s1, s0  }
0xbc: {  	s0 =	sadd.s32 $0x8F2B, s0  }
0xbd: {  	[sflag:s0] =	ssyncadd.remote.s32 $0x1  }
0xbe: {  	_ =	sfence.sel $0xFFFF  }
0xbf: {  	[dreg:$0x0] =	wrdreg $0xFFFFFFFF;
	(pc) =	sbr.abs _section_cstart, $3  }
0xc0: {  	[dreg:$0x1] =	wrdreg $0xFFFFFFFF  }
0xc1: {  	_ =	task.clear_ibuf [dreg:s6], $0x2FFFF;
	_ =	strace $0x9FFFFFFF  }
0xc2: {  	(tm) =	ssettm $0x7FFFFFFF  }
0xc3: {  	_ =	shalt  }
tec
execute0_lowered:
.L_overlay_start_1:
0x0: {  	(tag) =	ssettag $0x1  }
0x1: {  	s5 =	rddreg [dreg:$0x0]  }
0x2: {  	s0 =	srdreg.scid;
	s2 =	rddreg [dreg:$0x1]  }
0x3: {  	s3 =	simm.s32 $0x0;
	s12 =	simm.s32 $0xC800;
	s13 =	simm.s32 $0x1  }
0x4: {  	s14 =	simm.s32 $0x0;
	s4 =	sand.u32 $0x1, s0;
	s0 =	stileid.u32  }
0x5: {  	[smem:$0x7FF] =	sst s3;
	s1 =	sshll.u32 s4, $0x4;
	s7 =	smul.u32 $0xC80, s0  }
0x6: {  	s8 =	smul.u32 $0xC800, s4;
	s4 =	ssub.s32 $0x2, s4;
	s1 =	sor.u32 s0, s1  }
0x7: {  	s31 =	sshll.u32 s0, $0x6;
	s10 =	sshrl.u32 s4, $0x1;
	s6 =	smul.u32 $0x1900, s1  }
0x8: {  	s1 =	rddreg [dreg:$0x2];
	_ =	strace $0x80000047;
	s9 =	sshrl.u32 s7, $0x3  }
0x9: {  	s8 =	sadd.s32 s7, s8;
	s10 =	ssub.s32 s4, s10;
	s11 =	sadd.s32 s7, s2  }
0xa: {  	s9 =	sadd.s32 s9, s5;
	s8 =	sshrl.u32 s8, $0x3;
	s7 =	smax.u32 s10, $0x1  }
0xb: {  	s10 =	sshrl.u32 s11, $0x3;
	s11 =	simm.s32 $0x80;
	s6 =	sadd.s32 s6, s5  }
0xc: {  	s8 =	sadd.s32 s8, s5;
	s5 =	sadd.s32 $0x34200, s9;
	s9 =	sor.u32 $0x1C02, s31  }
0xd: {  	v0 =	vimm.f32 $1.000000000e+00;
	s4 =	sadd.s32 $0x2200, s6;
	s6 =	sadd.s32 $0x35C00, s8;
	s8 =	simm.s32 $0x2  }
.LBB2_1:
0xe: {  	[tilespmem:s3], [sflag:$0x2] =	stream.linear.gather [hbm4b:s4+s3], $0xC800, $0x38;
	[tilespmem:$0xD500] =	vst v63  }
0xf: {  	_ =	swait.ge [sflag:s8], $0xC800  }
0x10: {  	[sflag:s8] =	ssyncset.done $0x0  }
0x11: {  	[sflag:s8] =	ssyncadd.s32 $0xFFFF3800  }
0x12: {  	[tilespmem:$0xC800] =	vst v0  }
0x13: {  	[tilespmem:$0xC810] =	vst v0  }
0x14: {  	[tilespmem:$0xC820] =	vst v0  }
0x15: {  	[tilespmem:$0xC830] =	vst v0  }
0x16: {  	[tilespmem:$0xC840] =	vst v0  }
0x17: {  	[tilespmem:$0xC850] =	vst v0  }
0x18: {  	[tilespmem:$0xC860] =	vst v0  }
0x19: {  	[tilespmem:$0xC870] =	vst v0  }
0x1a: {  	[spmem:s10], [sflag:s9] =	dma.local [hbm:s5], $0x190  }
0x1b: {  	_ =	swait.ge [sflag:s8], $0x190  }
0x1c: {  	[sflag:s8] =	ssyncset.done $0x0  }
0x1d: {  	[sflag:s8] =	ssyncadd.s32 $0xFFFFFE70  }
0x1e: {  	s15 =	simm.s32 $0x0;
	[bflag:$0x0] =	sbarrier.arrive $0xFFFF  }
0x1f: {  	[spmem:s2] =	stream.indirect.scatter.add.f32 [tilespmem:s12], [sflag:$0x1], $0x1, s15, s11, $0xb8;
	[tilespmem:$0xD500] =	vst v63  }
0x20: {  	s24 =	simm.s32 $0x80  }
0x21: {  	[spmem:s2] =	stream.indirect.scatter.add.f32 [tilespmem:s12], [sflag:$0x1], $0x1, s24, s11, $0xb8;
	[tilespmem:$0xD500] =	vst v63  }
0x22: {  	s25 =	simm.s32 $0x100  }
0x23: {  	[spmem:s2] =	stream.indirect.scatter.add.f32 [tilespmem:s12], [sflag:$0x1], $0x1, s25, s11, $0xb8;
	[tilespmem:$0xD500] =	vst v63  }
0x24: {  	s26 =	simm.s32 $0x180  }
0x25: {  	[spmem:s2] =	stream.indirect.scatter.add.f32 [tilespmem:s12], [sflag:$0x1], $0x1, s26, s11, $0xb8;
	[tilespmem:$0xD500] =	vst v63  }
0x26: {  	s28 =	simm.s32 $0x200  }
0x27: {  	[spmem:s2] =	stream.indirect.scatter.add.f32 [tilespmem:s12], [sflag:$0x1], $0x1, s28, s11, $0xb8;
	[tilespmem:$0xD500] =	vst v63  }
0x28: {  	s29 =	simm.s32 $0x280  }
0x29: {  	[spmem:s2] =	stream.indirect.scatter.add.f32 [tilespmem:s12], [sflag:$0x1], $0x1, s29, s11, $0xb8;
	[tilespmem:$0xD500] =	vst v63  }
0x2a: {  	s30 =	simm.s32 $0x300  }
0x2b: {  	[spmem:s2] =	stream.indirect.scatter.add.f32 [tilespmem:s12], [sflag:$0x1], $0x1, s30, s11, $0xb8;
	[tilespmem:$0xD500] =	vst v63  }
0x2c: {  	s31 =	simm.s32 $0x380  }
0x2d: {  	[spmem:s2] =	stream.indirect.scatter.add.f32 [tilespmem:s12], [sflag:$0x1], $0x1, s31, s11, $0xb8;
	[tilespmem:$0xD500] =	vst v63  }
0x2e: {  	_ =	swait.ge [sflag:s13], $0x80  }
0x2f: {  	[sflag:s13] =	ssyncset.done $0x0  }
0x30: {  	[sflag:s13] =	ssyncadd.s32 $0xFFFFFF80  }
0x31: {  	_ =	swait.ge [sflag:s13], $0x80  }
0x32: {  	[sflag:s13] =	ssyncset.done $0x0  }
0x33: {  	[sflag:s13] =	ssyncadd.s32 $0xFFFFFF80  }
0x34: {  	_ =	swait.ge [sflag:s13], $0x80  }
0x35: {  	[sflag:s13] =	ssyncset.done $0x0  }
0x36: {  	[sflag:s13] =	ssyncadd.s32 $0xFFFFFF80  }
0x37: {  	_ =	swait.ge [sflag:s13], $0x80  }
0x38: {  	[sflag:s13] =	ssyncset.done $0x0  }
0x39: {  	[sflag:s13] =	ssyncadd.s32 $0xFFFFFF80  }
0x3a: {  	_ =	swait.ge [sflag:s13], $0x80  }
0x3b: {  	[sflag:s13] =	ssyncset.done $0x0  }
0x3c: {  	[sflag:s13] =	ssyncadd.s32 $0xFFFFFF80  }
0x3d: {  	_ =	swait.ge [sflag:s13], $0x80  }
0x3e: {  	[sflag:s13] =	ssyncset.done $0x0  }
0x3f: {  	[sflag:s13] =	ssyncadd.s32 $0xFFFFFF80  }
0x40: {  	_ =	swait.ge [sflag:s13], $0x80  }
0x41: {  	[sflag:s13] =	ssyncset.done $0x0  }
0x42: {  	[sflag:s13] =	ssyncadd.s32 $0xFFFFFF80  }
0x43: {  	_ =	swait.ge [sflag:s13], $0x80  }
0x44: {  	s17 =	simm.s32 $0x2000;
	s15 =	simm.s32 $0x1000;
	[sflag:s13] =	ssyncset.done $0x0  }
.LBB2_2:
0x45: {  	s18 =	sshra.s32 s15, $0x2  }
0x46: {  	[sflag:s13] =	ssyncadd.s32 $0xFFFFFF80;
	s15 =	smov.u32 s17;
	s16 =	sadd.s32 $0x1000, s17  }
0x47: {  	[spmem:s2] =	stream.indirect.scatter.add.f32 [tilespmem:s12], [sflag:$0x1], $0x1, s18, s11, $0xb8;
	[tilespmem:$0xD500] =	vst v63  }
0x48: {  	p0 =	sne.s32 s17, $0x31000;
	s17 =	sadd.s32 $0x80, s18  }
0x49: {  	[spmem:s2] =	stream.indirect.scatter.add.f32 [tilespmem:s12], [sflag:$0x1], $0x1, s17, s11, $0xb8;
	[tilespmem:$0xD500] =	vst v63  }
0x4a: {  	s17 =	sadd.s32 $0x100, s18  }
0x4b: {  	[spmem:s2] =	stream.indirect.scatter.add.f32 [tilespmem:s12], [sflag:$0x1], $0x1, s17, s11, $0xb8;
	[tilespmem:$0xD500] =	vst v63  }
0x4c: {  	s17 =	sadd.s32 $0x180, s18  }
0x4d: {  	[spmem:s2] =	stream.indirect.scatter.add.f32 [tilespmem:s12], [sflag:$0x1], $0x1, s17, s11, $0xb8;
	[tilespmem:$0xD500] =	vst v63  }
0x4e: {  	s17 =	sadd.s32 $0x200, s18  }
0x4f: {  	[spmem:s2] =	stream.indirect.scatter.add.f32 [tilespmem:s12], [sflag:$0x1], $0x1, s17, s11, $0xb8;
	[tilespmem:$0xD500] =	vst v63  }
0x50: {  	s17 =	sadd.s32 $0x280, s18  }
0x51: {  	[spmem:s2] =	stream.indirect.scatter.add.f32 [tilespmem:s12], [sflag:$0x1], $0x1, s17, s11, $0xb8;
	[tilespmem:$0xD500] =	vst v63  }
0x52: {  	s17 =	sadd.s32 $0x300, s18  }
0x53: {  	[spmem:s2] =	stream.indirect.scatter.add.f32 [tilespmem:s12], [sflag:$0x1], $0x1, s17, s11, $0xb8;
	[tilespmem:$0xD500] =	vst v63  }
0x54: {  	s17 =	sadd.s32 $0x380, s18  }
0x55: {  	[spmem:s2] =	stream.indirect.scatter.add.f32 [tilespmem:s12], [sflag:$0x1], $0x1, s17, s11, $0xb8;
	[tilespmem:$0xD500] =	vst v63  }
0x56: {  	_ =	swait.ge [sflag:s13], $0x80  }
0x57: {  	[sflag:s13] =	ssyncset.done $0x0  }
0x58: {  	[sflag:s13] =	ssyncadd.s32 $0xFFFFFF80  }
0x59: {  	_ =	swait.ge [sflag:s13], $0x80  }
0x5a: {  	[sflag:s13] =	ssyncset.done $0x0  }
0x5b: {  	[sflag:s13] =	ssyncadd.s32 $0xFFFFFF80  }
0x5c: {  	_ =	swait.ge [sflag:s13], $0x80  }
0x5d: {  	[sflag:s13] =	ssyncset.done $0x0  }
0x5e: {  	[sflag:s13] =	ssyncadd.s32 $0xFFFFFF80  }
0x5f: {  	_ =	swait.ge [sflag:s13], $0x80  }
0x60: {  	[sflag:s13] =	ssyncset.done $0x0  }
0x61: {  	[sflag:s13] =	ssyncadd.s32 $0xFFFFFF80  }
0x62: {  	_ =	swait.ge [sflag:s13], $0x80  }
0x63: {  	[sflag:s13] =	ssyncset.done $0x0  }
0x64: {  	[sflag:s13] =	ssyncadd.s32 $0xFFFFFF80  }
0x65: {  	_ =	swait.ge [sflag:s13], $0x80  }
0x66: {  	[sflag:s13] =	ssyncset.done $0x0  }
0x67: {  	[sflag:s13] =	ssyncadd.s32 $0xFFFFFF80  }
.Ltmp0:
0x68: {  	_ =	swait.ge [sflag:s13], $0x80;
	(pc) =	sbr.rel @p0 .LBB2_2-.Ltmp0, $4  }
0x69: {  	[sflag:s13] =	ssyncset.done $0x0  }
0x6a: {  	[sflag:s13] =	ssyncadd.s32 $0xFFFFFF80  }
0x6b: {  	_ =	swait.ge [sflag:s13], $0x80  }
0x6c: {  	s17 =	smov.u32 s16;
	[sflag:s13] =	ssyncset.done $0x0  }
0x6d: {  	s15 =	sshra.s32 s15, $0x2;
	[sflag:s13] =	ssyncadd.s32 $0xFFFFFF80  }
0x6e: {  	[spmem:s2] =	stream.indirect.scatter.add.f32 [tilespmem:s12], [sflag:$0x1], $0x1, s15, s11, $0xb8;
	[tilespmem:$0xD500] =	vst v63  }
0x6f: {  	s16 =	sadd.s32 $0x80, s15  }
0x70: {  	[spmem:s2] =	stream.indirect.scatter.add.f32 [tilespmem:s12], [sflag:$0x1], $0x1, s16, s11, $0xb8;
	[tilespmem:$0xD500] =	vst v63  }
0x71: {  	s26 =	sadd.s32 $0x100, s15  }
0x72: {  	[spmem:s2] =	stream.indirect.scatter.add.f32 [tilespmem:s12], [sflag:$0x1], $0x1, s26, s11, $0xb8;
	[tilespmem:$0xD500] =	vst v63  }
0x73: {  	s28 =	sadd.s32 $0x180, s15  }
0x74: {  	[spmem:s2] =	stream.indirect.scatter.add.f32 [tilespmem:s12], [sflag:$0x1], $0x1, s28, s11, $0xb8;
	[tilespmem:$0xD500] =	vst v63  }
0x75: {  	s29 =	sadd.s32 $0x200, s15  }
0x76: {  	[spmem:s2] =	stream.indirect.scatter.add.f32 [tilespmem:s12], [sflag:$0x1], $0x1, s29, s11, $0xb8;
	[tilespmem:$0xD500] =	vst v63  }
0x77: {  	s30 =	sadd.s32 $0x280, s15  }
0x78: {  	[spmem:s2] =	stream.indirect.scatter.add.f32 [tilespmem:s12], [sflag:$0x1], $0x1, s30, s11, $0xb8;
	[tilespmem:$0xD500] =	vst v63  }
0x79: {  	s31 =	sadd.s32 $0x300, s15  }
0x7a: {  	[spmem:s2] =	stream.indirect.scatter.add.f32 [tilespmem:s12], [sflag:$0x1], $0x1, s31, s11, $0xb8;
	[tilespmem:$0xD500] =	vst v63  }
0x7b: {  	s15 =	sadd.s32 $0x380, s15  }
0x7c: {  	[spmem:s2] =	stream.indirect.scatter.add.f32 [tilespmem:s12], [sflag:$0x1], $0x1, s15, s11, $0xb8;
	[tilespmem:$0xD500] =	vst v63  }
0x7d: {  	_ =	swait.ge [sflag:s13], $0x80  }
0x7e: {  	[sflag:s13] =	ssyncset.done $0x0  }
0x7f: {  	[sflag:s13] =	ssyncadd.s32 $0xFFFFFF80  }
0x80: {  	_ =	swait.ge [sflag:s13], $0x80  }
0x81: {  	[sflag:s13] =	ssyncset.done $0x0  }
0x82: {  	[sflag:s13] =	ssyncadd.s32 $0xFFFFFF80  }
0x83: {  	_ =	swait.ge [sflag:s13], $0x80  }
0x84: {  	[sflag:s13] =	ssyncset.done $0x0  }
0x85: {  	[sflag:s13] =	ssyncadd.s32 $0xFFFFFF80  }
0x86: {  	_ =	swait.ge [sflag:s13], $0x80  }
0x87: {  	[sflag:s13] =	ssyncset.done $0x0  }
0x88: {  	[sflag:s13] =	ssyncadd.s32 $0xFFFFFF80  }
0x89: {  	_ =	swait.ge [sflag:s13], $0x80  }
0x8a: {  	[sflag:s13] =	ssyncset.done $0x0  }
0x8b: {  	[sflag:s13] =	ssyncadd.s32 $0xFFFFFF80  }
0x8c: {  	_ =	swait.ge [sflag:s13], $0x80  }
0x8d: {  	[sflag:s13] =	ssyncset.done $0x0  }
0x8e: {  	[sflag:s13] =	ssyncadd.s32 $0xFFFFFF80  }
0x8f: {  	_ =	swait.ge [sflag:s13], $0x80  }
0x90: {  	[sflag:s13] =	ssyncset.done $0x0  }
0x91: {  	[sflag:s13] =	ssyncadd.s32 $0xFFFFFF80  }
0x92: {  	_ =	swait.ge [sflag:s13], $0x80  }
0x93: {  	s14 =	sadd.s32 $0x1, s14;
	[sflag:s13] =	ssyncset.done $0x0  }
0x94: {  	p0 =	sne.s32 s14, s7;
	[sflag:s13] =	ssyncadd.s32 $0xFFFFFF80  }
.Ltmp1:
0x95: {  	[bflag:$0x0] =	sbarrier.arrive $0xFFFF;
	(pc) =	sbr.rel @p0 .LBB2_1-.Ltmp1, $4  }
0x96: {  	[hbm:s6], [sflag:s9] =	dma.local [spmem:s10], $0x190  }
0x97: {  	_ =	swait.ge [sflag:s8], $0x190  }
0x98: {  	[sflag:s8] =	ssyncset.done $0x0  }
0x99: {  	[sflag:s8] =	ssyncadd.s32 $0xFFFFFE70  }
0x9a: {  	_ =	sfence.sel $0x180000  }
0x9b: {  	[bflag:$0x0] =	sbarrier.arrive $0xFFFF  }
0x9c: {  	p0 =	sne.s32 s0, $0x0;
	_ =	strace $0x90000047  }
0x9d: {  	s0 =	sadd.s32 @!p0 $0x100000, s1;
	[bflag:$0x2] =	sbarrier.arrive $0xFFFF  }
0x9e: {  	[sflag:s0] =	ssyncadd.tile.s32 @!p0 $0x1;
	_ =	shalt  }
.Lfunc_end2:
_tile_overlayer_lowered:
.L_overlay_start_2:
0x9f: {  	(tag) =	ssettag $0x2  }
0xa0: {  	s0 =	rddreg [dreg:$0x0];
	s2 =	stileid.u32  }
0xa1: {  	s1 =	rddreg [dreg:$0x1];
	p0 =	sne.s32 s2, $0x0  }
0xa2: {  	s3 =	rddreg [dreg:$0x2];
	[bflag:$0x3] =	sbarrier.arrive $0xFFFF;
	s2 =	simm.s32 @!p0 $0x1C02  }
0xa3: {  	[timem:s3], [sflag:s2] =	dma.local @!p0 [hbm:s0], s1  }
0xa4: {  	s0 =	simm.s32 @!p0 $0x2  }
0xa5: {  	_ =	swait.ge @!p0 [sflag:s0], s1  }
0xa6: {  	s1 =	ssub.s32 @!p0 $0x0, s1;
	[sflag:s0] =	ssyncset.done @!p0 $0x0  }
0xa7: {  	[sflag:s0] =	ssyncadd.s32 @!p0 s1  }
0xa8: {  	[bflag:$0x3] =	sbarrier.arrive $0xFFFF  }
0xa9: {  	_ =	shalt  }

</sc_bundles>
